<compile_context>
chip_gen: v7x
topology: tpu7x:2x2x1
jax: 0.10.2.dev20260603
libtpu: 0.0.44.dev20260713+nightly
codegen_flags: <defaults>
</compile_context>

<pallas_src>
import functools
import math

import jax
import jax.numpy as jnp
import numpy as np
from jax.experimental import pallas as pl
from jax.experimental.pallas import tpu as pltpu

HIDDEN = 128
NHEADS = 16
DH = HIDDEN // NHEADS
NRG = 16
TI = 32
TJ = 64

_OFF = np.linspace(0.0, 10.0, NRG).astype(np.float32)
_COEFF = np.float32(-0.5 / (_OFF[1] - _OFF[0]) ** 2)


def _ln(z, g, be):
    mu = z.mean(-1, keepdims=True)
    var = jnp.mean(z * z, axis=-1, keepdims=True) - mu * mu
    return (z - mu) * (1.0 / jnp.sqrt(var + 1e-5)) * g + be


def _pick_tile(n, cap=1024):
    best = 8
    for d in range(8, cap + 1, 8):
        if n % d == 0:
            best = d
    return best


def _pre_kernel(h_ref, w_ref, vec_ref, q_ref, ahk_ref, ahv_ref, axv_ref,
                bhk_ref, bhv_ref, bxv_ref):
    h = h_ref[...]
    w = w_ref
    b1q = vec_ref[0:1, :]
    gq = vec_ref[1:2, :]
    beq = vec_ref[2:3, :]
    b2q = vec_ref[3:4, :]
    dot = functools.partial(jnp.dot, preferred_element_type=jnp.float32)
    z = dot(h, w[0:128, :]) + b1q
    z = jax.nn.relu(_ln(z, gq, beq))
    q_ref[...] = (dot(z, w[128:256, :]) + b2q) * (1.0 / np.sqrt(DH))
    ahk_ref[...] = dot(h, w[256:384, :])
    ahv_ref[...] = dot(h, w[384:512, :])
    axv_ref[...] = dot(h, w[512:640, :])
    bhk_ref[...] = dot(h, w[640:768, :]) + vec_ref[4:5, :]
    bhv_ref[...] = dot(h, w[768:896, :]) + vec_ref[5:6, :]
    bxv_ref[...] = dot(h, w[896:1024, :]) + vec_ref[6:7, :]


def _pair_kernel(s1_ref, n1_ref, s2_ref, n2_ref,
                 q_ref, bhk_ref, bhv_ref, bxv_ref, hdst_ref, xdst_ref, auxd_ref,
                 ahk_ref, ahv_ref, axv_ref, xsrc_ref, auxs_ref,
                 w1r_ref, w2hk_ref, w2hv_ref, w2xv_ref,
                 wno1a_ref, wno1b_ref, wno2_ref, vec_ref, h01_ref,
                 hout_ref, xout_ref):
    t = pl.program_id(0)

    dot = functools.partial(jnp.dot, preferred_element_type=jnp.float32)

    q = q_ref[...]
    bhk_i = bhk_ref[...]
    bhv_i = bhv_ref[...]
    bxv_i = bxv_ref[...]
    auxd = auxd_ref[...]
    b_i = auxd[:, 0:1]
    ml_i = auxd[:, 1:2]
    bi_eff = jnp.where(ml_i == 1, b_i, -1)
    bi_rep = jnp.broadcast_to(bi_eff, (TI, HIDDEN))
    xd = xdst_ref[...]
    xi0 = xd[:, 0:1]
    xi1 = xd[:, 1:2]
    xi2 = xd[:, 2:3]
    xi0_rep = jnp.broadcast_to(xi0, (TI, HIDDEN))
    xi1_rep = jnp.broadcast_to(xi1, (TI, HIDDEN))
    xi2_rep = jnp.broadcast_to(xi2, (TI, HIDDEN))

    g_hk = vec_ref[0:1, :]
    be_hk = vec_ref[1:2, :]
    b2_hk = vec_ref[2:3, :]
    g_hv = vec_ref[3:4, :]
    be_hv = vec_ref[4:5, :]
    b2_hv = vec_ref[5:6, :]
    g_xv = vec_ref[6:7, :]
    be_xv = vec_ref[7:8, :]
    b2_xv_rep = vec_ref[8:9, :]
    b1_no = vec_ref[9:10, :]
    g_no = vec_ref[10:11, :]
    be_no = vec_ref[11:12, :]
    b2_no = vec_ref[12:13, :]

    lane = jax.lax.broadcasted_iota(jnp.int32, (1, HIDDEN), 1)
    off_rep = (lane // DH).astype(jnp.float32) * np.float32(10.0 / (NRG - 1))
    rr = jax.lax.broadcasted_iota(jnp.int32, (HIDDEN, HIDDEN), 0) // DH
    cc = jax.lax.broadcasted_iota(jnp.int32, (HIDDEN, HIDDEN), 1) // DH
    s_head = (rr == cc).astype(jnp.float32)
    qb2 = dot(q * b2_hk, s_head)

    def _tile(j0, carry):
        m, l, accv, ax0, ax1, ax2 = carry
        auxj = auxs_ref[pl.ds(j0, TJ), :]
        bj_eff = jnp.where(auxj[:, 1:2] == 0, auxj[:, 0:1], -2)
        bj_rep = jnp.broadcast_to(bj_eff, (TJ, HIDDEN))
        mask3 = bi_rep[:, None, :] == bj_rep[None, :, :]
        ahk = ahk_ref[pl.ds(j0, TJ), :]
        ahv = ahv_ref[pl.ds(j0, TJ), :]
        axv = axv_ref[pl.ds(j0, TJ), :]
        xj = xsrc_ref[pl.ds(j0, TJ), :]
        xj0_rep = jnp.broadcast_to(xj[:, 0:1], (TJ, HIDDEN))
        xj1_rep = jnp.broadcast_to(xj[:, 1:2], (TJ, HIDDEN))
        xj2_rep = jnp.broadcast_to(xj[:, 2:3], (TJ, HIDDEN))

        rel0 = xi0_rep[:, None, :] - xj0_rep[None, :, :]
        rel1 = xi1_rep[:, None, :] - xj1_rep[None, :, :]
        rel2 = xi2_rep[:, None, :] - xj2_rep[None, :, :]
        dist = jnp.sqrt(rel0 * rel0 + rel1 * rel1 + rel2 * rel2)
        rf = jnp.exp(_COEFF * (dist - off_rep[None, :, :]) ** 2)
        r_all = dot(rf.reshape(TI * TJ, HIDDEN), w1r_ref[...])
        r_all = r_all.reshape(TI, TJ, 3 * HIDDEN)

        z = r_all[:, :, 0:HIDDEN] + ahk[None, :, :] + bhk_i[:, None, :]
        z = jax.nn.relu(_ln(z, g_hk, be_hk))
        k = dot(z.reshape(TI * TJ, HIDDEN), w2hk_ref[...])
        qk = (q[:, None, :] * k.reshape(TI, TJ, HIDDEN)).reshape(TI * TJ, HIDDEN)
        logit = jnp.where(
            mask3, dot(qk, s_head).reshape(TI, TJ, HIDDEN), -jnp.inf)

        tmax = logit.max(axis=1) + qb2
        m_new = jnp.maximum(m, tmax)
        m_sub = jnp.where(jnp.isfinite(m_new), m_new, 0.0)
        m_sub_prev = jnp.where(jnp.isfinite(m), m, 0.0)
        scale = jnp.where(jnp.isfinite(m), jnp.exp(m_sub_prev - m_sub), 0.0)
        p = jnp.exp(logit - (m_sub - qb2)[:, None, :])
        l_new = l * scale + p.sum(axis=1)

        z = r_all[:, :, HIDDEN:2 * HIDDEN] + ahv[None, :, :] + bhv_i[:, None, :]
        z = jax.nn.relu(_ln(z, g_hv, be_hv))
        v = dot(z.reshape(TI * TJ, HIDDEN), w2hv_ref[...])
        pv = (p * v.reshape(TI, TJ, HIDDEN)).sum(axis=1)
        accv_new = accv * scale + pv

        z = r_all[:, :, 2 * HIDDEN:3 * HIDDEN] + axv[None, :, :] + bxv_i[:, None, :]
        z = jax.nn.relu(_ln(z, g_xv, be_xv))
        xv = dot(z.reshape(TI * TJ, HIDDEN), w2xv_ref[...]) + b2_xv_rep
        w = p * xv.reshape(TI, TJ, HIDDEN)
        ax0_new = ax0 * scale + (w * rel0).sum(axis=1)
        ax1_new = ax1 * scale + (w * rel1).sum(axis=1)
        ax2_new = ax2 * scale + (w * rel2).sum(axis=1)
        return m_new, l_new, accv_new, ax0_new, ax1_new, ax2_new

    init = (jnp.full((TI, HIDDEN), -jnp.inf, jnp.float32),
            jnp.zeros((TI, HIDDEN), jnp.float32),
            jnp.zeros((TI, HIDDEN), jnp.float32),
            jnp.zeros((TI, HIDDEN), jnp.float32),
            jnp.zeros((TI, HIDDEN), jnp.float32),
            jnp.zeros((TI, HIDDEN), jnp.float32))
    s1 = s1_ref[t]
    s2 = s2_ref[t]
    carry = jax.lax.fori_loop(
        0, n1_ref[t], lambda s, c: _tile((s1 + s) * TJ, c), init)
    m, l, accv, ax0, ax1, ax2 = jax.lax.fori_loop(
        0, n2_ref[t], lambda s, c: _tile((s2 + s) * TJ, c), carry)

    denom = l + 1e-16
    attn_out = accv / denom + b2_hv * (l / denom)
    dx0 = (ax0 / denom).sum(axis=1, keepdims=True) * np.float32(1.0 / HIDDEN)
    dx1 = (ax1 / denom).sum(axis=1, keepdims=True) * np.float32(1.0 / HIDDEN)
    dx2 = (ax2 / denom).sum(axis=1, keepdims=True) * np.float32(1.0 / HIDDEN)
    xout_ref[...] = jnp.concatenate(
        [xi0 + dx0, xi1 + dx1, xi2 + dx2, xd[:, 3:8]], axis=1)

    hml = jnp.where(ml_i == 1, h01_ref[1:2, :], h01_ref[0:1, :])
    z = (dot(attn_out, wno1a_ref[...]) + dot(hml, wno1b_ref[...]) + b1_no)
    z = jax.nn.relu(_ln(z, g_no, be_no))
    hout_ref[...] = dot(z, wno2_ref[...]) + b2_no + hdst_ref[...]


def kernel(h, x, params, batch, edge_index, mask_ligand):
    n = h.shape[0]
    npad = -(-n // TJ) * TJ
    num_t = npad // TI
    pad = npad - n

    f32 = jnp.float32
    h = h.astype(f32)
    x = x.astype(f32)
    b32 = batch.astype(jnp.int32)
    ml32 = mask_ligand.astype(jnp.int32)

    perm = jnp.argsort(b32 * 2 + ml32, stable=True)
    inv = jnp.zeros((n,), jnp.int32).at[perm].set(
        jnp.arange(n, dtype=jnp.int32))
    hs = jnp.take(h, perm, axis=0)
    xs = jnp.take(x, perm, axis=0)
    bs = jnp.take(b32, perm)
    mls = jnp.take(ml32, perm)

    sentinel = np.int32(1 << 20)
    hp = jnp.pad(hs, ((0, pad), (0, 0)))
    xp = jnp.pad(xs, ((0, pad), (0, 5)))
    batch_p = jnp.pad(bs, (0, pad), constant_values=sentinel)
    ml_p = jnp.pad(mls, (0, pad))
    zcol = jnp.zeros((npad, 6), jnp.int32)
    auxd = jnp.concatenate([batch_p[:, None], ml_p[:, None], zcol], axis=1)

    p = params
    wpack = jnp.concatenate([
        p['hq_W1'], p['hq_W2'],
        p['hk_W1'][NRG:NRG + HIDDEN], p['hv_W1'][NRG:NRG + HIDDEN],
        p['xv_W1'][NRG:NRG + HIDDEN],
        p['hk_W1'][NRG + HIDDEN:], p['hv_W1'][NRG + HIDDEN:],
        p['xv_W1'][NRG + HIDDEN:],
    ], axis=0)
    vec_pre = jnp.stack([
        p['hq_b1'], p['hq_g'], p['hq_be'], p['hq_b2'],
        p['hk_b1'], p['hv_b1'], p['xv_b1'], jnp.zeros((HIDDEN,), f32)], axis=0)

    tp = _pick_tile(npad)
    node_out = tuple(jax.ShapeDtypeStruct((npad, HIDDEN), f32) for _ in range(7))
    blk = pl.BlockSpec((tp, HIDDEN), lambda i: (i, 0))
    q, ahk, ahv, axv, bhk, bhv, bxv = pl.pallas_call(
        _pre_kernel,
        grid=(npad // tp,),
        in_specs=[blk,
                  pl.BlockSpec((8 * HIDDEN, HIDDEN), lambda i: (0, 0)),
                  pl.BlockSpec((8, HIDDEN), lambda i: (0, 0))],
        out_specs=tuple(blk for _ in range(7)),
        out_shape=node_out,
    )(hp, wpack, vec_pre)

    key_p = batch_p * 2 + ml_p
    g_lo = jnp.min(jnp.where(ml_p == 1, batch_p, sentinel).reshape(num_t, TI),
                   axis=1)
    g_hi = jnp.max(jnp.where(ml_p == 1, batch_p, -1).reshape(num_t, TI),
                   axis=1)
    has_lig = g_hi >= 0
    r1_lo = jnp.searchsorted(key_p, 2 * g_lo, side='left').astype(jnp.int32)
    r1_hi = jnp.searchsorted(key_p, 2 * g_lo + 1, side='left').astype(jnp.int32)
    r2_lo = jnp.searchsorted(key_p, 2 * g_lo + 2, side='left').astype(jnp.int32)
    r2_hi = jnp.searchsorted(key_p, 2 * g_hi + 1, side='left').astype(jnp.int32)
    start1 = r1_lo // TJ
    num1 = jnp.where(has_lig & (r1_hi > r1_lo), -(-r1_hi // TJ) - start1, 0)
    start2 = r2_lo // TJ
    num2 = jnp.where(has_lig & (g_hi > g_lo) & (r2_hi > r2_lo),
                     -(-r2_hi // TJ) - start2, 0)

    w1r = jnp.concatenate(
        [p['hk_W1'][:NRG], p['hv_W1'][:NRG], p['xv_W1'][:NRG]], axis=1)
    w1r_rep = jnp.broadcast_to(
        w1r[:, None, :] * np.float32(1.0 / DH),
        (NRG, DH, 3 * HIDDEN)).reshape(HIDDEN, 3 * HIDDEN)
    w2xv_rep = jnp.broadcast_to(
        p['xv_W2'][:, :, None], (HIDDEN, NHEADS, DH)).reshape(HIDDEN, HIDDEN)
    b2xv_rep = jnp.broadcast_to(
        p['xv_b2'][:, None], (NHEADS, DH)).reshape(HIDDEN)
    vec_pair = jnp.stack([
        p['hk_g'], p['hk_be'], p['hk_b2'],
        p['hv_g'], p['hv_be'], p['hv_b2'],
        p['xv_g'], p['xv_be'], b2xv_rep,
        p['no_b1'], p['no_g'], p['no_be'], p['no_b2'],
        jnp.zeros((HIDDEN,), f32), jnp.zeros((HIDDEN,), f32),
        jnp.zeros((HIDDEN,), f32)], axis=0)
    h01 = jnp.pad(h[0:2], ((0, 6), (0, 0)))

    dstH = pl.BlockSpec((TI, HIDDEN), lambda t, *_: (t, 0))
    dst8 = pl.BlockSpec((TI, 8), lambda t, *_: (t, 0))
    full = lambda r, c: pl.BlockSpec((r, c), lambda t, *_: (0, 0))

    grid_spec = pltpu.PrefetchScalarGridSpec(
        num_scalar_prefetch=4,
        grid=(num_t,),
        in_specs=[dstH, dstH, dstH, dstH, dstH, dst8, dst8,
                  full(npad, HIDDEN), full(npad, HIDDEN), full(npad, HIDDEN),
                  full(npad, 8), full(npad, 8),
                  full(HIDDEN, 3 * HIDDEN), full(HIDDEN, HIDDEN),
                  full(HIDDEN, HIDDEN), full(HIDDEN, HIDDEN),
                  full(HIDDEN, HIDDEN), full(HIDDEN, HIDDEN),
                  full(HIDDEN, HIDDEN), full(16, HIDDEN), full(8, HIDDEN)],
        out_specs=[dstH, dst8],
    )
    hout, xout = pl.pallas_call(
        _pair_kernel,
        grid_spec=grid_spec,
        out_shape=(jax.ShapeDtypeStruct((npad, HIDDEN), f32),
                   jax.ShapeDtypeStruct((npad, 8), f32)),
        compiler_params=pltpu.CompilerParams(
            dimension_semantics=("arbitrary",),
            vmem_limit_bytes=128 * 1024 * 1024),
    )(start1, num1, start2, num2,
      q, bhk, bhv, bxv, hp, xp, auxd,
      ahk, ahv, axv, xp, auxd,
      w1r_rep, p['hk_W2'], p['hv_W2'], w2xv_rep,
      p['no_W1'][:HIDDEN], p['no_W1'][HIDDEN:], p['no_W2'], vec_pair, h01)

    return jnp.take(hout[:n], inv, axis=0), jnp.take(xout[:n, :3], inv, axis=0)

# --- scband reference (transcript-rebuilt; emitter-appended) ---
"""Pipeline reference for scband-attention-layer-o2-two-update-node-general-cross-87548613362080 (READ-ONLY COPY).

The authoritative reference and input builder live on the scoring server;
editing this copy changes nothing except your own understanding.
"""

import jax, jax.numpy as jnp
import numpy as np

N = 8000
HIDDEN = 128
NHEADS = 16
NRG = 16
NGRAPH = 32
NEDGE_DUMMY = 100000


def _mlp(x, p, pre):
    h = x @ p[pre + '_W1'] + p[pre + '_b1']
    mu = h.mean(-1, keepdims=True)
    var = jnp.mean((h - mu) ** 2, axis=-1, keepdims=True)
    h = (h - mu) / jnp.sqrt(var + 1e-5) * p[pre + '_g'] + p[pre + '_be']
    h = jax.nn.relu(h)
    return h @ p[pre + '_W2'] + p[pre + '_b2']


def _gaussian_smearing(dist):
    off = jnp.linspace(0.0, 10.0, NRG)
    coeff = -0.5 / (off[1] - off[0]) ** 2
    return jnp.exp(coeff * (dist - off) ** 2)


def _outer_product(*vectors):
    out = vectors[0][..., None]
    for v in vectors[1:]:
        out = out * v[:, None, :]
    return out.reshape(out.shape[0], -1)


def _scatter_softmax(src, idx, n):
    mx = jax.ops.segment_max(src, idx, num_segments=n)
    mx = jnp.where(jnp.isfinite(mx), mx, 0.0)
    e = jnp.exp(src - mx[idx])
    s = jax.ops.segment_sum(e, idx, num_segments=n)
    return e / (s[idx] + 1e-16)


def _build_edges(batch, mask_ligand):
    same = batch[:, None] == batch[None, :]
    lig_dst = mask_ligand[:, None] == 1
    prot_src = mask_ligand[None, :] == 0
    return same & lig_dst & prot_src


def _x2h_layer(h_in, x, mask_ligand, pair_mask, p):
    n = h_in.shape[0]
    dh = HIDDEN // NHEADS
    q = _mlp(h_in, p, 'hq').reshape(-1, NHEADS, dh)
    chunk = 50
    idx = jnp.arange(n).reshape(-1, chunk)

    def step(carry, li):
        x_l = x[li]
        rel = (x_l[:, None, :] - x[None, :, :]).reshape(-1, 3)
        dist = jnp.linalg.norm(rel, axis=-1, keepdims=True)
        r_feat = _outer_product(_gaussian_smearing(dist))
        hi = jnp.broadcast_to(h_in[None, :, :], (chunk, n, HIDDEN)).reshape(-1, HIDDEN)
        hj = jnp.broadcast_to(h_in[li][:, None, :], (chunk, n, HIDDEN)).reshape(-1, HIDDEN)
        kv = jnp.concatenate([r_feat, hi, hj], axis=-1)
        k = _mlp(kv, p, 'hk').reshape(chunk, n, NHEADS, dh)
        logit = (q[li][:, None, :, :] * k / np.sqrt(dh)).sum(-1)
        m = pair_mask[li][:, :, None]
        logit = jnp.where(m, logit, -jnp.inf)
        mx = logit.max(axis=1)
        mx = jnp.where(jnp.isfinite(mx), mx, 0.0)
        e = jnp.exp(logit - mx[:, None, :])
        s = e.sum(axis=1)
        alpha = e / (s[:, None, :] + 1e-16)
        v = _mlp(kv, p, 'hv').reshape(chunk, n, NHEADS, dh)
        x_v = _mlp(kv, p, 'xv').reshape(chunk, n, NHEADS)
        x_v = x_v[..., None] * rel.reshape(chunk, n, 1, 3)
        out_c = (alpha[..., None] * v).sum(axis=1).reshape(chunk, HIDDEN)
        out_x_c = (alpha[..., None] * x_v).sum(axis=1)
        return carry, (out_c, out_x_c)

    _, (out, out_x) = jax.lax.scan(step, None, idx)
    out = out.reshape(n, HIDDEN)
    out_x = out_x.reshape(n, NHEADS, 3)
    out = _mlp(jnp.concatenate([out, h_in[mask_ligand]], axis=-1), p, 'no')
    out = out + h_in
    return out, out_x.mean(1)


def setup_inputs(seed: int = 0) -> dict:
    key = jax.random.key(seed)
    ks = jax.random.split(key, 12)
    h = jax.random.normal(ks[0], (N, HIDDEN), dtype=jnp.float32)
    x = jax.random.normal(ks[1], (N, 3), dtype=jnp.float32)
    batch = jnp.sort(jax.random.randint(ks[2], (N,), 0, NGRAPH))
    mask_ligand = jax.random.randint(ks[3], (N,), 0, 2)
    edge_index = jax.random.randint(ks[4], (2, NEDGE_DUMMY), 0, N)
    params = {}
    def mk(pre, din, dhid, dout, k):
        k1, k2 = jax.random.split(k)
        params[pre + '_W1'] = jax.random.normal(k1, (din, dhid), dtype=jnp.float32) * 0.05
        params[pre + '_b1'] = jnp.zeros((dhid,), jnp.float32)
        params[pre + '_g'] = jnp.ones((dhid,), jnp.float32)
        params[pre + '_be'] = jnp.zeros((dhid,), jnp.float32)
        params[pre + '_W2'] = jax.random.normal(k2, (dhid, dout), dtype=jnp.float32) * 0.05
        params[pre + '_b2'] = jnp.zeros((dout,), jnp.float32)
    kvdim = 2 * HIDDEN + NRG
    mk('hk', kvdim, HIDDEN, HIDDEN, ks[5])
    mk('hv', kvdim, HIDDEN, HIDDEN, ks[6])
    mk('xv', kvdim, HIDDEN, NHEADS, ks[7])
    mk('hq', HIDDEN, HIDDEN, HIDDEN, ks[8])
    mk('no', 2 * HIDDEN, HIDDEN, HIDDEN, ks[9])
    return {'h': h, 'x': x, 'params': params, 'batch': batch, 'edge_index': edge_index, 'mask_ligand': mask_ligand}


def reference(h, x, params, batch, edge_index, mask_ligand):
    # edge_index arg is accepted but (as in the torch module) not used;
    # dense protein-ligand bipartite edges are rebuilt from batch/mask_ligand.
    pair_mask = _build_edges(batch, mask_ligand)
    h_in = h
    h_out, delta_x = _x2h_layer(h_in, x, mask_ligand, pair_mask, params)
    x = x + delta_x
    return (h_out, x)

if __name__ == "__main__":
    import jax
    _d = setup_inputs()
    print(jax.jit(kernel)(*tuple(_d.values())))

</pallas_src>

<mosaic_0001>
module attributes {stable_mosaic.version = 14 : i64} {
  func.func @_pre_kernel(%arg0: i32, %arg1: memref<1000x128xf32, #tpu.memory_space<vmem>>, %arg2: memref<1024x128xf32, #tpu.memory_space<vmem>>, %arg3: memref<8x128xf32, #tpu.memory_space<vmem>>, %arg4: memref<1000x128xf32, #tpu.memory_space<vmem>>, %arg5: memref<1000x128xf32, #tpu.memory_space<vmem>>, %arg6: memref<1000x128xf32, #tpu.memory_space<vmem>>, %arg7: memref<1000x128xf32, #tpu.memory_space<vmem>>, %arg8: memref<1000x128xf32, #tpu.memory_space<vmem>>, %arg9: memref<1000x128xf32, #tpu.memory_space<vmem>>, %arg10: memref<1000x128xf32, #tpu.memory_space<vmem>>) attributes {dimension_semantics = [#tpu.dimension_semantics<arbitrary>], iteration_bounds = array<i64: 8>, scalar_prefetch = 0 : i64, scratch_operands = 0 : i64, tpu.core_type = #tpu.core_type<tc>, window_params = [{transform_indices = @transform_0, window_bounds = array<i64: 1000, 128>}, {pipeline_mode = #tpu.pipeline_mode<synchronous>, transform_indices = @transform_1, window_bounds = array<i64: 1024, 128>}, {pipeline_mode = #tpu.pipeline_mode<synchronous>, transform_indices = @transform_2, window_bounds = array<i64: 8, 128>}, {transform_indices = @transform_3, window_bounds = array<i64: 1000, 128>}, {transform_indices = @transform_4, window_bounds = array<i64: 1000, 128>}, {transform_indices = @transform_5, window_bounds = array<i64: 1000, 128>}, {transform_indices = @transform_6, window_bounds = array<i64: 1000, 128>}, {transform_indices = @transform_7, window_bounds = array<i64: 1000, 128>}, {transform_indices = @transform_8, window_bounds = array<i64: 1000, 128>}, {transform_indices = @transform_9, window_bounds = array<i64: 1000, 128>}]} {
    %get3A = arith.constant 0 : index
    %get3A_0 = arith.constant 0 : index
    %get3A_1 = vector.load %arg1[%get3A, %get3A_0] : memref<1000x128xf32, #tpu.memory_space<vmem>>, vector<1000x128xf32>
    %get3A_2 = arith.constant 0 : index
    %get3A_3 = arith.constant 0 : index
    %get3A_4 = vector.load %arg3[%get3A_2, %get3A_3] : memref<8x128xf32, #tpu.memory_space<vmem>>, vector<1x128xf32>
    %get3A_5 = arith.constant 1 : index
    %get3A_6 = arith.constant 0 : index
    %get3A_7 = vector.load %arg3[%get3A_5, %get3A_6] : memref<8x128xf32, #tpu.memory_space<vmem>>, vector<1x128xf32>
    %get3A_8 = arith.constant 2 : index
    %get3A_9 = arith.constant 0 : index
    %get3A_10 = vector.load %arg3[%get3A_8, %get3A_9] : memref<8x128xf32, #tpu.memory_space<vmem>>, vector<1x128xf32>
    %get3A_11 = arith.constant 3 : index
    %get3A_12 = arith.constant 0 : index
    %get3A_13 = vector.load %arg3[%get3A_11, %get3A_12] : memref<8x128xf32, #tpu.memory_space<vmem>>, vector<1x128xf32>
    %get3A_14 = arith.constant 0 : index
    %get3A_15 = arith.constant 0 : index
    %get3A_16 = vector.load %arg2[%get3A_14, %get3A_15] : memref<1024x128xf32, #tpu.memory_space<vmem>>, vector<128x128xf32>
    %dot_general3A = arith.constant dense<0.000000e+00> : vector<1000x128xf32>
    %dot_general3A_17 = tpu.matmul %get3A_1, %get3A_16, %dot_general3A {dimension_numbers = #tpu.dot_dimension_numbers<[1], [0], [0], [1], [0, 0, 1, 1], [], []>, transpose_lhs_hint = false} : vector<1000x128xf32>, vector<128x128xf32>, vector<1000x128xf32> -> vector<1000x128xf32>
    %add3A = vector.broadcast %get3A_4 : vector<1x128xf32> to vector<1000x128xf32>
    %add3A_18 = arith.addf %dot_general3A_17, %add3A : vector<1000x128xf32>
    %reduce_sum3A = arith.constant dense<0.000000e+00> : vector<1000xf32>
    %reduce_sum3A_19 = vector.multi_reduction <add>, %add3A_18, %reduce_sum3A [1] : vector<1000x128xf32> to vector<1000xf32>
    %broadcast_in_dim3A = vector.shape_cast %reduce_sum3A_19 : vector<1000xf32> to vector<1000x1xf32>
    %div3A = arith.constant 1.280000e+02 : f32
    %div3A_20 = vector.broadcast %div3A : f32 to vector<1000x1xf32>
    %div3A_21 = arith.divf %broadcast_in_dim3A, %div3A_20 : vector<1000x1xf32>
    %mul3A = arith.mulf %add3A_18, %add3A_18 : vector<1000x128xf32>
    %reduce_sum3A_22 = arith.constant dense<0.000000e+00> : vector<1000xf32>
    %reduce_sum3A_23 = vector.multi_reduction <add>, %mul3A, %reduce_sum3A_22 [1] : vector<1000x128xf32> to vector<1000xf32>
    %broadcast_in_dim3A_24 = vector.shape_cast %reduce_sum3A_23 : vector<1000xf32> to vector<1000x1xf32>
    %div3A_25 = arith.constant 1.280000e+02 : f32
    %div3A_26 = vector.broadcast %div3A_25 : f32 to vector<1000x1xf32>
    %div3A_27 = arith.divf %broadcast_in_dim3A_24, %div3A_26 : vector<1000x1xf32>
    %mul3A_28 = arith.mulf %div3A_21, %div3A_21 : vector<1000x1xf32>
    %sub3A = arith.subf %div3A_27, %mul3A_28 : vector<1000x1xf32>
    %sub3A_29 = vector.broadcast %div3A_21 : vector<1000x1xf32> to vector<1000x128xf32>
    %sub3A_30 = arith.subf %add3A_18, %sub3A_29 : vector<1000x128xf32>
    %add3A_31 = arith.constant 9.99999974E-6 : f32
    %add3A_32 = vector.broadcast %add3A_31 : f32 to vector<1000x1xf32>
    %add3A_33 = arith.addf %sub3A, %add3A_32 : vector<1000x1xf32>
    %sqrt3A = math.sqrt %add3A_33 : vector<1000x1xf32>
    %div3A_34 = arith.constant 1.000000e+00 : f32
    %div3A_35 = vector.broadcast %div3A_34 : f32 to vector<1000x1xf32>
    %div3A_36 = arith.divf %div3A_35, %sqrt3A : vector<1000x1xf32>
    %mul3A_37 = vector.broadcast %div3A_36 : vector<1000x1xf32> to vector<1000x128xf32>
    %mul3A_38 = arith.mulf %sub3A_30, %mul3A_37 : vector<1000x128xf32>
    %mul3A_39 = vector.broadcast %get3A_7 : vector<1x128xf32> to vector<1000x128xf32>
    %mul3A_40 = arith.mulf %mul3A_38, %mul3A_39 : vector<1000x128xf32>
    %add3A_41 = vector.broadcast %get3A_10 : vector<1x128xf32> to vector<1000x128xf32>
    %add3A_42 = arith.addf %mul3A_40, %add3A_41 : vector<1000x128xf32>
    %max3A = arith.constant 0.000000e+00 : f32
    %max3A_43 = vector.broadcast %max3A : f32 to vector<1000x128xf32>
    %max3A_44 = arith.maximumf %add3A_42, %max3A_43 : vector<1000x128xf32>
    %get3A_45 = arith.constant 128 : index
    %get3A_46 = arith.constant 0 : index
    %get3A_47 = vector.load %arg2[%get3A_45, %get3A_46] : memref<1024x128xf32, #tpu.memory_space<vmem>>, vector<128x128xf32>
    %dot_general3A_48 = arith.constant dense<0.000000e+00> : vector<1000x128xf32>
    %dot_general3A_49 = tpu.matmul %max3A_44, %get3A_47, %dot_general3A_48 {dimension_numbers = #tpu.dot_dimension_numbers<[1], [0], [0], [1], [0, 0, 1, 1], [], []>, transpose_lhs_hint = false} : vector<1000x128xf32>, vector<128x128xf32>, vector<1000x128xf32> -> vector<1000x128xf32>
    %add3A_50 = vector.broadcast %get3A_13 : vector<1x128xf32> to vector<1000x128xf32>
    %add3A_51 = arith.addf %dot_general3A_49, %add3A_50 : vector<1000x128xf32>
    %mul3A_52 = arith.constant 0.353553385 : f32
    %mul3A_53 = vector.broadcast %mul3A_52 : f32 to vector<1000x128xf32>
    %mul3A_54 = arith.mulf %add3A_51, %mul3A_53 : vector<1000x128xf32>
    %swap3A = arith.constant 0 : index
    %swap3A_55 = arith.constant 0 : index
    %swap3A_56 = vector.load %arg4[%swap3A, %swap3A_55] : memref<1000x128xf32, #tpu.memory_space<vmem>>, vector<1000x128xf32>
    tpu.vector_store %arg4[%swap3A, %swap3A_55], %mul3A_54 {strides = array<i32>} : memref<1000x128xf32, #tpu.memory_space<vmem>>, vector<1000x128xf32>,
    %get3A_57 = arith.constant 256 : index
    %get3A_58 = arith.constant 0 : index
    %get3A_59 = vector.load %arg2[%get3A_57, %get3A_58] : memref<1024x128xf32, #tpu.memory_space<vmem>>, vector<128x128xf32>
    %dot_general3A_60 = arith.constant dense<0.000000e+00> : vector<1000x128xf32>
    %dot_general3A_61 = tpu.matmul %get3A_1, %get3A_59, %dot_general3A_60 {dimension_numbers = #tpu.dot_dimension_numbers<[1], [0], [0], [1], [0, 0, 1, 1], [], []>, transpose_lhs_hint = false} : vector<1000x128xf32>, vector<128x128xf32>, vector<1000x128xf32> -> vector<1000x128xf32>
    %swap3A_62 = arith.constant 0 : index
    %swap3A_63 = arith.constant 0 : index
    %swap3A_64 = vector.load %arg5[%swap3A_62, %swap3A_63] : memref<1000x128xf32, #tpu.memory_space<vmem>>, vector<1000x128xf32>
    tpu.vector_store %arg5[%swap3A_62, %swap3A_63], %dot_general3A_61 {strides = array<i32>} : memref<1000x128xf32, #tpu.memory_space<vmem>>, vector<1000x128xf32>,
    %get3A_65 = arith.constant 384 : index
    %get3A_66 = arith.constant 0 : index
    %get3A_67 = vector.load %arg2[%get3A_65, %get3A_66] : memref<1024x128xf32, #tpu.memory_space<vmem>>, vector<128x128xf32>
    %dot_general3A_68 = arith.constant dense<0.000000e+00> : vector<1000x128xf32>
    %dot_general3A_69 = tpu.matmul %get3A_1, %get3A_67, %dot_general3A_68 {dimension_numbers = #tpu.dot_dimension_numbers<[1], [0], [0], [1], [0, 0, 1, 1], [], []>, transpose_lhs_hint = false} : vector<1000x128xf32>, vector<128x128xf32>, vector<1000x128xf32> -> vector<1000x128xf32>
    %swap3A_70 = arith.constant 0 : index
    %swap3A_71 = arith.constant 0 : index
    %swap3A_72 = vector.load %arg6[%swap3A_70, %swap3A_71] : memref<1000x128xf32, #tpu.memory_space<vmem>>, vector<1000x128xf32>
    tpu.vector_store %arg6[%swap3A_70, %swap3A_71], %dot_general3A_69 {strides = array<i32>} : memref<1000x128xf32, #tpu.memory_space<vmem>>, vector<1000x128xf32>,
    %get3A_73 = arith.constant 512 : index
    %get3A_74 = arith.constant 0 : index
    %get3A_75 = vector.load %arg2[%get3A_73, %get3A_74] : memref<1024x128xf32, #tpu.memory_space<vmem>>, vector<128x128xf32>
    %dot_general3A_76 = arith.constant dense<0.000000e+00> : vector<1000x128xf32>
    %dot_general3A_77 = tpu.matmul %get3A_1, %get3A_75, %dot_general3A_76 {dimension_numbers = #tpu.dot_dimension_numbers<[1], [0], [0], [1], [0, 0, 1, 1], [], []>, transpose_lhs_hint = false} : vector<1000x128xf32>, vector<128x128xf32>, vector<1000x128xf32> -> vector<1000x128xf32>
    %swap3A_78 = arith.constant 0 : index
    %swap3A_79 = arith.constant 0 : index
    %swap3A_80 = vector.load %arg7[%swap3A_78, %swap3A_79] : memref<1000x128xf32, #tpu.memory_space<vmem>>, vector<1000x128xf32>
    tpu.vector_store %arg7[%swap3A_78, %swap3A_79], %dot_general3A_77 {strides = array<i32>} : memref<1000x128xf32, #tpu.memory_space<vmem>>, vector<1000x128xf32>,
    %get3A_81 = arith.constant 640 : index
    %get3A_82 = arith.constant 0 : index
    %get3A_83 = vector.load %arg2[%get3A_81, %get3A_82] : memref<1024x128xf32, #tpu.memory_space<vmem>>, vector<128x128xf32>
    %dot_general3A_84 = arith.constant dense<0.000000e+00> : vector<1000x128xf32>
    %dot_general3A_85 = tpu.matmul %get3A_1, %get3A_83, %dot_general3A_84 {dimension_numbers = #tpu.dot_dimension_numbers<[1], [0], [0], [1], [0, 0, 1, 1], [], []>, transpose_lhs_hint = false} : vector<1000x128xf32>, vector<128x128xf32>, vector<1000x128xf32> -> vector<1000x128xf32>
    %get3A_86 = arith.constant 4 : index
    %get3A_87 = arith.constant 0 : index
    %get3A_88 = vector.load %arg3[%get3A_86, %get3A_87] : memref<8x128xf32, #tpu.memory_space<vmem>>, vector<1x128xf32>
    %add3A_89 = vector.broadcast %get3A_88 : vector<1x128xf32> to vector<1000x128xf32>
    %add3A_90 = arith.addf %dot_general3A_85, %add3A_89 : vector<1000x128xf32>
    %swap3A_91 = arith.constant 0 : index
    %swap3A_92 = arith.constant 0 : index
    %swap3A_93 = vector.load %arg8[%swap3A_91, %swap3A_92] : memref<1000x128xf32, #tpu.memory_space<vmem>>, vector<1000x128xf32>
    tpu.vector_store %arg8[%swap3A_91, %swap3A_92], %add3A_90 {strides = array<i32>} : memref<1000x128xf32, #tpu.memory_space<vmem>>, vector<1000x128xf32>,
    %get3A_94 = arith.constant 768 : index
    %get3A_95 = arith.constant 0 : index
    %get3A_96 = vector.load %arg2[%get3A_94, %get3A_95] : memref<1024x128xf32, #tpu.memory_space<vmem>>, vector<128x128xf32>
    %dot_general3A_97 = arith.constant dense<0.000000e+00> : vector<1000x128xf32>
    %dot_general3A_98 = tpu.matmul %get3A_1, %get3A_96, %dot_general3A_97 {dimension_numbers = #tpu.dot_dimension_numbers<[1], [0], [0], [1], [0, 0, 1, 1], [], []>, transpose_lhs_hint = false} : vector<1000x128xf32>, vector<128x128xf32>, vector<1000x128xf32> -> vector<1000x128xf32>
    %get3A_99 = arith.constant 5 : index
    %get3A_100 = arith.constant 0 : index
    %get3A_101 = vector.load %arg3[%get3A_99, %get3A_100] : memref<8x128xf32, #tpu.memory_space<vmem>>, vector<1x128xf32>
    %add3A_102 = vector.broadcast %get3A_101 : vector<1x128xf32> to vector<1000x128xf32>
    %add3A_103 = arith.addf %dot_general3A_98, %add3A_102 : vector<1000x128xf32>
    %swap3A_104 = arith.constant 0 : index
    %swap3A_105 = arith.constant 0 : index
    %swap3A_106 = vector.load %arg9[%swap3A_104, %swap3A_105] : memref<1000x128xf32, #tpu.memory_space<vmem>>, vector<1000x128xf32>
    tpu.vector_store %arg9[%swap3A_104, %swap3A_105], %add3A_103 {strides = array<i32>} : memref<1000x128xf32, #tpu.memory_space<vmem>>, vector<1000x128xf32>,
    %get3A_107 = arith.constant 896 : index
    %get3A_108 = arith.constant 0 : index
    %get3A_109 = vector.load %arg2[%get3A_107, %get3A_108] : memref<1024x128xf32, #tpu.memory_space<vmem>>, vector<128x128xf32>
    %dot_general3A_110 = arith.constant dense<0.000000e+00> : vector<1000x128xf32>
    %dot_general3A_111 = tpu.matmul %get3A_1, %get3A_109, %dot_general3A_110 {dimension_numbers = #tpu.dot_dimension_numbers<[1], [0], [0], [1], [0, 0, 1, 1], [], []>, transpose_lhs_hint = false} : vector<1000x128xf32>, vector<128x128xf32>, vector<1000x128xf32> -> vector<1000x128xf32>
    %get3A_112 = arith.constant 6 : index
    %get3A_113 = arith.constant 0 : index
    %get3A_114 = vector.load %arg3[%get3A_112, %get3A_113] : memref<8x128xf32, #tpu.memory_space<vmem>>, vector<1x128xf32>
    %add3A_115 = vector.broadcast %get3A_114 : vector<1x128xf32> to vector<1000x128xf32>
    %add3A_116 = arith.addf %dot_general3A_111, %add3A_115 : vector<1000x128xf32>
    %swap3A_117 = arith.constant 0 : index
    %swap3A_118 = arith.constant 0 : index
    %swap3A_119 = vector.load %arg10[%swap3A_117, %swap3A_118] : memref<1000x128xf32, #tpu.memory_space<vmem>>, vector<1000x128xf32>
    tpu.vector_store %arg10[%swap3A_117, %swap3A_118], %add3A_116 {strides = array<i32>} : memref<1000x128xf32, #tpu.memory_space<vmem>>, vector<1000x128xf32>,
    return
  }
  func.func @transform_0(%arg0: i32) -> (i32, i32) {
    %c0_i32 = arith.constant 0 : i32
    %c0_i32_0 = arith.constant 0 : i32
    return %arg0, %c0_i32 : i32, i32
  }
  func.func @transform_1(%arg0: i32) -> (i32, i32) {
    %c0_i32 = arith.constant 0 : i32
    %c0_i32_0 = arith.constant 0 : i32
    %c0_i32_1 = arith.constant 0 : i32
    return %c0_i32, %c0_i32_0 : i32, i32
  }
  func.func @transform_2(%arg0: i32) -> (i32, i32) {
    %c0_i32 = arith.constant 0 : i32
    %c0_i32_0 = arith.constant 0 : i32
    %c0_i32_1 = arith.constant 0 : i32
    return %c0_i32, %c0_i32_0 : i32, i32
  }
  func.func @transform_3(%arg0: i32) -> (i32, i32) {
    %c0_i32 = arith.constant 0 : i32
    %c0_i32_0 = arith.constant 0 : i32
    return %arg0, %c0_i32 : i32, i32
  }
  func.func @transform_4(%arg0: i32) -> (i32, i32) {
    %c0_i32 = arith.constant 0 : i32
    %c0_i32_0 = arith.constant 0 : i32
    return %arg0, %c0_i32 : i32, i32
  }
  func.func @transform_5(%arg0: i32) -> (i32, i32) {
    %c0_i32 = arith.constant 0 : i32
    %c0_i32_0 = arith.constant 0 : i32
    return %arg0, %c0_i32 : i32, i32
  }
  func.func @transform_6(%arg0: i32) -> (i32, i32) {
    %c0_i32 = arith.constant 0 : i32
    %c0_i32_0 = arith.constant 0 : i32
    return %arg0, %c0_i32 : i32, i32
  }
  func.func @transform_7(%arg0: i32) -> (i32, i32) {
    %c0_i32 = arith.constant 0 : i32
    %c0_i32_0 = arith.constant 0 : i32
    return %arg0, %c0_i32 : i32, i32
  }
  func.func @transform_8(%arg0: i32) -> (i32, i32) {
    %c0_i32 = arith.constant 0 : i32
    %c0_i32_0 = arith.constant 0 : i32
    return %arg0, %c0_i32 : i32, i32
  }
  func.func @transform_9(%arg0: i32) -> (i32, i32) {
    %c0_i32 = arith.constant 0 : i32
    %c0_i32_0 = arith.constant 0 : i32
    return %arg0, %c0_i32 : i32, i32
  }
}

module attributes {stable_mosaic.version = 14 : i64} {
  func.func @_pair_kernel(%arg0: i32, %arg1: memref<250xi32, #tpu.memory_space<smem>>, %arg2: memref<250xi32, #tpu.memory_space<smem>>, %arg3: memref<250xi32, #tpu.memory_space<smem>>, %arg4: memref<250xi32, #tpu.memory_space<smem>>, %arg5: memref<32x128xf32, #tpu.memory_space<vmem>>, %arg6: memref<32x128xf32, #tpu.memory_space<vmem>>, %arg7: memref<32x128xf32, #tpu.memory_space<vmem>>, %arg8: memref<32x128xf32, #tpu.memory_space<vmem>>, %arg9: memref<32x128xf32, #tpu.memory_space<vmem>>, %arg10: memref<32x8xf32, #tpu.memory_space<vmem>>, %arg11: memref<32x8xi32, #tpu.memory_space<vmem>>, %arg12: memref<8000x128xf32, #tpu.memory_space<vmem>>, %arg13: memref<8000x128xf32, #tpu.memory_space<vmem>>, %arg14: memref<8000x128xf32, #tpu.memory_space<vmem>>, %arg15: memref<8000x8xf32, #tpu.memory_space<vmem>>, %arg16: memref<8000x8xi32, #tpu.memory_space<vmem>>, %arg17: memref<128x384xf32, #tpu.memory_space<vmem>>, %arg18: memref<128x128xf32, #tpu.memory_space<vmem>>, %arg19: memref<128x128xf32, #tpu.memory_space<vmem>>, %arg20: memref<128x128xf32, #tpu.memory_space<vmem>>, %arg21: memref<128x128xf32, #tpu.memory_space<vmem>>, %arg22: memref<128x128xf32, #tpu.memory_space<vmem>>, %arg23: memref<128x128xf32, #tpu.memory_space<vmem>>, %arg24: memref<16x128xf32, #tpu.memory_space<vmem>>, %arg25: memref<8x128xf32, #tpu.memory_space<vmem>>, %arg26: memref<32x128xf32, #tpu.memory_space<vmem>>, %arg27: memref<32x8xf32, #tpu.memory_space<vmem>>) attributes {dimension_semantics = [#tpu.dimension_semantics<arbitrary>], iteration_bounds = array<i64: 250>, scalar_prefetch = 4 : i64, scratch_operands = 0 : i64, tpu.core_type = #tpu.core_type<tc>, window_params = [{transform_indices = @transform_0, window_bounds = array<i64: 32, 128>}, {transform_indices = @transform_1, window_bounds = array<i64: 32, 128>}, {transform_indices = @transform_2, window_bounds = array<i64: 32, 128>}, {transform_indices = @transform_3, window_bounds = array<i64: 32, 128>}, {transform_indices = @transform_4, window_bounds = array<i64: 32, 128>}, {transform_indices = @transform_5, window_bounds = array<i64: 32, 8>}, {transform_indices = @transform_6, window_bounds = array<i64: 32, 8>}, {pipeline_mode = #tpu.pipeline_mode<synchronous>, transform_indices = @transform_7, window_bounds = array<i64: 8000, 128>}, {pipeline_mode = #tpu.pipeline_mode<synchronous>, transform_indices = @transform_8, window_bounds = array<i64: 8000, 128>}, {pipeline_mode = #tpu.pipeline_mode<synchronous>, transform_indices = @transform_9, window_bounds = array<i64: 8000, 128>}, {pipeline_mode = #tpu.pipeline_mode<synchronous>, transform_indices = @transform_10, window_bounds = array<i64: 8000, 8>}, {pipeline_mode = #tpu.pipeline_mode<synchronous>, transform_indices = @transform_11, window_bounds = array<i64: 8000, 8>}, {pipeline_mode = #tpu.pipeline_mode<synchronous>, transform_indices = @transform_12, window_bounds = array<i64: 128, 384>}, {pipeline_mode = #tpu.pipeline_mode<synchronous>, transform_indices = @transform_13, window_bounds = array<i64: 128, 128>}, {pipeline_mode = #tpu.pipeline_mode<synchronous>, transform_indices = @transform_14, window_bounds = array<i64: 128, 128>}, {pipeline_mode = #tpu.pipeline_mode<synchronous>, transform_indices = @transform_15, window_bounds = array<i64: 128, 128>}, {pipeline_mode = #tpu.pipeline_mode<synchronous>, transform_indices = @transform_16, window_bounds = array<i64: 128, 128>}, {pipeline_mode = #tpu.pipeline_mode<synchronous>, transform_indices = @transform_17, window_bounds = array<i64: 128, 128>}, {pipeline_mode = #tpu.pipeline_mode<synchronous>, transform_indices = @transform_18, window_bounds = array<i64: 128, 128>}, {pipeline_mode = #tpu.pipeline_mode<synchronous>, transform_indices = @transform_19, window_bounds = array<i64: 16, 128>}, {pipeline_mode = #tpu.pipeline_mode<synchronous>, transform_indices = @transform_20, window_bounds = array<i64: 8, 128>}, {transform_indices = @transform_21, window_bounds = array<i64: 32, 128>}, {transform_indices = @transform_22, window_bounds = array<i64: 32, 8>}]} {
    %get3A = arith.constant 0 : index
    %get3A_0 = arith.constant 0 : index
    %get3A_1 = vector.load %arg5[%get3A, %get3A_0] : memref<32x128xf32, #tpu.memory_space<vmem>>, vector<32x128xf32>
    %get3A_2 = arith.constant 0 : index
    %get3A_3 = arith.constant 0 : index
    %get3A_4 = vector.load %arg6[%get3A_2, %get3A_3] : memref<32x128xf32, #tpu.memory_space<vmem>>, vector<32x128xf32>
    %get3A_5 = arith.constant 0 : index
    %get3A_6 = arith.constant 0 : index
    %get3A_7 = vector.load %arg7[%get3A_5, %get3A_6] : memref<32x128xf32, #tpu.memory_space<vmem>>, vector<32x128xf32>
    %get3A_8 = arith.constant 0 : index
    %get3A_9 = arith.constant 0 : index
    %get3A_10 = vector.load %arg8[%get3A_8, %get3A_9] : memref<32x128xf32, #tpu.memory_space<vmem>>, vector<32x128xf32>
    %get3A_11 = arith.constant 0 : index
    %get3A_12 = arith.constant 0 : index
    %get3A_13 = vector.load %arg11[%get3A_11, %get3A_12] : memref<32x8xi32, #tpu.memory_space<vmem>>, vector<32x8xi32>
    %slice3A = vector.extract_strided_slice %get3A_13 {offsets = [0, 0], sizes = [32, 1], strides = [1, 1]} : vector<32x8xi32> to vector<32x1xi32>
    %slice3A_14 = vector.extract_strided_slice %get3A_13 {offsets = [0, 1], sizes = [32, 1], strides = [1, 1]} : vector<32x8xi32> to vector<32x1xi32>
    %eq3A = arith.constant 1 : i32
    %eq3A_15 = vector.broadcast %eq3A : i32 to vector<32x1xi32>
    %eq3A_16 = arith.cmpi eq, %slice3A_14, %eq3A_15 : vector<32x1xi32>
    %jit3A = arith.constant -1 : i32
    %broadcast_in_dim3A = vector.broadcast %jit3A : i32 to vector<32x1xi32>
    %select_n3A = arith.select %eq3A_16, %slice3A, %broadcast_in_dim3A : vector<32x1xi1>, vector<32x1xi32>
    %broadcast_in_dim3A_17 = vector.shape_cast %select_n3A : vector<32x1xi32> to vector<32x1xi32>
    %broadcast_in_dim3A_18 = vector.broadcast %broadcast_in_dim3A_17 : vector<32x1xi32> to vector<32x128xi32>
    %get3A_19 = arith.constant 0 : index
    %get3A_20 = arith.constant 0 : index
    %get3A_21 = vector.load %arg10[%get3A_19, %get3A_20] : memref<32x8xf32, #tpu.memory_space<vmem>>, vector<32x8xf32>
    %slice3A_22 = vector.extract_strided_slice %get3A_21 {offsets = [0, 0], sizes = [32, 1], strides = [1, 1]} : vector<32x8xf32> to vector<32x1xf32>
    %slice3A_23 = vector.extract_strided_slice %get3A_21 {offsets = [0, 1], sizes = [32, 1], strides = [1, 1]} : vector<32x8xf32> to vector<32x1xf32>
    %slice3A_24 = vector.extract_strided_slice %get3A_21 {offsets = [0, 2], sizes = [32, 1], strides = [1, 1]} : vector<32x8xf32> to vector<32x1xf32>
    %broadcast_in_dim3A_25 = vector.shape_cast %slice3A_22 : vector<32x1xf32> to vector<32x1xf32>
    %broadcast_in_dim3A_26 = vector.broadcast %broadcast_in_dim3A_25 : vector<32x1xf32> to vector<32x128xf32>
    %broadcast_in_dim3A_27 = vector.shape_cast %slice3A_23 : vector<32x1xf32> to vector<32x1xf32>
    %broadcast_in_dim3A_28 = vector.broadcast %broadcast_in_dim3A_27 : vector<32x1xf32> to vector<32x128xf32>
    %broadcast_in_dim3A_29 = vector.shape_cast %slice3A_24 : vector<32x1xf32> to vector<32x1xf32>
    %broadcast_in_dim3A_30 = vector.broadcast %broadcast_in_dim3A_29 : vector<32x1xf32> to vector<32x128xf32>
    %get3A_31 = arith.constant 0 : index
    %get3A_32 = arith.constant 0 : index
    %get3A_33 = vector.load %arg24[%get3A_31, %get3A_32] : memref<16x128xf32, #tpu.memory_space<vmem>>, vector<1x128xf32>
    %get3A_34 = arith.constant 1 : index
    %get3A_35 = arith.constant 0 : index
    %get3A_36 = vector.load %arg24[%get3A_34, %get3A_35] : memref<16x128xf32, #tpu.memory_space<vmem>>, vector<1x128xf32>
    %get3A_37 = arith.constant 2 : index
    %get3A_38 = arith.constant 0 : index
    %get3A_39 = vector.load %arg24[%get3A_37, %get3A_38] : memref<16x128xf32, #tpu.memory_space<vmem>>, vector<1x128xf32>
    %get3A_40 = arith.constant 3 : index
    %get3A_41 = arith.constant 0 : index
    %get3A_42 = vector.load %arg24[%get3A_40, %get3A_41] : memref<16x128xf32, #tpu.memory_space<vmem>>, vector<1x128xf32>
    %get3A_43 = arith.constant 4 : index
    %get3A_44 = arith.constant 0 : index
    %get3A_45 = vector.load %arg24[%get3A_43, %get3A_44] : memref<16x128xf32, #tpu.memory_space<vmem>>, vector<1x128xf32>
    %get3A_46 = arith.constant 5 : index
    %get3A_47 = arith.constant 0 : index
    %get3A_48 = vector.load %arg24[%get3A_46, %get3A_47] : memref<16x128xf32, #tpu.memory_space<vmem>>, vector<1x128xf32>
    %get3A_49 = arith.constant 6 : index
    %get3A_50 = arith.constant 0 : index
    %get3A_51 = vector.load %arg24[%get3A_49, %get3A_50] : memref<16x128xf32, #tpu.memory_space<vmem>>, vector<1x128xf32>
    %get3A_52 = arith.constant 7 : index
    %get3A_53 = arith.constant 0 : index
    %get3A_54 = vector.load %arg24[%get3A_52, %get3A_53] : memref<16x128xf32, #tpu.memory_space<vmem>>, vector<1x128xf32>
    %get3A_55 = arith.constant 8 : index
    %get3A_56 = arith.constant 0 : index
    %get3A_57 = vector.load %arg24[%get3A_55, %get3A_56] : memref<16x128xf32, #tpu.memory_space<vmem>>, vector<1x128xf32>
    %get3A_58 = arith.constant 9 : index
    %get3A_59 = arith.constant 0 : index
    %get3A_60 = vector.load %arg24[%get3A_58, %get3A_59] : memref<16x128xf32, #tpu.memory_space<vmem>>, vector<1x128xf32>
    %get3A_61 = arith.constant 10 : index
    %get3A_62 = arith.constant 0 : index
    %get3A_63 = vector.load %arg24[%get3A_61, %get3A_62] : memref<16x128xf32, #tpu.memory_space<vmem>>, vector<1x128xf32>
    %get3A_64 = arith.constant 11 : index
    %get3A_65 = arith.constant 0 : index
    %get3A_66 = vector.load %arg24[%get3A_64, %get3A_65] : memref<16x128xf32, #tpu.memory_space<vmem>>, vector<1x128xf32>
    %get3A_67 = arith.constant 12 : index
    %get3A_68 = arith.constant 0 : index
    %get3A_69 = vector.load %arg24[%get3A_67, %get3A_68] : memref<16x128xf32, #tpu.memory_space<vmem>>, vector<1x128xf32>
    %iota3A = tpu.iota {dimensions = array<i32: 1>} : vector<1x128xi32>
    %jit3A_70 = arith.constant 8 : i32
    %div3A = vector.broadcast %jit3A_70 : i32 to vector<1x128xi32>
    %div3A_71 = arith.divsi %iota3A, %div3A : vector<1x128xi32>
    %sign3A = arith.constant 0 : i32
    %sign3A_72 = vector.broadcast %sign3A : i32 to vector<1x128xi32>
    %sign3A_73 = arith.cmpi sgt, %iota3A, %sign3A_72 : vector<1x128xi32>
    %sign3A_74 = arith.extui %sign3A_73 : vector<1x128xi1> to vector<1x128xi32>
    %sign3A_75 = arith.constant 0 : i32
    %sign3A_76 = vector.broadcast %sign3A_75 : i32 to vector<1x128xi32>
    %sign3A_77 = arith.cmpi slt, %iota3A, %sign3A_76 : vector<1x128xi32>
    %sign3A_78 = arith.extui %sign3A_77 : vector<1x128xi1> to vector<1x128xi32>
    %sign3A_79 = arith.subi %sign3A_74, %sign3A_78 : vector<1x128xi32>
    %sign3A_80 = arith.constant 0 : i32
    %sign3A_81 = arith.cmpi sgt, %jit3A_70, %sign3A_80 : i32
    %sign3A_82 = arith.extui %sign3A_81 : i1 to i32
    %sign3A_83 = arith.constant 0 : i32
    %sign3A_84 = arith.cmpi slt, %jit3A_70, %sign3A_83 : i32
    %sign3A_85 = arith.extui %sign3A_84 : i1 to i32
    %sign3A_86 = arith.subi %sign3A_82, %sign3A_85 : i32
    %ne3A = vector.broadcast %sign3A_86 : i32 to vector<1x128xi32>
    %ne3A_87 = arith.cmpi ne, %sign3A_79, %ne3A : vector<1x128xi32>
    %rem3A = vector.broadcast %jit3A_70 : i32 to vector<1x128xi32>
    %rem3A_88 = arith.remsi %iota3A, %rem3A : vector<1x128xi32>
    %ne3A_89 = arith.constant 0 : i32
    %ne3A_90 = vector.broadcast %ne3A_89 : i32 to vector<1x128xi32>
    %ne3A_91 = arith.cmpi ne, %rem3A_88, %ne3A_90 : vector<1x128xi32>
    %and3A = arith.andi %ne3A_87, %ne3A_91 : vector<1x128xi1>
    %sub3A = arith.constant 1 : i32
    %sub3A_92 = vector.broadcast %sub3A : i32 to vector<1x128xi32>
    %sub3A_93 = arith.subi %div3A_71, %sub3A_92 : vector<1x128xi32>
    %select_n3A_94 = arith.select %and3A, %sub3A_93, %div3A_71 : vector<1x128xi1>, vector<1x128xi32>
    %convert_element_type3A = arith.sitofp %select_n3A_94 : vector<1x128xi32> to vector<1x128xf32>
    %mul3A = arith.constant 0.666666686 : f32
    %mul3A_95 = vector.broadcast %mul3A : f32 to vector<1x128xf32>
    %mul3A_96 = arith.mulf %convert_element_type3A, %mul3A_95 : vector<1x128xf32>
    %iota3A_97 = tpu.iota {dimensions = array<i32: 0>} : vector<128x128xi32>
    %jit3A_98 = arith.constant 8 : i32
    %div3A_99 = vector.broadcast %jit3A_98 : i32 to vector<128x128xi32>
    %div3A_100 = arith.divsi %iota3A_97, %div3A_99 : vector<128x128xi32>
    %sign3A_101 = arith.constant 0 : i32
    %sign3A_102 = vector.broadcast %sign3A_101 : i32 to vector<128x128xi32>
    %sign3A_103 = arith.cmpi sgt, %iota3A_97, %sign3A_102 : vector<128x128xi32>
    %sign3A_104 = arith.extui %sign3A_103 : vector<128x128xi1> to vector<128x128xi32>
    %sign3A_105 = arith.constant 0 : i32
    %sign3A_106 = vector.broadcast %sign3A_105 : i32 to vector<128x128xi32>
    %sign3A_107 = arith.cmpi slt, %iota3A_97, %sign3A_106 : vector<128x128xi32>
    %sign3A_108 = arith.extui %sign3A_107 : vector<128x128xi1> to vector<128x128xi32>
    %sign3A_109 = arith.subi %sign3A_104, %sign3A_108 : vector<128x128xi32>
    %sign3A_110 = arith.constant 0 : i32
    %sign3A_111 = arith.cmpi sgt, %jit3A_98, %sign3A_110 : i32
    %sign3A_112 = arith.extui %sign3A_111 : i1 to i32
    %sign3A_113 = arith.constant 0 : i32
    %sign3A_114 = arith.cmpi slt, %jit3A_98, %sign3A_113 : i32
    %sign3A_115 = arith.extui %sign3A_114 : i1 to i32
    %sign3A_116 = arith.subi %sign3A_112, %sign3A_115 : i32
    %ne3A_117 = vector.broadcast %sign3A_116 : i32 to vector<128x128xi32>
    %ne3A_118 = arith.cmpi ne, %sign3A_109, %ne3A_117 : vector<128x128xi32>
    %rem3A_119 = vector.broadcast %jit3A_98 : i32 to vector<128x128xi32>
    %rem3A_120 = arith.remsi %iota3A_97, %rem3A_119 : vector<128x128xi32>
    %ne3A_121 = arith.constant 0 : i32
    %ne3A_122 = vector.broadcast %ne3A_121 : i32 to vector<128x128xi32>
    %ne3A_123 = arith.cmpi ne, %rem3A_120, %ne3A_122 : vector<128x128xi32>
    %and3A_124 = arith.andi %ne3A_118, %ne3A_123 : vector<128x128xi1>
    %sub3A_125 = arith.constant 1 : i32
    %sub3A_126 = vector.broadcast %sub3A_125 : i32 to vector<128x128xi32>
    %sub3A_127 = arith.subi %div3A_100, %sub3A_126 : vector<128x128xi32>
    %select_n3A_128 = arith.select %and3A_124, %sub3A_127, %div3A_100 : vector<128x128xi1>, vector<128x128xi32>
    %iota3A_129 = tpu.iota {dimensions = array<i32: 1>} : vector<128x128xi32>
    %jit3A_130 = arith.constant 8 : i32
    %div3A_131 = vector.broadcast %jit3A_130 : i32 to vector<128x128xi32>
    %div3A_132 = arith.divsi %iota3A_129, %div3A_131 : vector<128x128xi32>
    %sign3A_133 = arith.constant 0 : i32
    %sign3A_134 = vector.broadcast %sign3A_133 : i32 to vector<128x128xi32>
    %sign3A_135 = arith.cmpi sgt, %iota3A_129, %sign3A_134 : vector<128x128xi32>
    %sign3A_136 = arith.extui %sign3A_135 : vector<128x128xi1> to vector<128x128xi32>
    %sign3A_137 = arith.constant 0 : i32
    %sign3A_138 = vector.broadcast %sign3A_137 : i32 to vector<128x128xi32>
    %sign3A_139 = arith.cmpi slt, %iota3A_129, %sign3A_138 : vector<128x128xi32>
    %sign3A_140 = arith.extui %sign3A_139 : vector<128x128xi1> to vector<128x128xi32>
    %sign3A_141 = arith.subi %sign3A_136, %sign3A_140 : vector<128x128xi32>
    %sign3A_142 = arith.constant 0 : i32
    %sign3A_143 = arith.cmpi sgt, %jit3A_130, %sign3A_142 : i32
    %sign3A_144 = arith.extui %sign3A_143 : i1 to i32
    %sign3A_145 = arith.constant 0 : i32
    %sign3A_146 = arith.cmpi slt, %jit3A_130, %sign3A_145 : i32
    %sign3A_147 = arith.extui %sign3A_146 : i1 to i32
    %sign3A_148 = arith.subi %sign3A_144, %sign3A_147 : i32
    %ne3A_149 = vector.broadcast %sign3A_148 : i32 to vector<128x128xi32>
    %ne3A_150 = arith.cmpi ne, %sign3A_141, %ne3A_149 : vector<128x128xi32>
    %rem3A_151 = vector.broadcast %jit3A_130 : i32 to vector<128x128xi32>
    %rem3A_152 = arith.remsi %iota3A_129, %rem3A_151 : vector<128x128xi32>
    %ne3A_153 = arith.constant 0 : i32
    %ne3A_154 = vector.broadcast %ne3A_153 : i32 to vector<128x128xi32>
    %ne3A_155 = arith.cmpi ne, %rem3A_152, %ne3A_154 : vector<128x128xi32>
    %and3A_156 = arith.andi %ne3A_150, %ne3A_155 : vector<128x128xi1>
    %sub3A_157 = arith.constant 1 : i32
    %sub3A_158 = vector.broadcast %sub3A_157 : i32 to vector<128x128xi32>
    %sub3A_159 = arith.subi %div3A_132, %sub3A_158 : vector<128x128xi32>
    %select_n3A_160 = arith.select %and3A_156, %sub3A_159, %div3A_132 : vector<128x128xi1>, vector<128x128xi32>
    %eq3A_161 = arith.cmpi eq, %select_n3A_128, %select_n3A_160 : vector<128x128xi32>
    %convert_element_type3A_162 = arith.extui %eq3A_161 : vector<128x128xi1> to vector<128x128xi32>
    %convert_element_type3A_163 = arith.sitofp %convert_element_type3A_162 : vector<128x128xi32> to vector<128x128xf32>
    %mul3A_164 = vector.broadcast %get3A_39 : vector<1x128xf32> to vector<32x128xf32>
    %mul3A_165 = arith.mulf %get3A_1, %mul3A_164 : vector<32x128xf32>
    %dot_general3A = arith.constant dense<0.000000e+00> : vector<32x128xf32>
    %dot_general3A_166 = tpu.matmul %mul3A_165, %convert_element_type3A_163, %dot_general3A {dimension_numbers = #tpu.dot_dimension_numbers<[1], [0], [0], [1], [0, 0, 1, 1], [], []>, transpose_lhs_hint = false} : vector<32x128xf32>, vector<128x128xf32>, vector<32x128xf32> -> vector<32x128xf32>
    %broadcast_in_dim3A_167 = arith.constant 0xFF800000 : f32
    %broadcast_in_dim3A_168 = vector.broadcast %broadcast_in_dim3A_167 : f32 to vector<32x128xf32>
    %broadcast_in_dim3A_169 = arith.constant 0.000000e+00 : f32
    %broadcast_in_dim3A_170 = vector.broadcast %broadcast_in_dim3A_169 : f32 to vector<32x128xf32>
    %broadcast_in_dim3A_171 = arith.constant 0.000000e+00 : f32
    %broadcast_in_dim3A_172 = vector.broadcast %broadcast_in_dim3A_171 : f32 to vector<32x128xf32>
    %broadcast_in_dim3A_173 = arith.constant 0.000000e+00 : f32
    %broadcast_in_dim3A_174 = vector.broadcast %broadcast_in_dim3A_173 : f32 to vector<32x128xf32>
    %broadcast_in_dim3A_175 = arith.constant 0.000000e+00 : f32
    %broadcast_in_dim3A_176 = vector.broadcast %broadcast_in_dim3A_175 : f32 to vector<32x128xf32>
    %broadcast_in_dim3A_177 = arith.constant 0.000000e+00 : f32
    %broadcast_in_dim3A_178 = vector.broadcast %broadcast_in_dim3A_177 : f32 to vector<32x128xf32>
    %get3A_179 = arith.index_cast %arg0 : i32 to index
    %get3A_180 = memref.load %arg1[%get3A_179] : memref<250xi32, #tpu.memory_space<smem>>
    %get3A_181 = arith.index_cast %arg0 : i32 to index
    %get3A_182 = memref.load %arg3[%get3A_181] : memref<250xi32, #tpu.memory_space<smem>>
    %get3A_183 = arith.index_cast %arg0 : i32 to index
    %get3A_184 = memref.load %arg2[%get3A_183] : memref<250xi32, #tpu.memory_space<smem>>
    %while3A = arith.constant 0 : i32
    %while3A_185 = arith.subi %get3A_184, %while3A : i32
    %while3A_186 = arith.addi %while3A, %while3A_185 : i32
    %while3A_187 = arith.constant 1 : i32
    %while3A_188 = arith.divsi %while3A_185, %while3A_187 : i32
    %while3A_189 = arith.muli %while3A_188, %while3A_187 : i32
    %while3A_190 = arith.addi %while3A, %while3A_189 : i32
    %while3A_191 = arith.constant 1 : i32
    %while3A_192:6 = scf.for %while3A_315 = %while3A to %while3A_190 step %while3A_191 iter_args(%while3A_316 = %broadcast_in_dim3A_168, %while3A_317 = %broadcast_in_dim3A_170, %while3A_318 = %broadcast_in_dim3A_172, %while3A_319 = %broadcast_in_dim3A_174, %while3A_320 = %broadcast_in_dim3A_176, %while3A_321 = %broadcast_in_dim3A_178) -> (vector<32x128xf32>, vector<32x128xf32>, vector<32x128xf32>, vector<32x128xf32>, vector<32x128xf32>, vector<32x128xf32>)  : i32 {
      %add3A_322 = arith.addi %get3A_180, %while3A_315 : i32
      %mul3A_323 = arith.constant 64 : i32
      %mul3A_324 = arith.muli %add3A_322, %mul3A_323 : i32
      %get3A_325 = arith.index_cast %mul3A_324 : i32 to index
      %get3A_326 = arith.constant 0 : index
      %get3A_327 = vector.load %arg16[%get3A_325, %get3A_326] : memref<8000x8xi32, #tpu.memory_space<vmem>>, vector<64x8xi32>
      %slice3A_328 = vector.extract_strided_slice %get3A_327 {offsets = [0, 1], sizes = [64, 1], strides = [1, 1]} : vector<64x8xi32> to vector<64x1xi32>
      %eq3A_329 = arith.constant 0 : i32
      %eq3A_330 = vector.broadcast %eq3A_329 : i32 to vector<64x1xi32>
      %eq3A_331 = arith.cmpi eq, %slice3A_328, %eq3A_330 : vector<64x1xi32>
      %slice3A_332 = vector.extract_strided_slice %get3A_327 {offsets = [0, 0], sizes = [64, 1], strides = [1, 1]} : vector<64x8xi32> to vector<64x1xi32>
      %jit3A_333 = arith.constant -2 : i32
      %broadcast_in_dim3A_334 = vector.broadcast %jit3A_333 : i32 to vector<64x1xi32>
      %select_n3A_335 = arith.select %eq3A_331, %slice3A_332, %broadcast_in_dim3A_334 : vector<64x1xi1>, vector<64x1xi32>
      %broadcast_in_dim3A_336 = vector.shape_cast %select_n3A_335 : vector<64x1xi32> to vector<64x1xi32>
      %broadcast_in_dim3A_337 = vector.broadcast %broadcast_in_dim3A_336 : vector<64x1xi32> to vector<64x128xi32>
      %broadcast_in_dim3A_338 = vector.shape_cast %broadcast_in_dim3A_18 : vector<32x128xi32> to vector<32x1x128xi32>
      %broadcast_in_dim3A_339 = vector.shape_cast %broadcast_in_dim3A_337 : vector<64x128xi32> to vector<1x64x128xi32>
      %eq3A_340 = vector.broadcast %broadcast_in_dim3A_338 : vector<32x1x128xi32> to vector<32x64x128xi32>
      %eq3A_341 = vector.broadcast %broadcast_in_dim3A_339 : vector<1x64x128xi32> to vector<32x64x128xi32>
      %eq3A_342 = arith.cmpi eq, %eq3A_340, %eq3A_341 : vector<32x64x128xi32>
      %get3A_343 = arith.index_cast %mul3A_324 : i32 to index
      %get3A_344 = arith.constant 0 : index
      %get3A_345 = vector.load %arg12[%get3A_343, %get3A_344] : memref<8000x128xf32, #tpu.memory_space<vmem>>, vector<64x128xf32>
      %get3A_346 = arith.index_cast %mul3A_324 : i32 to index
      %get3A_347 = arith.constant 0 : index
      %get3A_348 = vector.load %arg13[%get3A_346, %get3A_347] : memref<8000x128xf32, #tpu.memory_space<vmem>>, vector<64x128xf32>
      %get3A_349 = arith.index_cast %mul3A_324 : i32 to index
      %get3A_350 = arith.constant 0 : index
      %get3A_351 = vector.load %arg14[%get3A_349, %get3A_350] : memref<8000x128xf32, #tpu.memory_space<vmem>>, vector<64x128xf32>
      %get3A_352 = arith.index_cast %mul3A_324 : i32 to index
      %get3A_353 = arith.constant 0 : index
      %get3A_354 = vector.load %arg15[%get3A_352, %get3A_353] : memref<8000x8xf32, #tpu.memory_space<vmem>>, vector<64x8xf32>
      %slice3A_355 = vector.extract_strided_slice %get3A_354 {offsets = [0, 0], sizes = [64, 1], strides = [1, 1]} : vector<64x8xf32> to vector<64x1xf32>
      %broadcast_in_dim3A_356 = vector.shape_cast %slice3A_355 : vector<64x1xf32> to vector<64x1xf32>
      %broadcast_in_dim3A_357 = vector.broadcast %broadcast_in_dim3A_356 : vector<64x1xf32> to vector<64x128xf32>
      %slice3A_358 = vector.extract_strided_slice %get3A_354 {offsets = [0, 1], sizes = [64, 1], strides = [1, 1]} : vector<64x8xf32> to vector<64x1xf32>
      %broadcast_in_dim3A_359 = vector.shape_cast %slice3A_358 : vector<64x1xf32> to vector<64x1xf32>
      %broadcast_in_dim3A_360 = vector.broadcast %broadcast_in_dim3A_359 : vector<64x1xf32> to vector<64x128xf32>
      %slice3A_361 = vector.extract_strided_slice %get3A_354 {offsets = [0, 2], sizes = [64, 1], strides = [1, 1]} : vector<64x8xf32> to vector<64x1xf32>
      %broadcast_in_dim3A_362 = vector.shape_cast %slice3A_361 : vector<64x1xf32> to vector<64x1xf32>
      %broadcast_in_dim3A_363 = vector.broadcast %broadcast_in_dim3A_362 : vector<64x1xf32> to vector<64x128xf32>
      %broadcast_in_dim3A_364 = vector.shape_cast %broadcast_in_dim3A_26 : vector<32x128xf32> to vector<32x1x128xf32>
      %broadcast_in_dim3A_365 = vector.shape_cast %broadcast_in_dim3A_357 : vector<64x128xf32> to vector<1x64x128xf32>
      %sub3A_366 = vector.broadcast %broadcast_in_dim3A_364 : vector<32x1x128xf32> to vector<32x64x128xf32>
      %sub3A_367 = vector.broadcast %broadcast_in_dim3A_365 : vector<1x64x128xf32> to vector<32x64x128xf32>
      %sub3A_368 = arith.subf %sub3A_366, %sub3A_367 : vector<32x64x128xf32>
      %broadcast_in_dim3A_369 = vector.shape_cast %broadcast_in_dim3A_28 : vector<32x128xf32> to vector<32x1x128xf32>
      %broadcast_in_dim3A_370 = vector.shape_cast %broadcast_in_dim3A_360 : vector<64x128xf32> to vector<1x64x128xf32>
      %sub3A_371 = vector.broadcast %broadcast_in_dim3A_369 : vector<32x1x128xf32> to vector<32x64x128xf32>
      %sub3A_372 = vector.broadcast %broadcast_in_dim3A_370 : vector<1x64x128xf32> to vector<32x64x128xf32>
      %sub3A_373 = arith.subf %sub3A_371, %sub3A_372 : vector<32x64x128xf32>
      %broadcast_in_dim3A_374 = vector.shape_cast %broadcast_in_dim3A_30 : vector<32x128xf32> to vector<32x1x128xf32>
      %broadcast_in_dim3A_375 = vector.shape_cast %broadcast_in_dim3A_363 : vector<64x128xf32> to vector<1x64x128xf32>
      %sub3A_376 = vector.broadcast %broadcast_in_dim3A_374 : vector<32x1x128xf32> to vector<32x64x128xf32>
      %sub3A_377 = vector.broadcast %broadcast_in_dim3A_375 : vector<1x64x128xf32> to vector<32x64x128xf32>
      %sub3A_378 = arith.subf %sub3A_376, %sub3A_377 : vector<32x64x128xf32>
      %mul3A_379 = arith.mulf %sub3A_368, %sub3A_368 : vector<32x64x128xf32>
      %mul3A_380 = arith.mulf %sub3A_373, %sub3A_373 : vector<32x64x128xf32>
      %add3A_381 = arith.addf %mul3A_379, %mul3A_380 : vector<32x64x128xf32>
      %mul3A_382 = arith.mulf %sub3A_378, %sub3A_378 : vector<32x64x128xf32>
      %add3A_383 = arith.addf %add3A_381, %mul3A_382 : vector<32x64x128xf32>
      %sqrt3A_384 = math.sqrt %add3A_383 : vector<32x64x128xf32>
      %broadcast_in_dim3A_385 = vector.shape_cast %mul3A_96 : vector<1x128xf32> to vector<1x1x128xf32>
      %sub3A_386 = vector.broadcast %broadcast_in_dim3A_385 : vector<1x1x128xf32> to vector<32x64x128xf32>
      %sub3A_387 = arith.subf %sqrt3A_384, %sub3A_386 : vector<32x64x128xf32>
      %integer_pow3A = arith.mulf %sub3A_387, %sub3A_387 : vector<32x64x128xf32>
      %mul3A_388 = arith.constant -1.12499988 : f32
      %mul3A_389 = vector.broadcast %mul3A_388 : f32 to vector<32x64x128xf32>
      %mul3A_390 = arith.mulf %mul3A_389, %integer_pow3A : vector<32x64x128xf32>
      %exp3A = math.exp %mul3A_390 : vector<32x64x128xf32>
      %reshape3A = vector.shape_cast %exp3A : vector<32x64x128xf32> to vector<2048x128xf32>
      %get3A_391 = arith.constant 0 : index
      %get3A_392 = arith.constant 0 : index
      %get3A_393 = vector.load %arg17[%get3A_391, %get3A_392] : memref<128x384xf32, #tpu.memory_space<vmem>>, vector<128x384xf32>
      %dot_general3A_394 = arith.constant dense<0.000000e+00> : vector<2048x384xf32>
      %dot_general3A_395 = tpu.matmul %reshape3A, %get3A_393, %dot_general3A_394 {dimension_numbers = #tpu.dot_dimension_numbers<[1], [0], [0], [1], [0, 0, 1, 1], [], []>, transpose_lhs_hint = false} : vector<2048x128xf32>, vector<128x384xf32>, vector<2048x384xf32> -> vector<2048x384xf32>
      %reshape3A_396 = vector.shape_cast %dot_general3A_395 : vector<2048x384xf32> to vector<32x64x384xf32>
      %slice3A_397 = vector.extract_strided_slice %reshape3A_396 {offsets = [0, 0, 0], sizes = [32, 64, 128], strides = [1, 1, 1]} : vector<32x64x384xf32> to vector<32x64x128xf32>
      %broadcast_in_dim3A_398 = vector.shape_cast %get3A_345 : vector<64x128xf32> to vector<1x64x128xf32>
      %add3A_399 = vector.broadcast %broadcast_in_dim3A_398 : vector<1x64x128xf32> to vector<32x64x128xf32>
      %add3A_400 = arith.addf %slice3A_397, %add3A_399 : vector<32x64x128xf32>
      %broadcast_in_dim3A_401 = vector.shape_cast %get3A_4 : vector<32x128xf32> to vector<32x1x128xf32>
      %add3A_402 = vector.broadcast %broadcast_in_dim3A_401 : vector<32x1x128xf32> to vector<32x64x128xf32>
      %add3A_403 = arith.addf %add3A_400, %add3A_402 : vector<32x64x128xf32>
      %reduce_sum3A_404 = arith.constant dense<0.000000e+00> : vector<32x64xf32>
      %reduce_sum3A_405 = vector.multi_reduction <add>, %add3A_403, %reduce_sum3A_404 [2] : vector<32x64x128xf32> to vector<32x64xf32>
      %broadcast_in_dim3A_406 = vector.shape_cast %reduce_sum3A_405 : vector<32x64xf32> to vector<32x64x1xf32>
      %div3A_407 = arith.constant 1.280000e+02 : f32
      %div3A_408 = vector.broadcast %div3A_407 : f32 to vector<32x64x1xf32>
      %div3A_409 = arith.divf %broadcast_in_dim3A_406, %div3A_408 : vector<32x64x1xf32>
      %mul3A_410 = arith.mulf %add3A_403, %add3A_403 : vector<32x64x128xf32>
      %reduce_sum3A_411 = arith.constant dense<0.000000e+00> : vector<32x64xf32>
      %reduce_sum3A_412 = vector.multi_reduction <add>, %mul3A_410, %reduce_sum3A_411 [2] : vector<32x64x128xf32> to vector<32x64xf32>
      %broadcast_in_dim3A_413 = vector.shape_cast %reduce_sum3A_412 : vector<32x64xf32> to vector<32x64x1xf32>
      %div3A_414 = arith.constant 1.280000e+02 : f32
      %div3A_415 = vector.broadcast %div3A_414 : f32 to vector<32x64x1xf32>
      %div3A_416 = arith.divf %broadcast_in_dim3A_413, %div3A_415 : vector<32x64x1xf32>
      %mul3A_417 = arith.mulf %div3A_409, %div3A_409 : vector<32x64x1xf32>
      %sub3A_418 = arith.subf %div3A_416, %mul3A_417 : vector<32x64x1xf32>
      %sub3A_419 = vector.broadcast %div3A_409 : vector<32x64x1xf32> to vector<32x64x128xf32>
      %sub3A_420 = arith.subf %add3A_403, %sub3A_419 : vector<32x64x128xf32>
      %add3A_421 = arith.constant 9.99999974E-6 : f32
      %add3A_422 = vector.broadcast %add3A_421 : f32 to vector<32x64x1xf32>
      %add3A_423 = arith.addf %sub3A_418, %add3A_422 : vector<32x64x1xf32>
      %sqrt3A_424 = math.sqrt %add3A_423 : vector<32x64x1xf32>
      %div3A_425 = arith.constant 1.000000e+00 : f32
      %div3A_426 = vector.broadcast %div3A_425 : f32 to vector<32x64x1xf32>
      %div3A_427 = arith.divf %div3A_426, %sqrt3A_424 : vector<32x64x1xf32>
      %mul3A_428 = vector.broadcast %div3A_427 : vector<32x64x1xf32> to vector<32x64x128xf32>
      %mul3A_429 = arith.mulf %sub3A_420, %mul3A_428 : vector<32x64x128xf32>
      %broadcast_in_dim3A_430 = vector.shape_cast %get3A_33 : vector<1x128xf32> to vector<1x1x128xf32>
      %mul3A_431 = vector.broadcast %broadcast_in_dim3A_430 : vector<1x1x128xf32> to vector<32x64x128xf32>
      %mul3A_432 = arith.mulf %mul3A_429, %mul3A_431 : vector<32x64x128xf32>
      %broadcast_in_dim3A_433 = vector.shape_cast %get3A_36 : vector<1x128xf32> to vector<1x1x128xf32>
      %add3A_434 = vector.broadcast %broadcast_in_dim3A_433 : vector<1x1x128xf32> to vector<32x64x128xf32>
      %add3A_435 = arith.addf %mul3A_432, %add3A_434 : vector<32x64x128xf32>
      %max3A_436 = arith.constant 0.000000e+00 : f32
      %max3A_437 = vector.broadcast %max3A_436 : f32 to vector<32x64x128xf32>
      %max3A_438 = arith.maximumf %add3A_435, %max3A_437 : vector<32x64x128xf32>
      %reshape3A_439 = vector.shape_cast %max3A_438 : vector<32x64x128xf32> to vector<2048x128xf32>
      %get3A_440 = arith.constant 0 : index
      %get3A_441 = arith.constant 0 : index
      %get3A_442 = vector.load %arg18[%get3A_440, %get3A_441] : memref<128x128xf32, #tpu.memory_space<vmem>>, vector<128x128xf32>
      %dot_general3A_443 = arith.constant dense<0.000000e+00> : vector<2048x128xf32>
      %dot_general3A_444 = tpu.matmul %reshape3A_439, %get3A_442, %dot_general3A_443 {dimension_numbers = #tpu.dot_dimension_numbers<[1], [0], [0], [1], [0, 0, 1, 1], [], []>, transpose_lhs_hint = false} : vector<2048x128xf32>, vector<128x128xf32>, vector<2048x128xf32> -> vector<2048x128xf32>
      %broadcast_in_dim3A_445 = vector.shape_cast %get3A_1 : vector<32x128xf32> to vector<32x1x128xf32>
      %reshape3A_446 = vector.shape_cast %dot_general3A_444 : vector<2048x128xf32> to vector<32x64x128xf32>
      %mul3A_447 = vector.broadcast %broadcast_in_dim3A_445 : vector<32x1x128xf32> to vector<32x64x128xf32>
      %mul3A_448 = arith.mulf %mul3A_447, %reshape3A_446 : vector<32x64x128xf32>
      %reshape3A_449 = vector.shape_cast %mul3A_448 : vector<32x64x128xf32> to vector<2048x128xf32>
      %dot_general3A_450 = arith.constant dense<0.000000e+00> : vector<2048x128xf32>
      %dot_general3A_451 = tpu.matmul %reshape3A_449, %convert_element_type3A_163, %dot_general3A_450 {dimension_numbers = #tpu.dot_dimension_numbers<[1], [0], [0], [1], [0, 0, 1, 1], [], []>, transpose_lhs_hint = false} : vector<2048x128xf32>, vector<128x128xf32>, vector<2048x128xf32> -> vector<2048x128xf32>
      %reshape3A_452 = vector.shape_cast %dot_general3A_451 : vector<2048x128xf32> to vector<32x64x128xf32>
      %jit3A_453 = arith.constant 0xFF800000 : f32
      %broadcast_in_dim3A_454 = vector.broadcast %jit3A_453 : f32 to vector<32x64x128xf32>
      %select_n3A_455 = arith.select %eq3A_342, %reshape3A_452, %broadcast_in_dim3A_454 : vector<32x64x128xi1>, vector<32x64x128xf32>
      %reduce_max3A = arith.constant dense<0xFF800000> : vector<32x128xf32>
      %reduce_max3A_456 = vector.multi_reduction <maximumf>, %select_n3A_455, %reduce_max3A [1] : vector<32x64x128xf32> to vector<32x128xf32>
      %add3A_457 = arith.addf %reduce_max3A_456, %dot_general3A_166 : vector<32x128xf32>
      %max3A_458 = arith.maximumf %while3A_316, %add3A_457 : vector<32x128xf32>
      %is_finite3A = tpu.weird %max3A_458 : vector<32x128xf32> -> vector<32x128xi1>
      %is_finite3A_459 = arith.constant dense<true> : vector<32x128xi1>
      %is_finite3A_460 = arith.xori %is_finite3A, %is_finite3A_459 : vector<32x128xi1>
      %jit3A_461 = arith.constant 0.000000e+00 : f32
      %broadcast_in_dim3A_462 = vector.broadcast %jit3A_461 : f32 to vector<32x128xf32>
      %select_n3A_463 = arith.select %is_finite3A_460, %max3A_458, %broadcast_in_dim3A_462 : vector<32x128xi1>, vector<32x128xf32>
      %is_finite3A_464 = tpu.weird %while3A_316 : vector<32x128xf32> -> vector<32x128xi1>
      %is_finite3A_465 = arith.constant dense<true> : vector<32x128xi1>
      %is_finite3A_466 = arith.xori %is_finite3A_464, %is_finite3A_465 : vector<32x128xi1>
      %jit3A_467 = arith.constant 0.000000e+00 : f32
      %broadcast_in_dim3A_468 = vector.broadcast %jit3A_467 : f32 to vector<32x128xf32>
      %select_n3A_469 = arith.select %is_finite3A_466, %while3A_316, %broadcast_in_dim3A_468 : vector<32x128xi1>, vector<32x128xf32>
      %is_finite3A_470 = tpu.weird %while3A_316 : vector<32x128xf32> -> vector<32x128xi1>
      %is_finite3A_471 = arith.constant dense<true> : vector<32x128xi1>
      %is_finite3A_472 = arith.xori %is_finite3A_470, %is_finite3A_471 : vector<32x128xi1>
      %sub3A_473 = arith.subf %select_n3A_469, %select_n3A_463 : vector<32x128xf32>
      %exp3A_474 = math.exp %sub3A_473 : vector<32x128xf32>
      %jit3A_475 = arith.constant 0.000000e+00 : f32
      %broadcast_in_dim3A_476 = vector.broadcast %jit3A_475 : f32 to vector<32x128xf32>
      %select_n3A_477 = arith.select %is_finite3A_472, %exp3A_474, %broadcast_in_dim3A_476 : vector<32x128xi1>, vector<32x128xf32>
      %sub3A_478 = arith.subf %select_n3A_463, %dot_general3A_166 : vector<32x128xf32>
      %broadcast_in_dim3A_479 = vector.shape_cast %sub3A_478 : vector<32x128xf32> to vector<32x1x128xf32>
      %sub3A_480 = vector.broadcast %broadcast_in_dim3A_479 : vector<32x1x128xf32> to vector<32x64x128xf32>
      %sub3A_481 = arith.subf %select_n3A_455, %sub3A_480 : vector<32x64x128xf32>
      %exp3A_482 = math.exp %sub3A_481 : vector<32x64x128xf32>
      %mul3A_483 = arith.mulf %while3A_317, %select_n3A_477 : vector<32x128xf32>
      %reduce_sum3A_484 = arith.constant dense<0.000000e+00> : vector<32x128xf32>
      %reduce_sum3A_485 = vector.multi_reduction <add>, %exp3A_482, %reduce_sum3A_484 [1] : vector<32x64x128xf32> to vector<32x128xf32>
      %add3A_486 = arith.addf %mul3A_483, %reduce_sum3A_485 : vector<32x128xf32>
      %slice3A_487 = vector.extract_strided_slice %reshape3A_396 {offsets = [0, 0, 128], sizes = [32, 64, 128], strides = [1, 1, 1]} : vector<32x64x384xf32> to vector<32x64x128xf32>
      %broadcast_in_dim3A_488 = vector.shape_cast %get3A_348 : vector<64x128xf32> to vector<1x64x128xf32>
      %add3A_489 = vector.broadcast %broadcast_in_dim3A_488 : vector<1x64x128xf32> to vector<32x64x128xf32>
      %add3A_490 = arith.addf %slice3A_487, %add3A_489 : vector<32x64x128xf32>
      %broadcast_in_dim3A_491 = vector.shape_cast %get3A_7 : vector<32x128xf32> to vector<32x1x128xf32>
      %add3A_492 = vector.broadcast %broadcast_in_dim3A_491 : vector<32x1x128xf32> to vector<32x64x128xf32>
      %add3A_493 = arith.addf %add3A_490, %add3A_492 : vector<32x64x128xf32>
      %reduce_sum3A_494 = arith.constant dense<0.000000e+00> : vector<32x64xf32>
      %reduce_sum3A_495 = vector.multi_reduction <add>, %add3A_493, %reduce_sum3A_494 [2] : vector<32x64x128xf32> to vector<32x64xf32>
      %broadcast_in_dim3A_496 = vector.shape_cast %reduce_sum3A_495 : vector<32x64xf32> to vector<32x64x1xf32>
      %div3A_497 = arith.constant 1.280000e+02 : f32
      %div3A_498 = vector.broadcast %div3A_497 : f32 to vector<32x64x1xf32>
      %div3A_499 = arith.divf %broadcast_in_dim3A_496, %div3A_498 : vector<32x64x1xf32>
      %mul3A_500 = arith.mulf %add3A_493, %add3A_493 : vector<32x64x128xf32>
      %reduce_sum3A_501 = arith.constant dense<0.000000e+00> : vector<32x64xf32>
      %reduce_sum3A_502 = vector.multi_reduction <add>, %mul3A_500, %reduce_sum3A_501 [2] : vector<32x64x128xf32> to vector<32x64xf32>
      %broadcast_in_dim3A_503 = vector.shape_cast %reduce_sum3A_502 : vector<32x64xf32> to vector<32x64x1xf32>
      %div3A_504 = arith.constant 1.280000e+02 : f32
      %div3A_505 = vector.broadcast %div3A_504 : f32 to vector<32x64x1xf32>
      %div3A_506 = arith.divf %broadcast_in_dim3A_503, %div3A_505 : vector<32x64x1xf32>
      %mul3A_507 = arith.mulf %div3A_499, %div3A_499 : vector<32x64x1xf32>
      %sub3A_508 = arith.subf %div3A_506, %mul3A_507 : vector<32x64x1xf32>
      %sub3A_509 = vector.broadcast %div3A_499 : vector<32x64x1xf32> to vector<32x64x128xf32>
      %sub3A_510 = arith.subf %add3A_493, %sub3A_509 : vector<32x64x128xf32>
      %add3A_511 = arith.constant 9.99999974E-6 : f32
      %add3A_512 = vector.broadcast %add3A_511 : f32 to vector<32x64x1xf32>
      %add3A_513 = arith.addf %sub3A_508, %add3A_512 : vector<32x64x1xf32>
      %sqrt3A_514 = math.sqrt %add3A_513 : vector<32x64x1xf32>
      %div3A_515 = arith.constant 1.000000e+00 : f32
      %div3A_516 = vector.broadcast %div3A_515 : f32 to vector<32x64x1xf32>
      %div3A_517 = arith.divf %div3A_516, %sqrt3A_514 : vector<32x64x1xf32>
      %mul3A_518 = vector.broadcast %div3A_517 : vector<32x64x1xf32> to vector<32x64x128xf32>
      %mul3A_519 = arith.mulf %sub3A_510, %mul3A_518 : vector<32x64x128xf32>
      %broadcast_in_dim3A_520 = vector.shape_cast %get3A_42 : vector<1x128xf32> to vector<1x1x128xf32>
      %mul3A_521 = vector.broadcast %broadcast_in_dim3A_520 : vector<1x1x128xf32> to vector<32x64x128xf32>
      %mul3A_522 = arith.mulf %mul3A_519, %mul3A_521 : vector<32x64x128xf32>
      %broadcast_in_dim3A_523 = vector.shape_cast %get3A_45 : vector<1x128xf32> to vector<1x1x128xf32>
      %add3A_524 = vector.broadcast %broadcast_in_dim3A_523 : vector<1x1x128xf32> to vector<32x64x128xf32>
      %add3A_525 = arith.addf %mul3A_522, %add3A_524 : vector<32x64x128xf32>
      %max3A_526 = arith.constant 0.000000e+00 : f32
      %max3A_527 = vector.broadcast %max3A_526 : f32 to vector<32x64x128xf32>
      %max3A_528 = arith.maximumf %add3A_525, %max3A_527 : vector<32x64x128xf32>
      %reshape3A_529 = vector.shape_cast %max3A_528 : vector<32x64x128xf32> to vector<2048x128xf32>
      %get3A_530 = arith.constant 0 : index
      %get3A_531 = arith.constant 0 : index
      %get3A_532 = vector.load %arg19[%get3A_530, %get3A_531] : memref<128x128xf32, #tpu.memory_space<vmem>>, vector<128x128xf32>
      %dot_general3A_533 = arith.constant dense<0.000000e+00> : vector<2048x128xf32>
      %dot_general3A_534 = tpu.matmul %reshape3A_529, %get3A_532, %dot_general3A_533 {dimension_numbers = #tpu.dot_dimension_numbers<[1], [0], [0], [1], [0, 0, 1, 1], [], []>, transpose_lhs_hint = false} : vector<2048x128xf32>, vector<128x128xf32>, vector<2048x128xf32> -> vector<2048x128xf32>
      %reshape3A_535 = vector.shape_cast %dot_general3A_534 : vector<2048x128xf32> to vector<32x64x128xf32>
      %mul3A_536 = arith.mulf %exp3A_482, %reshape3A_535 : vector<32x64x128xf32>
      %reduce_sum3A_537 = arith.constant dense<0.000000e+00> : vector<32x128xf32>
      %reduce_sum3A_538 = vector.multi_reduction <add>, %mul3A_536, %reduce_sum3A_537 [1] : vector<32x64x128xf32> to vector<32x128xf32>
      %mul3A_539 = arith.mulf %while3A_318, %select_n3A_477 : vector<32x128xf32>
      %add3A_540 = arith.addf %mul3A_539, %reduce_sum3A_538 : vector<32x128xf32>
      %slice3A_541 = vector.extract_strided_slice %reshape3A_396 {offsets = [0, 0, 256], sizes = [32, 64, 128], strides = [1, 1, 1]} : vector<32x64x384xf32> to vector<32x64x128xf32>
      %broadcast_in_dim3A_542 = vector.shape_cast %get3A_351 : vector<64x128xf32> to vector<1x64x128xf32>
      %add3A_543 = vector.broadcast %broadcast_in_dim3A_542 : vector<1x64x128xf32> to vector<32x64x128xf32>
      %add3A_544 = arith.addf %slice3A_541, %add3A_543 : vector<32x64x128xf32>
      %broadcast_in_dim3A_545 = vector.shape_cast %get3A_10 : vector<32x128xf32> to vector<32x1x128xf32>
      %add3A_546 = vector.broadcast %broadcast_in_dim3A_545 : vector<32x1x128xf32> to vector<32x64x128xf32>
      %add3A_547 = arith.addf %add3A_544, %add3A_546 : vector<32x64x128xf32>
      %reduce_sum3A_548 = arith.constant dense<0.000000e+00> : vector<32x64xf32>
      %reduce_sum3A_549 = vector.multi_reduction <add>, %add3A_547, %reduce_sum3A_548 [2] : vector<32x64x128xf32> to vector<32x64xf32>
      %broadcast_in_dim3A_550 = vector.shape_cast %reduce_sum3A_549 : vector<32x64xf32> to vector<32x64x1xf32>
      %div3A_551 = arith.constant 1.280000e+02 : f32
      %div3A_552 = vector.broadcast %div3A_551 : f32 to vector<32x64x1xf32>
      %div3A_553 = arith.divf %broadcast_in_dim3A_550, %div3A_552 : vector<32x64x1xf32>
      %mul3A_554 = arith.mulf %add3A_547, %add3A_547 : vector<32x64x128xf32>
      %reduce_sum3A_555 = arith.constant dense<0.000000e+00> : vector<32x64xf32>
      %reduce_sum3A_556 = vector.multi_reduction <add>, %mul3A_554, %reduce_sum3A_555 [2] : vector<32x64x128xf32> to vector<32x64xf32>
      %broadcast_in_dim3A_557 = vector.shape_cast %reduce_sum3A_556 : vector<32x64xf32> to vector<32x64x1xf32>
      %div3A_558 = arith.constant 1.280000e+02 : f32
      %div3A_559 = vector.broadcast %div3A_558 : f32 to vector<32x64x1xf32>
      %div3A_560 = arith.divf %broadcast_in_dim3A_557, %div3A_559 : vector<32x64x1xf32>
      %mul3A_561 = arith.mulf %div3A_553, %div3A_553 : vector<32x64x1xf32>
      %sub3A_562 = arith.subf %div3A_560, %mul3A_561 : vector<32x64x1xf32>
      %sub3A_563 = vector.broadcast %div3A_553 : vector<32x64x1xf32> to vector<32x64x128xf32>
      %sub3A_564 = arith.subf %add3A_547, %sub3A_563 : vector<32x64x128xf32>
      %add3A_565 = arith.constant 9.99999974E-6 : f32
      %add3A_566 = vector.broadcast %add3A_565 : f32 to vector<32x64x1xf32>
      %add3A_567 = arith.addf %sub3A_562, %add3A_566 : vector<32x64x1xf32>
      %sqrt3A_568 = math.sqrt %add3A_567 : vector<32x64x1xf32>
      %div3A_569 = arith.constant 1.000000e+00 : f32
      %div3A_570 = vector.broadcast %div3A_569 : f32 to vector<32x64x1xf32>
      %div3A_571 = arith.divf %div3A_570, %sqrt3A_568 : vector<32x64x1xf32>
      %mul3A_572 = vector.broadcast %div3A_571 : vector<32x64x1xf32> to vector<32x64x128xf32>
      %mul3A_573 = arith.mulf %sub3A_564, %mul3A_572 : vector<32x64x128xf32>
      %broadcast_in_dim3A_574 = vector.shape_cast %get3A_51 : vector<1x128xf32> to vector<1x1x128xf32>
      %mul3A_575 = vector.broadcast %broadcast_in_dim3A_574 : vector<1x1x128xf32> to vector<32x64x128xf32>
      %mul3A_576 = arith.mulf %mul3A_573, %mul3A_575 : vector<32x64x128xf32>
      %broadcast_in_dim3A_577 = vector.shape_cast %get3A_54 : vector<1x128xf32> to vector<1x1x128xf32>
      %add3A_578 = vector.broadcast %broadcast_in_dim3A_577 : vector<1x1x128xf32> to vector<32x64x128xf32>
      %add3A_579 = arith.addf %mul3A_576, %add3A_578 : vector<32x64x128xf32>
      %max3A_580 = arith.constant 0.000000e+00 : f32
      %max3A_581 = vector.broadcast %max3A_580 : f32 to vector<32x64x128xf32>
      %max3A_582 = arith.maximumf %add3A_579, %max3A_581 : vector<32x64x128xf32>
      %reshape3A_583 = vector.shape_cast %max3A_582 : vector<32x64x128xf32> to vector<2048x128xf32>
      %get3A_584 = arith.constant 0 : index
      %get3A_585 = arith.constant 0 : index
      %get3A_586 = vector.load %arg20[%get3A_584, %get3A_585] : memref<128x128xf32, #tpu.memory_space<vmem>>, vector<128x128xf32>
      %dot_general3A_587 = arith.constant dense<0.000000e+00> : vector<2048x128xf32>
      %dot_general3A_588 = tpu.matmul %reshape3A_583, %get3A_586, %dot_general3A_587 {dimension_numbers = #tpu.dot_dimension_numbers<[1], [0], [0], [1], [0, 0, 1, 1], [], []>, transpose_lhs_hint = false} : vector<2048x128xf32>, vector<128x128xf32>, vector<2048x128xf32> -> vector<2048x128xf32>
      %add3A_589 = vector.broadcast %get3A_57 : vector<1x128xf32> to vector<2048x128xf32>
      %add3A_590 = arith.addf %dot_general3A_588, %add3A_589 : vector<2048x128xf32>
      %reshape3A_591 = vector.shape_cast %add3A_590 : vector<2048x128xf32> to vector<32x64x128xf32>
      %mul3A_592 = arith.mulf %exp3A_482, %reshape3A_591 : vector<32x64x128xf32>
      %mul3A_593 = arith.mulf %while3A_319, %select_n3A_477 : vector<32x128xf32>
      %mul3A_594 = arith.mulf %mul3A_592, %sub3A_368 : vector<32x64x128xf32>
      %reduce_sum3A_595 = arith.constant dense<0.000000e+00> : vector<32x128xf32>
      %reduce_sum3A_596 = vector.multi_reduction <add>, %mul3A_594, %reduce_sum3A_595 [1] : vector<32x64x128xf32> to vector<32x128xf32>
      %add3A_597 = arith.addf %mul3A_593, %reduce_sum3A_596 : vector<32x128xf32>
      %mul3A_598 = arith.mulf %while3A_320, %select_n3A_477 : vector<32x128xf32>
      %mul3A_599 = arith.mulf %mul3A_592, %sub3A_373 : vector<32x64x128xf32>
      %reduce_sum3A_600 = arith.constant dense<0.000000e+00> : vector<32x128xf32>
      %reduce_sum3A_601 = vector.multi_reduction <add>, %mul3A_599, %reduce_sum3A_600 [1] : vector<32x64x128xf32> to vector<32x128xf32>
      %add3A_602 = arith.addf %mul3A_598, %reduce_sum3A_601 : vector<32x128xf32>
      %mul3A_603 = arith.mulf %while3A_321, %select_n3A_477 : vector<32x128xf32>
      %mul3A_604 = arith.mulf %mul3A_592, %sub3A_378 : vector<32x64x128xf32>
      %reduce_sum3A_605 = arith.constant dense<0.000000e+00> : vector<32x128xf32>
      %reduce_sum3A_606 = vector.multi_reduction <add>, %mul3A_604, %reduce_sum3A_605 [1] : vector<32x64x128xf32> to vector<32x128xf32>
      %add3A_607 = arith.addf %mul3A_603, %reduce_sum3A_606 : vector<32x128xf32>
      scf.yield %max3A_458, %add3A_486, %add3A_540, %add3A_597, %add3A_602, %add3A_607 : vector<32x128xf32>, vector<32x128xf32>, vector<32x128xf32>, vector<32x128xf32>, vector<32x128xf32>, vector<32x128xf32>
    }
    %while3A_193 = arith.constant 1 : i32
    %while3A_194:6 = scf.for %while3A_315 = %while3A_190 to %while3A_186 step %while3A_193 iter_args(%while3A_316 = %while3A_192#0, %while3A_317 = %while3A_192#1, %while3A_318 = %while3A_192#2, %while3A_319 = %while3A_192#3, %while3A_320 = %while3A_192#4, %while3A_321 = %while3A_192#5) -> (vector<32x128xf32>, vector<32x128xf32>, vector<32x128xf32>, vector<32x128xf32>, vector<32x128xf32>, vector<32x128xf32>)  : i32 {
      %add3A_322 = arith.addi %get3A_180, %while3A_315 : i32
      %mul3A_323 = arith.constant 64 : i32
      %mul3A_324 = arith.muli %add3A_322, %mul3A_323 : i32
      %get3A_325 = arith.index_cast %mul3A_324 : i32 to index
      %get3A_326 = arith.constant 0 : index
      %get3A_327 = vector.load %arg16[%get3A_325, %get3A_326] : memref<8000x8xi32, #tpu.memory_space<vmem>>, vector<64x8xi32>
      %slice3A_328 = vector.extract_strided_slice %get3A_327 {offsets = [0, 1], sizes = [64, 1], strides = [1, 1]} : vector<64x8xi32> to vector<64x1xi32>
      %eq3A_329 = arith.constant 0 : i32
      %eq3A_330 = vector.broadcast %eq3A_329 : i32 to vector<64x1xi32>
      %eq3A_331 = arith.cmpi eq, %slice3A_328, %eq3A_330 : vector<64x1xi32>
      %slice3A_332 = vector.extract_strided_slice %get3A_327 {offsets = [0, 0], sizes = [64, 1], strides = [1, 1]} : vector<64x8xi32> to vector<64x1xi32>
      %jit3A_333 = arith.constant -2 : i32
      %broadcast_in_dim3A_334 = vector.broadcast %jit3A_333 : i32 to vector<64x1xi32>
      %select_n3A_335 = arith.select %eq3A_331, %slice3A_332, %broadcast_in_dim3A_334 : vector<64x1xi1>, vector<64x1xi32>
      %broadcast_in_dim3A_336 = vector.shape_cast %select_n3A_335 : vector<64x1xi32> to vector<64x1xi32>
      %broadcast_in_dim3A_337 = vector.broadcast %broadcast_in_dim3A_336 : vector<64x1xi32> to vector<64x128xi32>
      %broadcast_in_dim3A_338 = vector.shape_cast %broadcast_in_dim3A_18 : vector<32x128xi32> to vector<32x1x128xi32>
      %broadcast_in_dim3A_339 = vector.shape_cast %broadcast_in_dim3A_337 : vector<64x128xi32> to vector<1x64x128xi32>
      %eq3A_340 = vector.broadcast %broadcast_in_dim3A_338 : vector<32x1x128xi32> to vector<32x64x128xi32>
      %eq3A_341 = vector.broadcast %broadcast_in_dim3A_339 : vector<1x64x128xi32> to vector<32x64x128xi32>
      %eq3A_342 = arith.cmpi eq, %eq3A_340, %eq3A_341 : vector<32x64x128xi32>
      %get3A_343 = arith.index_cast %mul3A_324 : i32 to index
      %get3A_344 = arith.constant 0 : index
      %get3A_345 = vector.load %arg12[%get3A_343, %get3A_344] : memref<8000x128xf32, #tpu.memory_space<vmem>>, vector<64x128xf32>
      %get3A_346 = arith.index_cast %mul3A_324 : i32 to index
      %get3A_347 = arith.constant 0 : index
      %get3A_348 = vector.load %arg13[%get3A_346, %get3A_347] : memref<8000x128xf32, #tpu.memory_space<vmem>>, vector<64x128xf32>
      %get3A_349 = arith.index_cast %mul3A_324 : i32 to index
      %get3A_350 = arith.constant 0 : index
      %get3A_351 = vector.load %arg14[%get3A_349, %get3A_350] : memref<8000x128xf32, #tpu.memory_space<vmem>>, vector<64x128xf32>
      %get3A_352 = arith.index_cast %mul3A_324 : i32 to index
      %get3A_353 = arith.constant 0 : index
      %get3A_354 = vector.load %arg15[%get3A_352, %get3A_353] : memref<8000x8xf32, #tpu.memory_space<vmem>>, vector<64x8xf32>
      %slice3A_355 = vector.extract_strided_slice %get3A_354 {offsets = [0, 0], sizes = [64, 1], strides = [1, 1]} : vector<64x8xf32> to vector<64x1xf32>
      %broadcast_in_dim3A_356 = vector.shape_cast %slice3A_355 : vector<64x1xf32> to vector<64x1xf32>
      %broadcast_in_dim3A_357 = vector.broadcast %broadcast_in_dim3A_356 : vector<64x1xf32> to vector<64x128xf32>
      %slice3A_358 = vector.extract_strided_slice %get3A_354 {offsets = [0, 1], sizes = [64, 1], strides = [1, 1]} : vector<64x8xf32> to vector<64x1xf32>
      %broadcast_in_dim3A_359 = vector.shape_cast %slice3A_358 : vector<64x1xf32> to vector<64x1xf32>
      %broadcast_in_dim3A_360 = vector.broadcast %broadcast_in_dim3A_359 : vector<64x1xf32> to vector<64x128xf32>
      %slice3A_361 = vector.extract_strided_slice %get3A_354 {offsets = [0, 2], sizes = [64, 1], strides = [1, 1]} : vector<64x8xf32> to vector<64x1xf32>
      %broadcast_in_dim3A_362 = vector.shape_cast %slice3A_361 : vector<64x1xf32> to vector<64x1xf32>
      %broadcast_in_dim3A_363 = vector.broadcast %broadcast_in_dim3A_362 : vector<64x1xf32> to vector<64x128xf32>
      %broadcast_in_dim3A_364 = vector.shape_cast %broadcast_in_dim3A_26 : vector<32x128xf32> to vector<32x1x128xf32>
      %broadcast_in_dim3A_365 = vector.shape_cast %broadcast_in_dim3A_357 : vector<64x128xf32> to vector<1x64x128xf32>
      %sub3A_366 = vector.broadcast %broadcast_in_dim3A_364 : vector<32x1x128xf32> to vector<32x64x128xf32>
      %sub3A_367 = vector.broadcast %broadcast_in_dim3A_365 : vector<1x64x128xf32> to vector<32x64x128xf32>
      %sub3A_368 = arith.subf %sub3A_366, %sub3A_367 : vector<32x64x128xf32>
      %broadcast_in_dim3A_369 = vector.shape_cast %broadcast_in_dim3A_28 : vector<32x128xf32> to vector<32x1x128xf32>
      %broadcast_in_dim3A_370 = vector.shape_cast %broadcast_in_dim3A_360 : vector<64x128xf32> to vector<1x64x128xf32>
      %sub3A_371 = vector.broadcast %broadcast_in_dim3A_369 : vector<32x1x128xf32> to vector<32x64x128xf32>
      %sub3A_372 = vector.broadcast %broadcast_in_dim3A_370 : vector<1x64x128xf32> to vector<32x64x128xf32>
      %sub3A_373 = arith.subf %sub3A_371, %sub3A_372 : vector<32x64x128xf32>
      %broadcast_in_dim3A_374 = vector.shape_cast %broadcast_in_dim3A_30 : vector<32x128xf32> to vector<32x1x128xf32>
      %broadcast_in_dim3A_375 = vector.shape_cast %broadcast_in_dim3A_363 : vector<64x128xf32> to vector<1x64x128xf32>
      %sub3A_376 = vector.broadcast %broadcast_in_dim3A_374 : vector<32x1x128xf32> to vector<32x64x128xf32>
      %sub3A_377 = vector.broadcast %broadcast_in_dim3A_375 : vector<1x64x128xf32> to vector<32x64x128xf32>
      %sub3A_378 = arith.subf %sub3A_376, %sub3A_377 : vector<32x64x128xf32>
      %mul3A_379 = arith.mulf %sub3A_368, %sub3A_368 : vector<32x64x128xf32>
      %mul3A_380 = arith.mulf %sub3A_373, %sub3A_373 : vector<32x64x128xf32>
      %add3A_381 = arith.addf %mul3A_379, %mul3A_380 : vector<32x64x128xf32>
      %mul3A_382 = arith.mulf %sub3A_378, %sub3A_378 : vector<32x64x128xf32>
      %add3A_383 = arith.addf %add3A_381, %mul3A_382 : vector<32x64x128xf32>
      %sqrt3A_384 = math.sqrt %add3A_383 : vector<32x64x128xf32>
      %broadcast_in_dim3A_385 = vector.shape_cast %mul3A_96 : vector<1x128xf32> to vector<1x1x128xf32>
      %sub3A_386 = vector.broadcast %broadcast_in_dim3A_385 : vector<1x1x128xf32> to vector<32x64x128xf32>
      %sub3A_387 = arith.subf %sqrt3A_384, %sub3A_386 : vector<32x64x128xf32>
      %integer_pow3A = arith.mulf %sub3A_387, %sub3A_387 : vector<32x64x128xf32>
      %mul3A_388 = arith.constant -1.12499988 : f32
      %mul3A_389 = vector.broadcast %mul3A_388 : f32 to vector<32x64x128xf32>
      %mul3A_390 = arith.mulf %mul3A_389, %integer_pow3A : vector<32x64x128xf32>
      %exp3A = math.exp %mul3A_390 : vector<32x64x128xf32>
      %reshape3A = vector.shape_cast %exp3A : vector<32x64x128xf32> to vector<2048x128xf32>
      %get3A_391 = arith.constant 0 : index
      %get3A_392 = arith.constant 0 : index
      %get3A_393 = vector.load %arg17[%get3A_391, %get3A_392] : memref<128x384xf32, #tpu.memory_space<vmem>>, vector<128x384xf32>
      %dot_general3A_394 = arith.constant dense<0.000000e+00> : vector<2048x384xf32>
      %dot_general3A_395 = tpu.matmul %reshape3A, %get3A_393, %dot_general3A_394 {dimension_numbers = #tpu.dot_dimension_numbers<[1], [0], [0], [1], [0, 0, 1, 1], [], []>, transpose_lhs_hint = false} : vector<2048x128xf32>, vector<128x384xf32>, vector<2048x384xf32> -> vector<2048x384xf32>
      %reshape3A_396 = vector.shape_cast %dot_general3A_395 : vector<2048x384xf32> to vector<32x64x384xf32>
      %slice3A_397 = vector.extract_strided_slice %reshape3A_396 {offsets = [0, 0, 0], sizes = [32, 64, 128], strides = [1, 1, 1]} : vector<32x64x384xf32> to vector<32x64x128xf32>
      %broadcast_in_dim3A_398 = vector.shape_cast %get3A_345 : vector<64x128xf32> to vector<1x64x128xf32>
      %add3A_399 = vector.broadcast %broadcast_in_dim3A_398 : vector<1x64x128xf32> to vector<32x64x128xf32>
      %add3A_400 = arith.addf %slice3A_397, %add3A_399 : vector<32x64x128xf32>
      %broadcast_in_dim3A_401 = vector.shape_cast %get3A_4 : vector<32x128xf32> to vector<32x1x128xf32>
      %add3A_402 = vector.broadcast %broadcast_in_dim3A_401 : vector<32x1x128xf32> to vector<32x64x128xf32>
      %add3A_403 = arith.addf %add3A_400, %add3A_402 : vector<32x64x128xf32>
      %reduce_sum3A_404 = arith.constant dense<0.000000e+00> : vector<32x64xf32>
      %reduce_sum3A_405 = vector.multi_reduction <add>, %add3A_403, %reduce_sum3A_404 [2] : vector<32x64x128xf32> to vector<32x64xf32>
      %broadcast_in_dim3A_406 = vector.shape_cast %reduce_sum3A_405 : vector<32x64xf32> to vector<32x64x1xf32>
      %div3A_407 = arith.constant 1.280000e+02 : f32
      %div3A_408 = vector.broadcast %div3A_407 : f32 to vector<32x64x1xf32>
      %div3A_409 = arith.divf %broadcast_in_dim3A_406, %div3A_408 : vector<32x64x1xf32>
      %mul3A_410 = arith.mulf %add3A_403, %add3A_403 : vector<32x64x128xf32>
      %reduce_sum3A_411 = arith.constant dense<0.000000e+00> : vector<32x64xf32>
      %reduce_sum3A_412 = vector.multi_reduction <add>, %mul3A_410, %reduce_sum3A_411 [2] : vector<32x64x128xf32> to vector<32x64xf32>
      %broadcast_in_dim3A_413 = vector.shape_cast %reduce_sum3A_412 : vector<32x64xf32> to vector<32x64x1xf32>
      %div3A_414 = arith.constant 1.280000e+02 : f32
      %div3A_415 = vector.broadcast %div3A_414 : f32 to vector<32x64x1xf32>
      %div3A_416 = arith.divf %broadcast_in_dim3A_413, %div3A_415 : vector<32x64x1xf32>
      %mul3A_417 = arith.mulf %div3A_409, %div3A_409 : vector<32x64x1xf32>
      %sub3A_418 = arith.subf %div3A_416, %mul3A_417 : vector<32x64x1xf32>
      %sub3A_419 = vector.broadcast %div3A_409 : vector<32x64x1xf32> to vector<32x64x128xf32>
      %sub3A_420 = arith.subf %add3A_403, %sub3A_419 : vector<32x64x128xf32>
      %add3A_421 = arith.constant 9.99999974E-6 : f32
      %add3A_422 = vector.broadcast %add3A_421 : f32 to vector<32x64x1xf32>
      %add3A_423 = arith.addf %sub3A_418, %add3A_422 : vector<32x64x1xf32>
      %sqrt3A_424 = math.sqrt %add3A_423 : vector<32x64x1xf32>
      %div3A_425 = arith.constant 1.000000e+00 : f32
      %div3A_426 = vector.broadcast %div3A_425 : f32 to vector<32x64x1xf32>
      %div3A_427 = arith.divf %div3A_426, %sqrt3A_424 : vector<32x64x1xf32>
      %mul3A_428 = vector.broadcast %div3A_427 : vector<32x64x1xf32> to vector<32x64x128xf32>
      %mul3A_429 = arith.mulf %sub3A_420, %mul3A_428 : vector<32x64x128xf32>
      %broadcast_in_dim3A_430 = vector.shape_cast %get3A_33 : vector<1x128xf32> to vector<1x1x128xf32>
      %mul3A_431 = vector.broadcast %broadcast_in_dim3A_430 : vector<1x1x128xf32> to vector<32x64x128xf32>
      %mul3A_432 = arith.mulf %mul3A_429, %mul3A_431 : vector<32x64x128xf32>
      %broadcast_in_dim3A_433 = vector.shape_cast %get3A_36 : vector<1x128xf32> to vector<1x1x128xf32>
      %add3A_434 = vector.broadcast %broadcast_in_dim3A_433 : vector<1x1x128xf32> to vector<32x64x128xf32>
      %add3A_435 = arith.addf %mul3A_432, %add3A_434 : vector<32x64x128xf32>
      %max3A_436 = arith.constant 0.000000e+00 : f32
      %max3A_437 = vector.broadcast %max3A_436 : f32 to vector<32x64x128xf32>
      %max3A_438 = arith.maximumf %add3A_435, %max3A_437 : vector<32x64x128xf32>
      %reshape3A_439 = vector.shape_cast %max3A_438 : vector<32x64x128xf32> to vector<2048x128xf32>
      %get3A_440 = arith.constant 0 : index
      %get3A_441 = arith.constant 0 : index
      %get3A_442 = vector.load %arg18[%get3A_440, %get3A_441] : memref<128x128xf32, #tpu.memory_space<vmem>>, vector<128x128xf32>
      %dot_general3A_443 = arith.constant dense<0.000000e+00> : vector<2048x128xf32>
      %dot_general3A_444 = tpu.matmul %reshape3A_439, %get3A_442, %dot_general3A_443 {dimension_numbers = #tpu.dot_dimension_numbers<[1], [0], [0], [1], [0, 0, 1, 1], [], []>, transpose_lhs_hint = false} : vector<2048x128xf32>, vector<128x128xf32>, vector<2048x128xf32> -> vector<2048x128xf32>
      %broadcast_in_dim3A_445 = vector.shape_cast %get3A_1 : vector<32x128xf32> to vector<32x1x128xf32>
      %reshape3A_446 = vector.shape_cast %dot_general3A_444 : vector<2048x128xf32> to vector<32x64x128xf32>
      %mul3A_447 = vector.broadcast %broadcast_in_dim3A_445 : vector<32x1x128xf32> to vector<32x64x128xf32>
      %mul3A_448 = arith.mulf %mul3A_447, %reshape3A_446 : vector<32x64x128xf32>
      %reshape3A_449 = vector.shape_cast %mul3A_448 : vector<32x64x128xf32> to vector<2048x128xf32>
      %dot_general3A_450 = arith.constant dense<0.000000e+00> : vector<2048x128xf32>
      %dot_general3A_451 = tpu.matmul %reshape3A_449, %convert_element_type3A_163, %dot_general3A_450 {dimension_numbers = #tpu.dot_dimension_numbers<[1], [0], [0], [1], [0, 0, 1, 1], [], []>, transpose_lhs_hint = false} : vector<2048x128xf32>, vector<128x128xf32>, vector<2048x128xf32> -> vector<2048x128xf32>
      %reshape3A_452 = vector.shape_cast %dot_general3A_451 : vector<2048x128xf32> to vector<32x64x128xf32>
      %jit3A_453 = arith.constant 0xFF800000 : f32
      %broadcast_in_dim3A_454 = vector.broadcast %jit3A_453 : f32 to vector<32x64x128xf32>
      %select_n3A_455 = arith.select %eq3A_342, %reshape3A_452, %broadcast_in_dim3A_454 : vector<32x64x128xi1>, vector<32x64x128xf32>
      %reduce_max3A = arith.constant dense<0xFF800000> : vector<32x128xf32>
      %reduce_max3A_456 = vector.multi_reduction <maximumf>, %select_n3A_455, %reduce_max3A [1] : vector<32x64x128xf32> to vector<32x128xf32>
      %add3A_457 = arith.addf %reduce_max3A_456, %dot_general3A_166 : vector<32x128xf32>
      %max3A_458 = arith.maximumf %while3A_316, %add3A_457 : vector<32x128xf32>
      %is_finite3A = tpu.weird %max3A_458 : vector<32x128xf32> -> vector<32x128xi1>
      %is_finite3A_459 = arith.constant dense<true> : vector<32x128xi1>
      %is_finite3A_460 = arith.xori %is_finite3A, %is_finite3A_459 : vector<32x128xi1>
      %jit3A_461 = arith.constant 0.000000e+00 : f32
      %broadcast_in_dim3A_462 = vector.broadcast %jit3A_461 : f32 to vector<32x128xf32>
      %select_n3A_463 = arith.select %is_finite3A_460, %max3A_458, %broadcast_in_dim3A_462 : vector<32x128xi1>, vector<32x128xf32>
      %is_finite3A_464 = tpu.weird %while3A_316 : vector<32x128xf32> -> vector<32x128xi1>
      %is_finite3A_465 = arith.constant dense<true> : vector<32x128xi1>
      %is_finite3A_466 = arith.xori %is_finite3A_464, %is_finite3A_465 : vector<32x128xi1>
      %jit3A_467 = arith.constant 0.000000e+00 : f32
      %broadcast_in_dim3A_468 = vector.broadcast %jit3A_467 : f32 to vector<32x128xf32>
      %select_n3A_469 = arith.select %is_finite3A_466, %while3A_316, %broadcast_in_dim3A_468 : vector<32x128xi1>, vector<32x128xf32>
      %is_finite3A_470 = tpu.weird %while3A_316 : vector<32x128xf32> -> vector<32x128xi1>
      %is_finite3A_471 = arith.constant dense<true> : vector<32x128xi1>
      %is_finite3A_472 = arith.xori %is_finite3A_470, %is_finite3A_471 : vector<32x128xi1>
      %sub3A_473 = arith.subf %select_n3A_469, %select_n3A_463 : vector<32x128xf32>
      %exp3A_474 = math.exp %sub3A_473 : vector<32x128xf32>
      %jit3A_475 = arith.constant 0.000000e+00 : f32
      %broadcast_in_dim3A_476 = vector.broadcast %jit3A_475 : f32 to vector<32x128xf32>
      %select_n3A_477 = arith.select %is_finite3A_472, %exp3A_474, %broadcast_in_dim3A_476 : vector<32x128xi1>, vector<32x128xf32>
      %sub3A_478 = arith.subf %select_n3A_463, %dot_general3A_166 : vector<32x128xf32>
      %broadcast_in_dim3A_479 = vector.shape_cast %sub3A_478 : vector<32x128xf32> to vector<32x1x128xf32>
      %sub3A_480 = vector.broadcast %broadcast_in_dim3A_479 : vector<32x1x128xf32> to vector<32x64x128xf32>
      %sub3A_481 = arith.subf %select_n3A_455, %sub3A_480 : vector<32x64x128xf32>
      %exp3A_482 = math.exp %sub3A_481 : vector<32x64x128xf32>
      %mul3A_483 = arith.mulf %while3A_317, %select_n3A_477 : vector<32x128xf32>
      %reduce_sum3A_484 = arith.constant dense<0.000000e+00> : vector<32x128xf32>
      %reduce_sum3A_485 = vector.multi_reduction <add>, %exp3A_482, %reduce_sum3A_484 [1] : vector<32x64x128xf32> to vector<32x128xf32>
      %add3A_486 = arith.addf %mul3A_483, %reduce_sum3A_485 : vector<32x128xf32>
      %slice3A_487 = vector.extract_strided_slice %reshape3A_396 {offsets = [0, 0, 128], sizes = [32, 64, 128], strides = [1, 1, 1]} : vector<32x64x384xf32> to vector<32x64x128xf32>
      %broadcast_in_dim3A_488 = vector.shape_cast %get3A_348 : vector<64x128xf32> to vector<1x64x128xf32>
      %add3A_489 = vector.broadcast %broadcast_in_dim3A_488 : vector<1x64x128xf32> to vector<32x64x128xf32>
      %add3A_490 = arith.addf %slice3A_487, %add3A_489 : vector<32x64x128xf32>
      %broadcast_in_dim3A_491 = vector.shape_cast %get3A_7 : vector<32x128xf32> to vector<32x1x128xf32>
      %add3A_492 = vector.broadcast %broadcast_in_dim3A_491 : vector<32x1x128xf32> to vector<32x64x128xf32>
      %add3A_493 = arith.addf %add3A_490, %add3A_492 : vector<32x64x128xf32>
      %reduce_sum3A_494 = arith.constant dense<0.000000e+00> : vector<32x64xf32>
      %reduce_sum3A_495 = vector.multi_reduction <add>, %add3A_493, %reduce_sum3A_494 [2] : vector<32x64x128xf32> to vector<32x64xf32>
      %broadcast_in_dim3A_496 = vector.shape_cast %reduce_sum3A_495 : vector<32x64xf32> to vector<32x64x1xf32>
      %div3A_497 = arith.constant 1.280000e+02 : f32
      %div3A_498 = vector.broadcast %div3A_497 : f32 to vector<32x64x1xf32>
      %div3A_499 = arith.divf %broadcast_in_dim3A_496, %div3A_498 : vector<32x64x1xf32>
      %mul3A_500 = arith.mulf %add3A_493, %add3A_493 : vector<32x64x128xf32>
      %reduce_sum3A_501 = arith.constant dense<0.000000e+00> : vector<32x64xf32>
      %reduce_sum3A_502 = vector.multi_reduction <add>, %mul3A_500, %reduce_sum3A_501 [2] : vector<32x64x128xf32> to vector<32x64xf32>
      %broadcast_in_dim3A_503 = vector.shape_cast %reduce_sum3A_502 : vector<32x64xf32> to vector<32x64x1xf32>
      %div3A_504 = arith.constant 1.280000e+02 : f32
      %div3A_505 = vector.broadcast %div3A_504 : f32 to vector<32x64x1xf32>
      %div3A_506 = arith.divf %broadcast_in_dim3A_503, %div3A_505 : vector<32x64x1xf32>
      %mul3A_507 = arith.mulf %div3A_499, %div3A_499 : vector<32x64x1xf32>
      %sub3A_508 = arith.subf %div3A_506, %mul3A_507 : vector<32x64x1xf32>
      %sub3A_509 = vector.broadcast %div3A_499 : vector<32x64x1xf32> to vector<32x64x128xf32>
      %sub3A_510 = arith.subf %add3A_493, %sub3A_509 : vector<32x64x128xf32>
      %add3A_511 = arith.constant 9.99999974E-6 : f32
      %add3A_512 = vector.broadcast %add3A_511 : f32 to vector<32x64x1xf32>
      %add3A_513 = arith.addf %sub3A_508, %add3A_512 : vector<32x64x1xf32>
      %sqrt3A_514 = math.sqrt %add3A_513 : vector<32x64x1xf32>
      %div3A_515 = arith.constant 1.000000e+00 : f32
      %div3A_516 = vector.broadcast %div3A_515 : f32 to vector<32x64x1xf32>
      %div3A_517 = arith.divf %div3A_516, %sqrt3A_514 : vector<32x64x1xf32>
      %mul3A_518 = vector.broadcast %div3A_517 : vector<32x64x1xf32> to vector<32x64x128xf32>
      %mul3A_519 = arith.mulf %sub3A_510, %mul3A_518 : vector<32x64x128xf32>
      %broadcast_in_dim3A_520 = vector.shape_cast %get3A_42 : vector<1x128xf32> to vector<1x1x128xf32>
      %mul3A_521 = vector.broadcast %broadcast_in_dim3A_520 : vector<1x1x128xf32> to vector<32x64x128xf32>
      %mul3A_522 = arith.mulf %mul3A_519, %mul3A_521 : vector<32x64x128xf32>
      %broadcast_in_dim3A_523 = vector.shape_cast %get3A_45 : vector<1x128xf32> to vector<1x1x128xf32>
      %add3A_524 = vector.broadcast %broadcast_in_dim3A_523 : vector<1x1x128xf32> to vector<32x64x128xf32>
      %add3A_525 = arith.addf %mul3A_522, %add3A_524 : vector<32x64x128xf32>
      %max3A_526 = arith.constant 0.000000e+00 : f32
      %max3A_527 = vector.broadcast %max3A_526 : f32 to vector<32x64x128xf32>
      %max3A_528 = arith.maximumf %add3A_525, %max3A_527 : vector<32x64x128xf32>
      %reshape3A_529 = vector.shape_cast %max3A_528 : vector<32x64x128xf32> to vector<2048x128xf32>
      %get3A_530 = arith.constant 0 : index
      %get3A_531 = arith.constant 0 : index
      %get3A_532 = vector.load %arg19[%get3A_530, %get3A_531] : memref<128x128xf32, #tpu.memory_space<vmem>>, vector<128x128xf32>
      %dot_general3A_533 = arith.constant dense<0.000000e+00> : vector<2048x128xf32>
      %dot_general3A_534 = tpu.matmul %reshape3A_529, %get3A_532, %dot_general3A_533 {dimension_numbers = #tpu.dot_dimension_numbers<[1], [0], [0], [1], [0, 0, 1, 1], [], []>, transpose_lhs_hint = false} : vector<2048x128xf32>, vector<128x128xf32>, vector<2048x128xf32> -> vector<2048x128xf32>
      %reshape3A_535 = vector.shape_cast %dot_general3A_534 : vector<2048x128xf32> to vector<32x64x128xf32>
      %mul3A_536 = arith.mulf %exp3A_482, %reshape3A_535 : vector<32x64x128xf32>
      %reduce_sum3A_537 = arith.constant dense<0.000000e+00> : vector<32x128xf32>
      %reduce_sum3A_538 = vector.multi_reduction <add>, %mul3A_536, %reduce_sum3A_537 [1] : vector<32x64x128xf32> to vector<32x128xf32>
      %mul3A_539 = arith.mulf %while3A_318, %select_n3A_477 : vector<32x128xf32>
      %add3A_540 = arith.addf %mul3A_539, %reduce_sum3A_538 : vector<32x128xf32>
      %slice3A_541 = vector.extract_strided_slice %reshape3A_396 {offsets = [0, 0, 256], sizes = [32, 64, 128], strides = [1, 1, 1]} : vector<32x64x384xf32> to vector<32x64x128xf32>
      %broadcast_in_dim3A_542 = vector.shape_cast %get3A_351 : vector<64x128xf32> to vector<1x64x128xf32>
      %add3A_543 = vector.broadcast %broadcast_in_dim3A_542 : vector<1x64x128xf32> to vector<32x64x128xf32>
      %add3A_544 = arith.addf %slice3A_541, %add3A_543 : vector<32x64x128xf32>
      %broadcast_in_dim3A_545 = vector.shape_cast %get3A_10 : vector<32x128xf32> to vector<32x1x128xf32>
      %add3A_546 = vector.broadcast %broadcast_in_dim3A_545 : vector<32x1x128xf32> to vector<32x64x128xf32>
      %add3A_547 = arith.addf %add3A_544, %add3A_546 : vector<32x64x128xf32>
      %reduce_sum3A_548 = arith.constant dense<0.000000e+00> : vector<32x64xf32>
      %reduce_sum3A_549 = vector.multi_reduction <add>, %add3A_547, %reduce_sum3A_548 [2] : vector<32x64x128xf32> to vector<32x64xf32>
      %broadcast_in_dim3A_550 = vector.shape_cast %reduce_sum3A_549 : vector<32x64xf32> to vector<32x64x1xf32>
      %div3A_551 = arith.constant 1.280000e+02 : f32
      %div3A_552 = vector.broadcast %div3A_551 : f32 to vector<32x64x1xf32>
      %div3A_553 = arith.divf %broadcast_in_dim3A_550, %div3A_552 : vector<32x64x1xf32>
      %mul3A_554 = arith.mulf %add3A_547, %add3A_547 : vector<32x64x128xf32>
      %reduce_sum3A_555 = arith.constant dense<0.000000e+00> : vector<32x64xf32>
      %reduce_sum3A_556 = vector.multi_reduction <add>, %mul3A_554, %reduce_sum3A_555 [2] : vector<32x64x128xf32> to vector<32x64xf32>
      %broadcast_in_dim3A_557 = vector.shape_cast %reduce_sum3A_556 : vector<32x64xf32> to vector<32x64x1xf32>
      %div3A_558 = arith.constant 1.280000e+02 : f32
      %div3A_559 = vector.broadcast %div3A_558 : f32 to vector<32x64x1xf32>
      %div3A_560 = arith.divf %broadcast_in_dim3A_557, %div3A_559 : vector<32x64x1xf32>
      %mul3A_561 = arith.mulf %div3A_553, %div3A_553 : vector<32x64x1xf32>
      %sub3A_562 = arith.subf %div3A_560, %mul3A_561 : vector<32x64x1xf32>
      %sub3A_563 = vector.broadcast %div3A_553 : vector<32x64x1xf32> to vector<32x64x128xf32>
      %sub3A_564 = arith.subf %add3A_547, %sub3A_563 : vector<32x64x128xf32>
      %add3A_565 = arith.constant 9.99999974E-6 : f32
      %add3A_566 = vector.broadcast %add3A_565 : f32 to vector<32x64x1xf32>
      %add3A_567 = arith.addf %sub3A_562, %add3A_566 : vector<32x64x1xf32>
      %sqrt3A_568 = math.sqrt %add3A_567 : vector<32x64x1xf32>
      %div3A_569 = arith.constant 1.000000e+00 : f32
      %div3A_570 = vector.broadcast %div3A_569 : f32 to vector<32x64x1xf32>
      %div3A_571 = arith.divf %div3A_570, %sqrt3A_568 : vector<32x64x1xf32>
      %mul3A_572 = vector.broadcast %div3A_571 : vector<32x64x1xf32> to vector<32x64x128xf32>
      %mul3A_573 = arith.mulf %sub3A_564, %mul3A_572 : vector<32x64x128xf32>
      %broadcast_in_dim3A_574 = vector.shape_cast %get3A_51 : vector<1x128xf32> to vector<1x1x128xf32>
      %mul3A_575 = vector.broadcast %broadcast_in_dim3A_574 : vector<1x1x128xf32> to vector<32x64x128xf32>
      %mul3A_576 = arith.mulf %mul3A_573, %mul3A_575 : vector<32x64x128xf32>
      %broadcast_in_dim3A_577 = vector.shape_cast %get3A_54 : vector<1x128xf32> to vector<1x1x128xf32>
      %add3A_578 = vector.broadcast %broadcast_in_dim3A_577 : vector<1x1x128xf32> to vector<32x64x128xf32>
      %add3A_579 = arith.addf %mul3A_576, %add3A_578 : vector<32x64x128xf32>
      %max3A_580 = arith.constant 0.000000e+00 : f32
      %max3A_581 = vector.broadcast %max3A_580 : f32 to vector<32x64x128xf32>
      %max3A_582 = arith.maximumf %add3A_579, %max3A_581 : vector<32x64x128xf32>
      %reshape3A_583 = vector.shape_cast %max3A_582 : vector<32x64x128xf32> to vector<2048x128xf32>
      %get3A_584 = arith.constant 0 : index
      %get3A_585 = arith.constant 0 : index
      %get3A_586 = vector.load %arg20[%get3A_584, %get3A_585] : memref<128x128xf32, #tpu.memory_space<vmem>>, vector<128x128xf32>
      %dot_general3A_587 = arith.constant dense<0.000000e+00> : vector<2048x128xf32>
      %dot_general3A_588 = tpu.matmul %reshape3A_583, %get3A_586, %dot_general3A_587 {dimension_numbers = #tpu.dot_dimension_numbers<[1], [0], [0], [1], [0, 0, 1, 1], [], []>, transpose_lhs_hint = false} : vector<2048x128xf32>, vector<128x128xf32>, vector<2048x128xf32> -> vector<2048x128xf32>
      %add3A_589 = vector.broadcast %get3A_57 : vector<1x128xf32> to vector<2048x128xf32>
      %add3A_590 = arith.addf %dot_general3A_588, %add3A_589 : vector<2048x128xf32>
      %reshape3A_591 = vector.shape_cast %add3A_590 : vector<2048x128xf32> to vector<32x64x128xf32>
      %mul3A_592 = arith.mulf %exp3A_482, %reshape3A_591 : vector<32x64x128xf32>
      %mul3A_593 = arith.mulf %while3A_319, %select_n3A_477 : vector<32x128xf32>
      %mul3A_594 = arith.mulf %mul3A_592, %sub3A_368 : vector<32x64x128xf32>
      %reduce_sum3A_595 = arith.constant dense<0.000000e+00> : vector<32x128xf32>
      %reduce_sum3A_596 = vector.multi_reduction <add>, %mul3A_594, %reduce_sum3A_595 [1] : vector<32x64x128xf32> to vector<32x128xf32>
      %add3A_597 = arith.addf %mul3A_593, %reduce_sum3A_596 : vector<32x128xf32>
      %mul3A_598 = arith.mulf %while3A_320, %select_n3A_477 : vector<32x128xf32>
      %mul3A_599 = arith.mulf %mul3A_592, %sub3A_373 : vector<32x64x128xf32>
      %reduce_sum3A_600 = arith.constant dense<0.000000e+00> : vector<32x128xf32>
      %reduce_sum3A_601 = vector.multi_reduction <add>, %mul3A_599, %reduce_sum3A_600 [1] : vector<32x64x128xf32> to vector<32x128xf32>
      %add3A_602 = arith.addf %mul3A_598, %reduce_sum3A_601 : vector<32x128xf32>
      %mul3A_603 = arith.mulf %while3A_321, %select_n3A_477 : vector<32x128xf32>
      %mul3A_604 = arith.mulf %mul3A_592, %sub3A_378 : vector<32x64x128xf32>
      %reduce_sum3A_605 = arith.constant dense<0.000000e+00> : vector<32x128xf32>
      %reduce_sum3A_606 = vector.multi_reduction <add>, %mul3A_604, %reduce_sum3A_605 [1] : vector<32x64x128xf32> to vector<32x128xf32>
      %add3A_607 = arith.addf %mul3A_603, %reduce_sum3A_606 : vector<32x128xf32>
      scf.yield %max3A_458, %add3A_486, %add3A_540, %add3A_597, %add3A_602, %add3A_607 : vector<32x128xf32>, vector<32x128xf32>, vector<32x128xf32>, vector<32x128xf32>, vector<32x128xf32>, vector<32x128xf32>
    }
    %get3A_195 = arith.index_cast %arg0 : i32 to index
    %get3A_196 = memref.load %arg4[%get3A_195] : memref<250xi32, #tpu.memory_space<smem>>
    %while3A_197 = arith.constant 0 : i32
    %while3A_198 = arith.subi %get3A_196, %while3A_197 : i32
    %while3A_199 = arith.addi %while3A_197, %while3A_198 : i32
    %while3A_200 = arith.constant 1 : i32
    %while3A_201 = arith.divsi %while3A_198, %while3A_200 : i32
    %while3A_202 = arith.muli %while3A_201, %while3A_200 : i32
    %while3A_203 = arith.addi %while3A_197, %while3A_202 : i32
    %while3A_204 = arith.constant 1 : i32
    %while3A_205:6 = scf.for %while3A_315 = %while3A_197 to %while3A_203 step %while3A_204 iter_args(%while3A_316 = %while3A_194#0, %while3A_317 = %while3A_194#1, %while3A_318 = %while3A_194#2, %while3A_319 = %while3A_194#3, %while3A_320 = %while3A_194#4, %while3A_321 = %while3A_194#5) -> (vector<32x128xf32>, vector<32x128xf32>, vector<32x128xf32>, vector<32x128xf32>, vector<32x128xf32>, vector<32x128xf32>)  : i32 {
      %add3A_322 = arith.addi %get3A_182, %while3A_315 : i32
      %mul3A_323 = arith.constant 64 : i32
      %mul3A_324 = arith.muli %add3A_322, %mul3A_323 : i32
      %get3A_325 = arith.index_cast %mul3A_324 : i32 to index
      %get3A_326 = arith.constant 0 : index
      %get3A_327 = vector.load %arg16[%get3A_325, %get3A_326] : memref<8000x8xi32, #tpu.memory_space<vmem>>, vector<64x8xi32>
      %slice3A_328 = vector.extract_strided_slice %get3A_327 {offsets = [0, 1], sizes = [64, 1], strides = [1, 1]} : vector<64x8xi32> to vector<64x1xi32>
      %eq3A_329 = arith.constant 0 : i32
      %eq3A_330 = vector.broadcast %eq3A_329 : i32 to vector<64x1xi32>
      %eq3A_331 = arith.cmpi eq, %slice3A_328, %eq3A_330 : vector<64x1xi32>
      %slice3A_332 = vector.extract_strided_slice %get3A_327 {offsets = [0, 0], sizes = [64, 1], strides = [1, 1]} : vector<64x8xi32> to vector<64x1xi32>
      %jit3A_333 = arith.constant -2 : i32
      %broadcast_in_dim3A_334 = vector.broadcast %jit3A_333 : i32 to vector<64x1xi32>
      %select_n3A_335 = arith.select %eq3A_331, %slice3A_332, %broadcast_in_dim3A_334 : vector<64x1xi1>, vector<64x1xi32>
      %broadcast_in_dim3A_336 = vector.shape_cast %select_n3A_335 : vector<64x1xi32> to vector<64x1xi32>
      %broadcast_in_dim3A_337 = vector.broadcast %broadcast_in_dim3A_336 : vector<64x1xi32> to vector<64x128xi32>
      %broadcast_in_dim3A_338 = vector.shape_cast %broadcast_in_dim3A_18 : vector<32x128xi32> to vector<32x1x128xi32>
      %broadcast_in_dim3A_339 = vector.shape_cast %broadcast_in_dim3A_337 : vector<64x128xi32> to vector<1x64x128xi32>
      %eq3A_340 = vector.broadcast %broadcast_in_dim3A_338 : vector<32x1x128xi32> to vector<32x64x128xi32>
      %eq3A_341 = vector.broadcast %broadcast_in_dim3A_339 : vector<1x64x128xi32> to vector<32x64x128xi32>
      %eq3A_342 = arith.cmpi eq, %eq3A_340, %eq3A_341 : vector<32x64x128xi32>
      %get3A_343 = arith.index_cast %mul3A_324 : i32 to index
      %get3A_344 = arith.constant 0 : index
      %get3A_345 = vector.load %arg12[%get3A_343, %get3A_344] : memref<8000x128xf32, #tpu.memory_space<vmem>>, vector<64x128xf32>
      %get3A_346 = arith.index_cast %mul3A_324 : i32 to index
      %get3A_347 = arith.constant 0 : index
      %get3A_348 = vector.load %arg13[%get3A_346, %get3A_347] : memref<8000x128xf32, #tpu.memory_space<vmem>>, vector<64x128xf32>
      %get3A_349 = arith.index_cast %mul3A_324 : i32 to index
      %get3A_350 = arith.constant 0 : index
      %get3A_351 = vector.load %arg14[%get3A_349, %get3A_350] : memref<8000x128xf32, #tpu.memory_space<vmem>>, vector<64x128xf32>
      %get3A_352 = arith.index_cast %mul3A_324 : i32 to index
      %get3A_353 = arith.constant 0 : index
      %get3A_354 = vector.load %arg15[%get3A_352, %get3A_353] : memref<8000x8xf32, #tpu.memory_space<vmem>>, vector<64x8xf32>
      %slice3A_355 = vector.extract_strided_slice %get3A_354 {offsets = [0, 0], sizes = [64, 1], strides = [1, 1]} : vector<64x8xf32> to vector<64x1xf32>
      %broadcast_in_dim3A_356 = vector.shape_cast %slice3A_355 : vector<64x1xf32> to vector<64x1xf32>
      %broadcast_in_dim3A_357 = vector.broadcast %broadcast_in_dim3A_356 : vector<64x1xf32> to vector<64x128xf32>
      %slice3A_358 = vector.extract_strided_slice %get3A_354 {offsets = [0, 1], sizes = [64, 1], strides = [1, 1]} : vector<64x8xf32> to vector<64x1xf32>
      %broadcast_in_dim3A_359 = vector.shape_cast %slice3A_358 : vector<64x1xf32> to vector<64x1xf32>
      %broadcast_in_dim3A_360 = vector.broadcast %broadcast_in_dim3A_359 : vector<64x1xf32> to vector<64x128xf32>
      %slice3A_361 = vector.extract_strided_slice %get3A_354 {offsets = [0, 2], sizes = [64, 1], strides = [1, 1]} : vector<64x8xf32> to vector<64x1xf32>
      %broadcast_in_dim3A_362 = vector.shape_cast %slice3A_361 : vector<64x1xf32> to vector<64x1xf32>
      %broadcast_in_dim3A_363 = vector.broadcast %broadcast_in_dim3A_362 : vector<64x1xf32> to vector<64x128xf32>
      %broadcast_in_dim3A_364 = vector.shape_cast %broadcast_in_dim3A_26 : vector<32x128xf32> to vector<32x1x128xf32>
      %broadcast_in_dim3A_365 = vector.shape_cast %broadcast_in_dim3A_357 : vector<64x128xf32> to vector<1x64x128xf32>
      %sub3A_366 = vector.broadcast %broadcast_in_dim3A_364 : vector<32x1x128xf32> to vector<32x64x128xf32>
      %sub3A_367 = vector.broadcast %broadcast_in_dim3A_365 : vector<1x64x128xf32> to vector<32x64x128xf32>
      %sub3A_368 = arith.subf %sub3A_366, %sub3A_367 : vector<32x64x128xf32>
      %broadcast_in_dim3A_369 = vector.shape_cast %broadcast_in_dim3A_28 : vector<32x128xf32> to vector<32x1x128xf32>
      %broadcast_in_dim3A_370 = vector.shape_cast %broadcast_in_dim3A_360 : vector<64x128xf32> to vector<1x64x128xf32>
      %sub3A_371 = vector.broadcast %broadcast_in_dim3A_369 : vector<32x1x128xf32> to vector<32x64x128xf32>
      %sub3A_372 = vector.broadcast %broadcast_in_dim3A_370 : vector<1x64x128xf32> to vector<32x64x128xf32>
      %sub3A_373 = arith.subf %sub3A_371, %sub3A_372 : vector<32x64x128xf32>
      %broadcast_in_dim3A_374 = vector.shape_cast %broadcast_in_dim3A_30 : vector<32x128xf32> to vector<32x1x128xf32>
      %broadcast_in_dim3A_375 = vector.shape_cast %broadcast_in_dim3A_363 : vector<64x128xf32> to vector<1x64x128xf32>
      %sub3A_376 = vector.broadcast %broadcast_in_dim3A_374 : vector<32x1x128xf32> to vector<32x64x128xf32>
      %sub3A_377 = vector.broadcast %broadcast_in_dim3A_375 : vector<1x64x128xf32> to vector<32x64x128xf32>
      %sub3A_378 = arith.subf %sub3A_376, %sub3A_377 : vector<32x64x128xf32>
      %mul3A_379 = arith.mulf %sub3A_368, %sub3A_368 : vector<32x64x128xf32>
      %mul3A_380 = arith.mulf %sub3A_373, %sub3A_373 : vector<32x64x128xf32>
      %add3A_381 = arith.addf %mul3A_379, %mul3A_380 : vector<32x64x128xf32>
      %mul3A_382 = arith.mulf %sub3A_378, %sub3A_378 : vector<32x64x128xf32>
      %add3A_383 = arith.addf %add3A_381, %mul3A_382 : vector<32x64x128xf32>
      %sqrt3A_384 = math.sqrt %add3A_383 : vector<32x64x128xf32>
      %broadcast_in_dim3A_385 = vector.shape_cast %mul3A_96 : vector<1x128xf32> to vector<1x1x128xf32>
      %sub3A_386 = vector.broadcast %broadcast_in_dim3A_385 : vector<1x1x128xf32> to vector<32x64x128xf32>
      %sub3A_387 = arith.subf %sqrt3A_384, %sub3A_386 : vector<32x64x128xf32>
      %integer_pow3A = arith.mulf %sub3A_387, %sub3A_387 : vector<32x64x128xf32>
      %mul3A_388 = arith.constant -1.12499988 : f32
      %mul3A_389 = vector.broadcast %mul3A_388 : f32 to vector<32x64x128xf32>
      %mul3A_390 = arith.mulf %mul3A_389, %integer_pow3A : vector<32x64x128xf32>
      %exp3A = math.exp %mul3A_390 : vector<32x64x128xf32>
      %reshape3A = vector.shape_cast %exp3A : vector<32x64x128xf32> to vector<2048x128xf32>
      %get3A_391 = arith.constant 0 : index
      %get3A_392 = arith.constant 0 : index
      %get3A_393 = vector.load %arg17[%get3A_391, %get3A_392] : memref<128x384xf32, #tpu.memory_space<vmem>>, vector<128x384xf32>
      %dot_general3A_394 = arith.constant dense<0.000000e+00> : vector<2048x384xf32>
      %dot_general3A_395 = tpu.matmul %reshape3A, %get3A_393, %dot_general3A_394 {dimension_numbers = #tpu.dot_dimension_numbers<[1], [0], [0], [1], [0, 0, 1, 1], [], []>, transpose_lhs_hint = false} : vector<2048x128xf32>, vector<128x384xf32>, vector<2048x384xf32> -> vector<2048x384xf32>
      %reshape3A_396 = vector.shape_cast %dot_general3A_395 : vector<2048x384xf32> to vector<32x64x384xf32>
      %slice3A_397 = vector.extract_strided_slice %reshape3A_396 {offsets = [0, 0, 0], sizes = [32, 64, 128], strides = [1, 1, 1]} : vector<32x64x384xf32> to vector<32x64x128xf32>
      %broadcast_in_dim3A_398 = vector.shape_cast %get3A_345 : vector<64x128xf32> to vector<1x64x128xf32>
      %add3A_399 = vector.broadcast %broadcast_in_dim3A_398 : vector<1x64x128xf32> to vector<32x64x128xf32>
      %add3A_400 = arith.addf %slice3A_397, %add3A_399 : vector<32x64x128xf32>
      %broadcast_in_dim3A_401 = vector.shape_cast %get3A_4 : vector<32x128xf32> to vector<32x1x128xf32>
      %add3A_402 = vector.broadcast %broadcast_in_dim3A_401 : vector<32x1x128xf32> to vector<32x64x128xf32>
      %add3A_403 = arith.addf %add3A_400, %add3A_402 : vector<32x64x128xf32>
      %reduce_sum3A_404 = arith.constant dense<0.000000e+00> : vector<32x64xf32>
      %reduce_sum3A_405 = vector.multi_reduction <add>, %add3A_403, %reduce_sum3A_404 [2] : vector<32x64x128xf32> to vector<32x64xf32>
      %broadcast_in_dim3A_406 = vector.shape_cast %reduce_sum3A_405 : vector<32x64xf32> to vector<32x64x1xf32>
      %div3A_407 = arith.constant 1.280000e+02 : f32
      %div3A_408 = vector.broadcast %div3A_407 : f32 to vector<32x64x1xf32>
      %div3A_409 = arith.divf %broadcast_in_dim3A_406, %div3A_408 : vector<32x64x1xf32>
      %mul3A_410 = arith.mulf %add3A_403, %add3A_403 : vector<32x64x128xf32>
      %reduce_sum3A_411 = arith.constant dense<0.000000e+00> : vector<32x64xf32>
      %reduce_sum3A_412 = vector.multi_reduction <add>, %mul3A_410, %reduce_sum3A_411 [2] : vector<32x64x128xf32> to vector<32x64xf32>
      %broadcast_in_dim3A_413 = vector.shape_cast %reduce_sum3A_412 : vector<32x64xf32> to vector<32x64x1xf32>
      %div3A_414 = arith.constant 1.280000e+02 : f32
      %div3A_415 = vector.broadcast %div3A_414 : f32 to vector<32x64x1xf32>
      %div3A_416 = arith.divf %broadcast_in_dim3A_413, %div3A_415 : vector<32x64x1xf32>
      %mul3A_417 = arith.mulf %div3A_409, %div3A_409 : vector<32x64x1xf32>
      %sub3A_418 = arith.subf %div3A_416, %mul3A_417 : vector<32x64x1xf32>
      %sub3A_419 = vector.broadcast %div3A_409 : vector<32x64x1xf32> to vector<32x64x128xf32>
      %sub3A_420 = arith.subf %add3A_403, %sub3A_419 : vector<32x64x128xf32>
      %add3A_421 = arith.constant 9.99999974E-6 : f32
      %add3A_422 = vector.broadcast %add3A_421 : f32 to vector<32x64x1xf32>
      %add3A_423 = arith.addf %sub3A_418, %add3A_422 : vector<32x64x1xf32>
      %sqrt3A_424 = math.sqrt %add3A_423 : vector<32x64x1xf32>
      %div3A_425 = arith.constant 1.000000e+00 : f32
      %div3A_426 = vector.broadcast %div3A_425 : f32 to vector<32x64x1xf32>
      %div3A_427 = arith.divf %div3A_426, %sqrt3A_424 : vector<32x64x1xf32>
      %mul3A_428 = vector.broadcast %div3A_427 : vector<32x64x1xf32> to vector<32x64x128xf32>
      %mul3A_429 = arith.mulf %sub3A_420, %mul3A_428 : vector<32x64x128xf32>
      %broadcast_in_dim3A_430 = vector.shape_cast %get3A_33 : vector<1x128xf32> to vector<1x1x128xf32>
      %mul3A_431 = vector.broadcast %broadcast_in_dim3A_430 : vector<1x1x128xf32> to vector<32x64x128xf32>
      %mul3A_432 = arith.mulf %mul3A_429, %mul3A_431 : vector<32x64x128xf32>
      %broadcast_in_dim3A_433 = vector.shape_cast %get3A_36 : vector<1x128xf32> to vector<1x1x128xf32>
      %add3A_434 = vector.broadcast %broadcast_in_dim3A_433 : vector<1x1x128xf32> to vector<32x64x128xf32>
      %add3A_435 = arith.addf %mul3A_432, %add3A_434 : vector<32x64x128xf32>
      %max3A_436 = arith.constant 0.000000e+00 : f32
      %max3A_437 = vector.broadcast %max3A_436 : f32 to vector<32x64x128xf32>
      %max3A_438 = arith.maximumf %add3A_435, %max3A_437 : vector<32x64x128xf32>
      %reshape3A_439 = vector.shape_cast %max3A_438 : vector<32x64x128xf32> to vector<2048x128xf32>
      %get3A_440 = arith.constant 0 : index
      %get3A_441 = arith.constant 0 : index
      %get3A_442 = vector.load %arg18[%get3A_440, %get3A_441] : memref<128x128xf32, #tpu.memory_space<vmem>>, vector<128x128xf32>
      %dot_general3A_443 = arith.constant dense<0.000000e+00> : vector<2048x128xf32>
      %dot_general3A_444 = tpu.matmul %reshape3A_439, %get3A_442, %dot_general3A_443 {dimension_numbers = #tpu.dot_dimension_numbers<[1], [0], [0], [1], [0, 0, 1, 1], [], []>, transpose_lhs_hint = false} : vector<2048x128xf32>, vector<128x128xf32>, vector<2048x128xf32> -> vector<2048x128xf32>
      %broadcast_in_dim3A_445 = vector.shape_cast %get3A_1 : vector<32x128xf32> to vector<32x1x128xf32>
      %reshape3A_446 = vector.shape_cast %dot_general3A_444 : vector<2048x128xf32> to vector<32x64x128xf32>
      %mul3A_447 = vector.broadcast %broadcast_in_dim3A_445 : vector<32x1x128xf32> to vector<32x64x128xf32>
      %mul3A_448 = arith.mulf %mul3A_447, %reshape3A_446 : vector<32x64x128xf32>
      %reshape3A_449 = vector.shape_cast %mul3A_448 : vector<32x64x128xf32> to vector<2048x128xf32>
      %dot_general3A_450 = arith.constant dense<0.000000e+00> : vector<2048x128xf32>
      %dot_general3A_451 = tpu.matmul %reshape3A_449, %convert_element_type3A_163, %dot_general3A_450 {dimension_numbers = #tpu.dot_dimension_numbers<[1], [0], [0], [1], [0, 0, 1, 1], [], []>, transpose_lhs_hint = false} : vector<2048x128xf32>, vector<128x128xf32>, vector<2048x128xf32> -> vector<2048x128xf32>
      %reshape3A_452 = vector.shape_cast %dot_general3A_451 : vector<2048x128xf32> to vector<32x64x128xf32>
      %jit3A_453 = arith.constant 0xFF800000 : f32
      %broadcast_in_dim3A_454 = vector.broadcast %jit3A_453 : f32 to vector<32x64x128xf32>
      %select_n3A_455 = arith.select %eq3A_342, %reshape3A_452, %broadcast_in_dim3A_454 : vector<32x64x128xi1>, vector<32x64x128xf32>
      %reduce_max3A = arith.constant dense<0xFF800000> : vector<32x128xf32>
      %reduce_max3A_456 = vector.multi_reduction <maximumf>, %select_n3A_455, %reduce_max3A [1] : vector<32x64x128xf32> to vector<32x128xf32>
      %add3A_457 = arith.addf %reduce_max3A_456, %dot_general3A_166 : vector<32x128xf32>
      %max3A_458 = arith.maximumf %while3A_316, %add3A_457 : vector<32x128xf32>
      %is_finite3A = tpu.weird %max3A_458 : vector<32x128xf32> -> vector<32x128xi1>
      %is_finite3A_459 = arith.constant dense<true> : vector<32x128xi1>
      %is_finite3A_460 = arith.xori %is_finite3A, %is_finite3A_459 : vector<32x128xi1>
      %jit3A_461 = arith.constant 0.000000e+00 : f32
      %broadcast_in_dim3A_462 = vector.broadcast %jit3A_461 : f32 to vector<32x128xf32>
      %select_n3A_463 = arith.select %is_finite3A_460, %max3A_458, %broadcast_in_dim3A_462 : vector<32x128xi1>, vector<32x128xf32>
      %is_finite3A_464 = tpu.weird %while3A_316 : vector<32x128xf32> -> vector<32x128xi1>
      %is_finite3A_465 = arith.constant dense<true> : vector<32x128xi1>
      %is_finite3A_466 = arith.xori %is_finite3A_464, %is_finite3A_465 : vector<32x128xi1>
      %jit3A_467 = arith.constant 0.000000e+00 : f32
      %broadcast_in_dim3A_468 = vector.broadcast %jit3A_467 : f32 to vector<32x128xf32>
      %select_n3A_469 = arith.select %is_finite3A_466, %while3A_316, %broadcast_in_dim3A_468 : vector<32x128xi1>, vector<32x128xf32>
      %is_finite3A_470 = tpu.weird %while3A_316 : vector<32x128xf32> -> vector<32x128xi1>
      %is_finite3A_471 = arith.constant dense<true> : vector<32x128xi1>
      %is_finite3A_472 = arith.xori %is_finite3A_470, %is_finite3A_471 : vector<32x128xi1>
      %sub3A_473 = arith.subf %select_n3A_469, %select_n3A_463 : vector<32x128xf32>
      %exp3A_474 = math.exp %sub3A_473 : vector<32x128xf32>
      %jit3A_475 = arith.constant 0.000000e+00 : f32
      %broadcast_in_dim3A_476 = vector.broadcast %jit3A_475 : f32 to vector<32x128xf32>
      %select_n3A_477 = arith.select %is_finite3A_472, %exp3A_474, %broadcast_in_dim3A_476 : vector<32x128xi1>, vector<32x128xf32>
      %sub3A_478 = arith.subf %select_n3A_463, %dot_general3A_166 : vector<32x128xf32>
      %broadcast_in_dim3A_479 = vector.shape_cast %sub3A_478 : vector<32x128xf32> to vector<32x1x128xf32>
      %sub3A_480 = vector.broadcast %broadcast_in_dim3A_479 : vector<32x1x128xf32> to vector<32x64x128xf32>
      %sub3A_481 = arith.subf %select_n3A_455, %sub3A_480 : vector<32x64x128xf32>
      %exp3A_482 = math.exp %sub3A_481 : vector<32x64x128xf32>
      %mul3A_483 = arith.mulf %while3A_317, %select_n3A_477 : vector<32x128xf32>
      %reduce_sum3A_484 = arith.constant dense<0.000000e+00> : vector<32x128xf32>
      %reduce_sum3A_485 = vector.multi_reduction <add>, %exp3A_482, %reduce_sum3A_484 [1] : vector<32x64x128xf32> to vector<32x128xf32>
      %add3A_486 = arith.addf %mul3A_483, %reduce_sum3A_485 : vector<32x128xf32>
      %slice3A_487 = vector.extract_strided_slice %reshape3A_396 {offsets = [0, 0, 128], sizes = [32, 64, 128], strides = [1, 1, 1]} : vector<32x64x384xf32> to vector<32x64x128xf32>
      %broadcast_in_dim3A_488 = vector.shape_cast %get3A_348 : vector<64x128xf32> to vector<1x64x128xf32>
      %add3A_489 = vector.broadcast %broadcast_in_dim3A_488 : vector<1x64x128xf32> to vector<32x64x128xf32>
      %add3A_490 = arith.addf %slice3A_487, %add3A_489 : vector<32x64x128xf32>
      %broadcast_in_dim3A_491 = vector.shape_cast %get3A_7 : vector<32x128xf32> to vector<32x1x128xf32>
      %add3A_492 = vector.broadcast %broadcast_in_dim3A_491 : vector<32x1x128xf32> to vector<32x64x128xf32>
      %add3A_493 = arith.addf %add3A_490, %add3A_492 : vector<32x64x128xf32>
      %reduce_sum3A_494 = arith.constant dense<0.000000e+00> : vector<32x64xf32>
      %reduce_sum3A_495 = vector.multi_reduction <add>, %add3A_493, %reduce_sum3A_494 [2] : vector<32x64x128xf32> to vector<32x64xf32>
      %broadcast_in_dim3A_496 = vector.shape_cast %reduce_sum3A_495 : vector<32x64xf32> to vector<32x64x1xf32>
      %div3A_497 = arith.constant 1.280000e+02 : f32
      %div3A_498 = vector.broadcast %div3A_497 : f32 to vector<32x64x1xf32>
      %div3A_499 = arith.divf %broadcast_in_dim3A_496, %div3A_498 : vector<32x64x1xf32>
      %mul3A_500 = arith.mulf %add3A_493, %add3A_493 : vector<32x64x128xf32>
      %reduce_sum3A_501 = arith.constant dense<0.000000e+00> : vector<32x64xf32>
      %reduce_sum3A_502 = vector.multi_reduction <add>, %mul3A_500, %reduce_sum3A_501 [2] : vector<32x64x128xf32> to vector<32x64xf32>
      %broadcast_in_dim3A_503 = vector.shape_cast %reduce_sum3A_502 : vector<32x64xf32> to vector<32x64x1xf32>
      %div3A_504 = arith.constant 1.280000e+02 : f32
      %div3A_505 = vector.broadcast %div3A_504 : f32 to vector<32x64x1xf32>
      %div3A_506 = arith.divf %broadcast_in_dim3A_503, %div3A_505 : vector<32x64x1xf32>
      %mul3A_507 = arith.mulf %div3A_499, %div3A_499 : vector<32x64x1xf32>
      %sub3A_508 = arith.subf %div3A_506, %mul3A_507 : vector<32x64x1xf32>
      %sub3A_509 = vector.broadcast %div3A_499 : vector<32x64x1xf32> to vector<32x64x128xf32>
      %sub3A_510 = arith.subf %add3A_493, %sub3A_509 : vector<32x64x128xf32>
      %add3A_511 = arith.constant 9.99999974E-6 : f32
      %add3A_512 = vector.broadcast %add3A_511 : f32 to vector<32x64x1xf32>
      %add3A_513 = arith.addf %sub3A_508, %add3A_512 : vector<32x64x1xf32>
      %sqrt3A_514 = math.sqrt %add3A_513 : vector<32x64x1xf32>
      %div3A_515 = arith.constant 1.000000e+00 : f32
      %div3A_516 = vector.broadcast %div3A_515 : f32 to vector<32x64x1xf32>
      %div3A_517 = arith.divf %div3A_516, %sqrt3A_514 : vector<32x64x1xf32>
      %mul3A_518 = vector.broadcast %div3A_517 : vector<32x64x1xf32> to vector<32x64x128xf32>
      %mul3A_519 = arith.mulf %sub3A_510, %mul3A_518 : vector<32x64x128xf32>
      %broadcast_in_dim3A_520 = vector.shape_cast %get3A_42 : vector<1x128xf32> to vector<1x1x128xf32>
      %mul3A_521 = vector.broadcast %broadcast_in_dim3A_520 : vector<1x1x128xf32> to vector<32x64x128xf32>
      %mul3A_522 = arith.mulf %mul3A_519, %mul3A_521 : vector<32x64x128xf32>
      %broadcast_in_dim3A_523 = vector.shape_cast %get3A_45 : vector<1x128xf32> to vector<1x1x128xf32>
      %add3A_524 = vector.broadcast %broadcast_in_dim3A_523 : vector<1x1x128xf32> to vector<32x64x128xf32>
      %add3A_525 = arith.addf %mul3A_522, %add3A_524 : vector<32x64x128xf32>
      %max3A_526 = arith.constant 0.000000e+00 : f32
      %max3A_527 = vector.broadcast %max3A_526 : f32 to vector<32x64x128xf32>
      %max3A_528 = arith.maximumf %add3A_525, %max3A_527 : vector<32x64x128xf32>
      %reshape3A_529 = vector.shape_cast %max3A_528 : vector<32x64x128xf32> to vector<2048x128xf32>
      %get3A_530 = arith.constant 0 : index
      %get3A_531 = arith.constant 0 : index
      %get3A_532 = vector.load %arg19[%get3A_530, %get3A_531] : memref<128x128xf32, #tpu.memory_space<vmem>>, vector<128x128xf32>
      %dot_general3A_533 = arith.constant dense<0.000000e+00> : vector<2048x128xf32>
      %dot_general3A_534 = tpu.matmul %reshape3A_529, %get3A_532, %dot_general3A_533 {dimension_numbers = #tpu.dot_dimension_numbers<[1], [0], [0], [1], [0, 0, 1, 1], [], []>, transpose_lhs_hint = false} : vector<2048x128xf32>, vector<128x128xf32>, vector<2048x128xf32> -> vector<2048x128xf32>
      %reshape3A_535 = vector.shape_cast %dot_general3A_534 : vector<2048x128xf32> to vector<32x64x128xf32>
      %mul3A_536 = arith.mulf %exp3A_482, %reshape3A_535 : vector<32x64x128xf32>
      %reduce_sum3A_537 = arith.constant dense<0.000000e+00> : vector<32x128xf32>
      %reduce_sum3A_538 = vector.multi_reduction <add>, %mul3A_536, %reduce_sum3A_537 [1] : vector<32x64x128xf32> to vector<32x128xf32>
      %mul3A_539 = arith.mulf %while3A_318, %select_n3A_477 : vector<32x128xf32>
      %add3A_540 = arith.addf %mul3A_539, %reduce_sum3A_538 : vector<32x128xf32>
      %slice3A_541 = vector.extract_strided_slice %reshape3A_396 {offsets = [0, 0, 256], sizes = [32, 64, 128], strides = [1, 1, 1]} : vector<32x64x384xf32> to vector<32x64x128xf32>
      %broadcast_in_dim3A_542 = vector.shape_cast %get3A_351 : vector<64x128xf32> to vector<1x64x128xf32>
      %add3A_543 = vector.broadcast %broadcast_in_dim3A_542 : vector<1x64x128xf32> to vector<32x64x128xf32>
      %add3A_544 = arith.addf %slice3A_541, %add3A_543 : vector<32x64x128xf32>
      %broadcast_in_dim3A_545 = vector.shape_cast %get3A_10 : vector<32x128xf32> to vector<32x1x128xf32>
      %add3A_546 = vector.broadcast %broadcast_in_dim3A_545 : vector<32x1x128xf32> to vector<32x64x128xf32>
      %add3A_547 = arith.addf %add3A_544, %add3A_546 : vector<32x64x128xf32>
      %reduce_sum3A_548 = arith.constant dense<0.000000e+00> : vector<32x64xf32>
      %reduce_sum3A_549 = vector.multi_reduction <add>, %add3A_547, %reduce_sum3A_548 [2] : vector<32x64x128xf32> to vector<32x64xf32>
      %broadcast_in_dim3A_550 = vector.shape_cast %reduce_sum3A_549 : vector<32x64xf32> to vector<32x64x1xf32>
      %div3A_551 = arith.constant 1.280000e+02 : f32
      %div3A_552 = vector.broadcast %div3A_551 : f32 to vector<32x64x1xf32>
      %div3A_553 = arith.divf %broadcast_in_dim3A_550, %div3A_552 : vector<32x64x1xf32>
      %mul3A_554 = arith.mulf %add3A_547, %add3A_547 : vector<32x64x128xf32>
      %reduce_sum3A_555 = arith.constant dense<0.000000e+00> : vector<32x64xf32>
      %reduce_sum3A_556 = vector.multi_reduction <add>, %mul3A_554, %reduce_sum3A_555 [2] : vector<32x64x128xf32> to vector<32x64xf32>
      %broadcast_in_dim3A_557 = vector.shape_cast %reduce_sum3A_556 : vector<32x64xf32> to vector<32x64x1xf32>
      %div3A_558 = arith.constant 1.280000e+02 : f32
      %div3A_559 = vector.broadcast %div3A_558 : f32 to vector<32x64x1xf32>
      %div3A_560 = arith.divf %broadcast_in_dim3A_557, %div3A_559 : vector<32x64x1xf32>
      %mul3A_561 = arith.mulf %div3A_553, %div3A_553 : vector<32x64x1xf32>
      %sub3A_562 = arith.subf %div3A_560, %mul3A_561 : vector<32x64x1xf32>
      %sub3A_563 = vector.broadcast %div3A_553 : vector<32x64x1xf32> to vector<32x64x128xf32>
      %sub3A_564 = arith.subf %add3A_547, %sub3A_563 : vector<32x64x128xf32>
      %add3A_565 = arith.constant 9.99999974E-6 : f32
      %add3A_566 = vector.broadcast %add3A_565 : f32 to vector<32x64x1xf32>
      %add3A_567 = arith.addf %sub3A_562, %add3A_566 : vector<32x64x1xf32>
      %sqrt3A_568 = math.sqrt %add3A_567 : vector<32x64x1xf32>
      %div3A_569 = arith.constant 1.000000e+00 : f32
      %div3A_570 = vector.broadcast %div3A_569 : f32 to vector<32x64x1xf32>
      %div3A_571 = arith.divf %div3A_570, %sqrt3A_568 : vector<32x64x1xf32>
      %mul3A_572 = vector.broadcast %div3A_571 : vector<32x64x1xf32> to vector<32x64x128xf32>
      %mul3A_573 = arith.mulf %sub3A_564, %mul3A_572 : vector<32x64x128xf32>
      %broadcast_in_dim3A_574 = vector.shape_cast %get3A_51 : vector<1x128xf32> to vector<1x1x128xf32>
      %mul3A_575 = vector.broadcast %broadcast_in_dim3A_574 : vector<1x1x128xf32> to vector<32x64x128xf32>
      %mul3A_576 = arith.mulf %mul3A_573, %mul3A_575 : vector<32x64x128xf32>
      %broadcast_in_dim3A_577 = vector.shape_cast %get3A_54 : vector<1x128xf32> to vector<1x1x128xf32>
      %add3A_578 = vector.broadcast %broadcast_in_dim3A_577 : vector<1x1x128xf32> to vector<32x64x128xf32>
      %add3A_579 = arith.addf %mul3A_576, %add3A_578 : vector<32x64x128xf32>
      %max3A_580 = arith.constant 0.000000e+00 : f32
      %max3A_581 = vector.broadcast %max3A_580 : f32 to vector<32x64x128xf32>
      %max3A_582 = arith.maximumf %add3A_579, %max3A_581 : vector<32x64x128xf32>
      %reshape3A_583 = vector.shape_cast %max3A_582 : vector<32x64x128xf32> to vector<2048x128xf32>
      %get3A_584 = arith.constant 0 : index
      %get3A_585 = arith.constant 0 : index
      %get3A_586 = vector.load %arg20[%get3A_584, %get3A_585] : memref<128x128xf32, #tpu.memory_space<vmem>>, vector<128x128xf32>
      %dot_general3A_587 = arith.constant dense<0.000000e+00> : vector<2048x128xf32>
      %dot_general3A_588 = tpu.matmul %reshape3A_583, %get3A_586, %dot_general3A_587 {dimension_numbers = #tpu.dot_dimension_numbers<[1], [0], [0], [1], [0, 0, 1, 1], [], []>, transpose_lhs_hint = false} : vector<2048x128xf32>, vector<128x128xf32>, vector<2048x128xf32> -> vector<2048x128xf32>
      %add3A_589 = vector.broadcast %get3A_57 : vector<1x128xf32> to vector<2048x128xf32>
      %add3A_590 = arith.addf %dot_general3A_588, %add3A_589 : vector<2048x128xf32>
      %reshape3A_591 = vector.shape_cast %add3A_590 : vector<2048x128xf32> to vector<32x64x128xf32>
      %mul3A_592 = arith.mulf %exp3A_482, %reshape3A_591 : vector<32x64x128xf32>
      %mul3A_593 = arith.mulf %while3A_319, %select_n3A_477 : vector<32x128xf32>
      %mul3A_594 = arith.mulf %mul3A_592, %sub3A_368 : vector<32x64x128xf32>
      %reduce_sum3A_595 = arith.constant dense<0.000000e+00> : vector<32x128xf32>
      %reduce_sum3A_596 = vector.multi_reduction <add>, %mul3A_594, %reduce_sum3A_595 [1] : vector<32x64x128xf32> to vector<32x128xf32>
      %add3A_597 = arith.addf %mul3A_593, %reduce_sum3A_596 : vector<32x128xf32>
      %mul3A_598 = arith.mulf %while3A_320, %select_n3A_477 : vector<32x128xf32>
      %mul3A_599 = arith.mulf %mul3A_592, %sub3A_373 : vector<32x64x128xf32>
      %reduce_sum3A_600 = arith.constant dense<0.000000e+00> : vector<32x128xf32>
      %reduce_sum3A_601 = vector.multi_reduction <add>, %mul3A_599, %reduce_sum3A_600 [1] : vector<32x64x128xf32> to vector<32x128xf32>
      %add3A_602 = arith.addf %mul3A_598, %reduce_sum3A_601 : vector<32x128xf32>
      %mul3A_603 = arith.mulf %while3A_321, %select_n3A_477 : vector<32x128xf32>
      %mul3A_604 = arith.mulf %mul3A_592, %sub3A_378 : vector<32x64x128xf32>
      %reduce_sum3A_605 = arith.constant dense<0.000000e+00> : vector<32x128xf32>
      %reduce_sum3A_606 = vector.multi_reduction <add>, %mul3A_604, %reduce_sum3A_605 [1] : vector<32x64x128xf32> to vector<32x128xf32>
      %add3A_607 = arith.addf %mul3A_603, %reduce_sum3A_606 : vector<32x128xf32>
      scf.yield %max3A_458, %add3A_486, %add3A_540, %add3A_597, %add3A_602, %add3A_607 : vector<32x128xf32>, vector<32x128xf32>, vector<32x128xf32>, vector<32x128xf32>, vector<32x128xf32>, vector<32x128xf32>
    }
    %while3A_206 = arith.constant 1 : i32
    %while3A_207:6 = scf.for %while3A_315 = %while3A_203 to %while3A_199 step %while3A_206 iter_args(%while3A_316 = %while3A_205#0, %while3A_317 = %while3A_205#1, %while3A_318 = %while3A_205#2, %while3A_319 = %while3A_205#3, %while3A_320 = %while3A_205#4, %while3A_321 = %while3A_205#5) -> (vector<32x128xf32>, vector<32x128xf32>, vector<32x128xf32>, vector<32x128xf32>, vector<32x128xf32>, vector<32x128xf32>)  : i32 {
      %add3A_322 = arith.addi %get3A_182, %while3A_315 : i32
      %mul3A_323 = arith.constant 64 : i32
      %mul3A_324 = arith.muli %add3A_322, %mul3A_323 : i32
      %get3A_325 = arith.index_cast %mul3A_324 : i32 to index
      %get3A_326 = arith.constant 0 : index
      %get3A_327 = vector.load %arg16[%get3A_325, %get3A_326] : memref<8000x8xi32, #tpu.memory_space<vmem>>, vector<64x8xi32>
      %slice3A_328 = vector.extract_strided_slice %get3A_327 {offsets = [0, 1], sizes = [64, 1], strides = [1, 1]} : vector<64x8xi32> to vector<64x1xi32>
      %eq3A_329 = arith.constant 0 : i32
      %eq3A_330 = vector.broadcast %eq3A_329 : i32 to vector<64x1xi32>
      %eq3A_331 = arith.cmpi eq, %slice3A_328, %eq3A_330 : vector<64x1xi32>
      %slice3A_332 = vector.extract_strided_slice %get3A_327 {offsets = [0, 0], sizes = [64, 1], strides = [1, 1]} : vector<64x8xi32> to vector<64x1xi32>
      %jit3A_333 = arith.constant -2 : i32
      %broadcast_in_dim3A_334 = vector.broadcast %jit3A_333 : i32 to vector<64x1xi32>
      %select_n3A_335 = arith.select %eq3A_331, %slice3A_332, %broadcast_in_dim3A_334 : vector<64x1xi1>, vector<64x1xi32>
      %broadcast_in_dim3A_336 = vector.shape_cast %select_n3A_335 : vector<64x1xi32> to vector<64x1xi32>
      %broadcast_in_dim3A_337 = vector.broadcast %broadcast_in_dim3A_336 : vector<64x1xi32> to vector<64x128xi32>
      %broadcast_in_dim3A_338 = vector.shape_cast %broadcast_in_dim3A_18 : vector<32x128xi32> to vector<32x1x128xi32>
      %broadcast_in_dim3A_339 = vector.shape_cast %broadcast_in_dim3A_337 : vector<64x128xi32> to vector<1x64x128xi32>
      %eq3A_340 = vector.broadcast %broadcast_in_dim3A_338 : vector<32x1x128xi32> to vector<32x64x128xi32>
      %eq3A_341 = vector.broadcast %broadcast_in_dim3A_339 : vector<1x64x128xi32> to vector<32x64x128xi32>
      %eq3A_342 = arith.cmpi eq, %eq3A_340, %eq3A_341 : vector<32x64x128xi32>
      %get3A_343 = arith.index_cast %mul3A_324 : i32 to index
      %get3A_344 = arith.constant 0 : index
      %get3A_345 = vector.load %arg12[%get3A_343, %get3A_344] : memref<8000x128xf32, #tpu.memory_space<vmem>>, vector<64x128xf32>
      %get3A_346 = arith.index_cast %mul3A_324 : i32 to index
      %get3A_347 = arith.constant 0 : index
      %get3A_348 = vector.load %arg13[%get3A_346, %get3A_347] : memref<8000x128xf32, #tpu.memory_space<vmem>>, vector<64x128xf32>
      %get3A_349 = arith.index_cast %mul3A_324 : i32 to index
      %get3A_350 = arith.constant 0 : index
      %get3A_351 = vector.load %arg14[%get3A_349, %get3A_350] : memref<8000x128xf32, #tpu.memory_space<vmem>>, vector<64x128xf32>
      %get3A_352 = arith.index_cast %mul3A_324 : i32 to index
      %get3A_353 = arith.constant 0 : index
      %get3A_354 = vector.load %arg15[%get3A_352, %get3A_353] : memref<8000x8xf32, #tpu.memory_space<vmem>>, vector<64x8xf32>
      %slice3A_355 = vector.extract_strided_slice %get3A_354 {offsets = [0, 0], sizes = [64, 1], strides = [1, 1]} : vector<64x8xf32> to vector<64x1xf32>
      %broadcast_in_dim3A_356 = vector.shape_cast %slice3A_355 : vector<64x1xf32> to vector<64x1xf32>
      %broadcast_in_dim3A_357 = vector.broadcast %broadcast_in_dim3A_356 : vector<64x1xf32> to vector<64x128xf32>
      %slice3A_358 = vector.extract_strided_slice %get3A_354 {offsets = [0, 1], sizes = [64, 1], strides = [1, 1]} : vector<64x8xf32> to vector<64x1xf32>
      %broadcast_in_dim3A_359 = vector.shape_cast %slice3A_358 : vector<64x1xf32> to vector<64x1xf32>
      %broadcast_in_dim3A_360 = vector.broadcast %broadcast_in_dim3A_359 : vector<64x1xf32> to vector<64x128xf32>
      %slice3A_361 = vector.extract_strided_slice %get3A_354 {offsets = [0, 2], sizes = [64, 1], strides = [1, 1]} : vector<64x8xf32> to vector<64x1xf32>
      %broadcast_in_dim3A_362 = vector.shape_cast %slice3A_361 : vector<64x1xf32> to vector<64x1xf32>
      %broadcast_in_dim3A_363 = vector.broadcast %broadcast_in_dim3A_362 : vector<64x1xf32> to vector<64x128xf32>
      %broadcast_in_dim3A_364 = vector.shape_cast %broadcast_in_dim3A_26 : vector<32x128xf32> to vector<32x1x128xf32>
      %broadcast_in_dim3A_365 = vector.shape_cast %broadcast_in_dim3A_357 : vector<64x128xf32> to vector<1x64x128xf32>
      %sub3A_366 = vector.broadcast %broadcast_in_dim3A_364 : vector<32x1x128xf32> to vector<32x64x128xf32>
      %sub3A_367 = vector.broadcast %broadcast_in_dim3A_365 : vector<1x64x128xf32> to vector<32x64x128xf32>
      %sub3A_368 = arith.subf %sub3A_366, %sub3A_367 : vector<32x64x128xf32>
      %broadcast_in_dim3A_369 = vector.shape_cast %broadcast_in_dim3A_28 : vector<32x128xf32> to vector<32x1x128xf32>
      %broadcast_in_dim3A_370 = vector.shape_cast %broadcast_in_dim3A_360 : vector<64x128xf32> to vector<1x64x128xf32>
      %sub3A_371 = vector.broadcast %broadcast_in_dim3A_369 : vector<32x1x128xf32> to vector<32x64x128xf32>
      %sub3A_372 = vector.broadcast %broadcast_in_dim3A_370 : vector<1x64x128xf32> to vector<32x64x128xf32>
      %sub3A_373 = arith.subf %sub3A_371, %sub3A_372 : vector<32x64x128xf32>
      %broadcast_in_dim3A_374 = vector.shape_cast %broadcast_in_dim3A_30 : vector<32x128xf32> to vector<32x1x128xf32>
      %broadcast_in_dim3A_375 = vector.shape_cast %broadcast_in_dim3A_363 : vector<64x128xf32> to vector<1x64x128xf32>
      %sub3A_376 = vector.broadcast %broadcast_in_dim3A_374 : vector<32x1x128xf32> to vector<32x64x128xf32>
      %sub3A_377 = vector.broadcast %broadcast_in_dim3A_375 : vector<1x64x128xf32> to vector<32x64x128xf32>
      %sub3A_378 = arith.subf %sub3A_376, %sub3A_377 : vector<32x64x128xf32>
      %mul3A_379 = arith.mulf %sub3A_368, %sub3A_368 : vector<32x64x128xf32>
      %mul3A_380 = arith.mulf %sub3A_373, %sub3A_373 : vector<32x64x128xf32>
      %add3A_381 = arith.addf %mul3A_379, %mul3A_380 : vector<32x64x128xf32>
      %mul3A_382 = arith.mulf %sub3A_378, %sub3A_378 : vector<32x64x128xf32>
      %add3A_383 = arith.addf %add3A_381, %mul3A_382 : vector<32x64x128xf32>
      %sqrt3A_384 = math.sqrt %add3A_383 : vector<32x64x128xf32>
      %broadcast_in_dim3A_385 = vector.shape_cast %mul3A_96 : vector<1x128xf32> to vector<1x1x128xf32>
      %sub3A_386 = vector.broadcast %broadcast_in_dim3A_385 : vector<1x1x128xf32> to vector<32x64x128xf32>
      %sub3A_387 = arith.subf %sqrt3A_384, %sub3A_386 : vector<32x64x128xf32>
      %integer_pow3A = arith.mulf %sub3A_387, %sub3A_387 : vector<32x64x128xf32>
      %mul3A_388 = arith.constant -1.12499988 : f32
      %mul3A_389 = vector.broadcast %mul3A_388 : f32 to vector<32x64x128xf32>
      %mul3A_390 = arith.mulf %mul3A_389, %integer_pow3A : vector<32x64x128xf32>
      %exp3A = math.exp %mul3A_390 : vector<32x64x128xf32>
      %reshape3A = vector.shape_cast %exp3A : vector<32x64x128xf32> to vector<2048x128xf32>
      %get3A_391 = arith.constant 0 : index
      %get3A_392 = arith.constant 0 : index
      %get3A_393 = vector.load %arg17[%get3A_391, %get3A_392] : memref<128x384xf32, #tpu.memory_space<vmem>>, vector<128x384xf32>
      %dot_general3A_394 = arith.constant dense<0.000000e+00> : vector<2048x384xf32>
      %dot_general3A_395 = tpu.matmul %reshape3A, %get3A_393, %dot_general3A_394 {dimension_numbers = #tpu.dot_dimension_numbers<[1], [0], [0], [1], [0, 0, 1, 1], [], []>, transpose_lhs_hint = false} : vector<2048x128xf32>, vector<128x384xf32>, vector<2048x384xf32> -> vector<2048x384xf32>
      %reshape3A_396 = vector.shape_cast %dot_general3A_395 : vector<2048x384xf32> to vector<32x64x384xf32>
      %slice3A_397 = vector.extract_strided_slice %reshape3A_396 {offsets = [0, 0, 0], sizes = [32, 64, 128], strides = [1, 1, 1]} : vector<32x64x384xf32> to vector<32x64x128xf32>
      %broadcast_in_dim3A_398 = vector.shape_cast %get3A_345 : vector<64x128xf32> to vector<1x64x128xf32>
      %add3A_399 = vector.broadcast %broadcast_in_dim3A_398 : vector<1x64x128xf32> to vector<32x64x128xf32>
      %add3A_400 = arith.addf %slice3A_397, %add3A_399 : vector<32x64x128xf32>
      %broadcast_in_dim3A_401 = vector.shape_cast %get3A_4 : vector<32x128xf32> to vector<32x1x128xf32>
      %add3A_402 = vector.broadcast %broadcast_in_dim3A_401 : vector<32x1x128xf32> to vector<32x64x128xf32>
      %add3A_403 = arith.addf %add3A_400, %add3A_402 : vector<32x64x128xf32>
      %reduce_sum3A_404 = arith.constant dense<0.000000e+00> : vector<32x64xf32>
      %reduce_sum3A_405 = vector.multi_reduction <add>, %add3A_403, %reduce_sum3A_404 [2] : vector<32x64x128xf32> to vector<32x64xf32>
      %broadcast_in_dim3A_406 = vector.shape_cast %reduce_sum3A_405 : vector<32x64xf32> to vector<32x64x1xf32>
      %div3A_407 = arith.constant 1.280000e+02 : f32
      %div3A_408 = vector.broadcast %div3A_407 : f32 to vector<32x64x1xf32>
      %div3A_409 = arith.divf %broadcast_in_dim3A_406, %div3A_408 : vector<32x64x1xf32>
      %mul3A_410 = arith.mulf %add3A_403, %add3A_403 : vector<32x64x128xf32>
      %reduce_sum3A_411 = arith.constant dense<0.000000e+00> : vector<32x64xf32>
      %reduce_sum3A_412 = vector.multi_reduction <add>, %mul3A_410, %reduce_sum3A_411 [2] : vector<32x64x128xf32> to vector<32x64xf32>
      %broadcast_in_dim3A_413 = vector.shape_cast %reduce_sum3A_412 : vector<32x64xf32> to vector<32x64x1xf32>
      %div3A_414 = arith.constant 1.280000e+02 : f32
      %div3A_415 = vector.broadcast %div3A_414 : f32 to vector<32x64x1xf32>
      %div3A_416 = arith.divf %broadcast_in_dim3A_413, %div3A_415 : vector<32x64x1xf32>
      %mul3A_417 = arith.mulf %div3A_409, %div3A_409 : vector<32x64x1xf32>
      %sub3A_418 = arith.subf %div3A_416, %mul3A_417 : vector<32x64x1xf32>
      %sub3A_419 = vector.broadcast %div3A_409 : vector<32x64x1xf32> to vector<32x64x128xf32>
      %sub3A_420 = arith.subf %add3A_403, %sub3A_419 : vector<32x64x128xf32>
      %add3A_421 = arith.constant 9.99999974E-6 : f32
      %add3A_422 = vector.broadcast %add3A_421 : f32 to vector<32x64x1xf32>
      %add3A_423 = arith.addf %sub3A_418, %add3A_422 : vector<32x64x1xf32>
      %sqrt3A_424 = math.sqrt %add3A_423 : vector<32x64x1xf32>
      %div3A_425 = arith.constant 1.000000e+00 : f32
      %div3A_426 = vector.broadcast %div3A_425 : f32 to vector<32x64x1xf32>
      %div3A_427 = arith.divf %div3A_426, %sqrt3A_424 : vector<32x64x1xf32>
      %mul3A_428 = vector.broadcast %div3A_427 : vector<32x64x1xf32> to vector<32x64x128xf32>
      %mul3A_429 = arith.mulf %sub3A_420, %mul3A_428 : vector<32x64x128xf32>
      %broadcast_in_dim3A_430 = vector.shape_cast %get3A_33 : vector<1x128xf32> to vector<1x1x128xf32>
      %mul3A_431 = vector.broadcast %broadcast_in_dim3A_430 : vector<1x1x128xf32> to vector<32x64x128xf32>
      %mul3A_432 = arith.mulf %mul3A_429, %mul3A_431 : vector<32x64x128xf32>
      %broadcast_in_dim3A_433 = vector.shape_cast %get3A_36 : vector<1x128xf32> to vector<1x1x128xf32>
      %add3A_434 = vector.broadcast %broadcast_in_dim3A_433 : vector<1x1x128xf32> to vector<32x64x128xf32>
      %add3A_435 = arith.addf %mul3A_432, %add3A_434 : vector<32x64x128xf32>
      %max3A_436 = arith.constant 0.000000e+00 : f32
      %max3A_437 = vector.broadcast %max3A_436 : f32 to vector<32x64x128xf32>
      %max3A_438 = arith.maximumf %add3A_435, %max3A_437 : vector<32x64x128xf32>
      %reshape3A_439 = vector.shape_cast %max3A_438 : vector<32x64x128xf32> to vector<2048x128xf32>
      %get3A_440 = arith.constant 0 : index
      %get3A_441 = arith.constant 0 : index
      %get3A_442 = vector.load %arg18[%get3A_440, %get3A_441] : memref<128x128xf32, #tpu.memory_space<vmem>>, vector<128x128xf32>
      %dot_general3A_443 = arith.constant dense<0.000000e+00> : vector<2048x128xf32>
      %dot_general3A_444 = tpu.matmul %reshape3A_439, %get3A_442, %dot_general3A_443 {dimension_numbers = #tpu.dot_dimension_numbers<[1], [0], [0], [1], [0, 0, 1, 1], [], []>, transpose_lhs_hint = false} : vector<2048x128xf32>, vector<128x128xf32>, vector<2048x128xf32> -> vector<2048x128xf32>
      %broadcast_in_dim3A_445 = vector.shape_cast %get3A_1 : vector<32x128xf32> to vector<32x1x128xf32>
      %reshape3A_446 = vector.shape_cast %dot_general3A_444 : vector<2048x128xf32> to vector<32x64x128xf32>
      %mul3A_447 = vector.broadcast %broadcast_in_dim3A_445 : vector<32x1x128xf32> to vector<32x64x128xf32>
      %mul3A_448 = arith.mulf %mul3A_447, %reshape3A_446 : vector<32x64x128xf32>
      %reshape3A_449 = vector.shape_cast %mul3A_448 : vector<32x64x128xf32> to vector<2048x128xf32>
      %dot_general3A_450 = arith.constant dense<0.000000e+00> : vector<2048x128xf32>
      %dot_general3A_451 = tpu.matmul %reshape3A_449, %convert_element_type3A_163, %dot_general3A_450 {dimension_numbers = #tpu.dot_dimension_numbers<[1], [0], [0], [1], [0, 0, 1, 1], [], []>, transpose_lhs_hint = false} : vector<2048x128xf32>, vector<128x128xf32>, vector<2048x128xf32> -> vector<2048x128xf32>
      %reshape3A_452 = vector.shape_cast %dot_general3A_451 : vector<2048x128xf32> to vector<32x64x128xf32>
      %jit3A_453 = arith.constant 0xFF800000 : f32
      %broadcast_in_dim3A_454 = vector.broadcast %jit3A_453 : f32 to vector<32x64x128xf32>
      %select_n3A_455 = arith.select %eq3A_342, %reshape3A_452, %broadcast_in_dim3A_454 : vector<32x64x128xi1>, vector<32x64x128xf32>
      %reduce_max3A = arith.constant dense<0xFF800000> : vector<32x128xf32>
      %reduce_max3A_456 = vector.multi_reduction <maximumf>, %select_n3A_455, %reduce_max3A [1] : vector<32x64x128xf32> to vector<32x128xf32>
      %add3A_457 = arith.addf %reduce_max3A_456, %dot_general3A_166 : vector<32x128xf32>
      %max3A_458 = arith.maximumf %while3A_316, %add3A_457 : vector<32x128xf32>
      %is_finite3A = tpu.weird %max3A_458 : vector<32x128xf32> -> vector<32x128xi1>
      %is_finite3A_459 = arith.constant dense<true> : vector<32x128xi1>
      %is_finite3A_460 = arith.xori %is_finite3A, %is_finite3A_459 : vector<32x128xi1>
      %jit3A_461 = arith.constant 0.000000e+00 : f32
      %broadcast_in_dim3A_462 = vector.broadcast %jit3A_461 : f32 to vector<32x128xf32>
      %select_n3A_463 = arith.select %is_finite3A_460, %max3A_458, %broadcast_in_dim3A_462 : vector<32x128xi1>, vector<32x128xf32>
      %is_finite3A_464 = tpu.weird %while3A_316 : vector<32x128xf32> -> vector<32x128xi1>
      %is_finite3A_465 = arith.constant dense<true> : vector<32x128xi1>
      %is_finite3A_466 = arith.xori %is_finite3A_464, %is_finite3A_465 : vector<32x128xi1>
      %jit3A_467 = arith.constant 0.000000e+00 : f32
      %broadcast_in_dim3A_468 = vector.broadcast %jit3A_467 : f32 to vector<32x128xf32>
      %select_n3A_469 = arith.select %is_finite3A_466, %while3A_316, %broadcast_in_dim3A_468 : vector<32x128xi1>, vector<32x128xf32>
      %is_finite3A_470 = tpu.weird %while3A_316 : vector<32x128xf32> -> vector<32x128xi1>
      %is_finite3A_471 = arith.constant dense<true> : vector<32x128xi1>
      %is_finite3A_472 = arith.xori %is_finite3A_470, %is_finite3A_471 : vector<32x128xi1>
      %sub3A_473 = arith.subf %select_n3A_469, %select_n3A_463 : vector<32x128xf32>
      %exp3A_474 = math.exp %sub3A_473 : vector<32x128xf32>
      %jit3A_475 = arith.constant 0.000000e+00 : f32
      %broadcast_in_dim3A_476 = vector.broadcast %jit3A_475 : f32 to vector<32x128xf32>
      %select_n3A_477 = arith.select %is_finite3A_472, %exp3A_474, %broadcast_in_dim3A_476 : vector<32x128xi1>, vector<32x128xf32>
      %sub3A_478 = arith.subf %select_n3A_463, %dot_general3A_166 : vector<32x128xf32>
      %broadcast_in_dim3A_479 = vector.shape_cast %sub3A_478 : vector<32x128xf32> to vector<32x1x128xf32>
      %sub3A_480 = vector.broadcast %broadcast_in_dim3A_479 : vector<32x1x128xf32> to vector<32x64x128xf32>
      %sub3A_481 = arith.subf %select_n3A_455, %sub3A_480 : vector<32x64x128xf32>
      %exp3A_482 = math.exp %sub3A_481 : vector<32x64x128xf32>
      %mul3A_483 = arith.mulf %while3A_317, %select_n3A_477 : vector<32x128xf32>
      %reduce_sum3A_484 = arith.constant dense<0.000000e+00> : vector<32x128xf32>
      %reduce_sum3A_485 = vector.multi_reduction <add>, %exp3A_482, %reduce_sum3A_484 [1] : vector<32x64x128xf32> to vector<32x128xf32>
      %add3A_486 = arith.addf %mul3A_483, %reduce_sum3A_485 : vector<32x128xf32>
      %slice3A_487 = vector.extract_strided_slice %reshape3A_396 {offsets = [0, 0, 128], sizes = [32, 64, 128], strides = [1, 1, 1]} : vector<32x64x384xf32> to vector<32x64x128xf32>
      %broadcast_in_dim3A_488 = vector.shape_cast %get3A_348 : vector<64x128xf32> to vector<1x64x128xf32>
      %add3A_489 = vector.broadcast %broadcast_in_dim3A_488 : vector<1x64x128xf32> to vector<32x64x128xf32>
      %add3A_490 = arith.addf %slice3A_487, %add3A_489 : vector<32x64x128xf32>
      %broadcast_in_dim3A_491 = vector.shape_cast %get3A_7 : vector<32x128xf32> to vector<32x1x128xf32>
      %add3A_492 = vector.broadcast %broadcast_in_dim3A_491 : vector<32x1x128xf32> to vector<32x64x128xf32>
      %add3A_493 = arith.addf %add3A_490, %add3A_492 : vector<32x64x128xf32>
      %reduce_sum3A_494 = arith.constant dense<0.000000e+00> : vector<32x64xf32>
      %reduce_sum3A_495 = vector.multi_reduction <add>, %add3A_493, %reduce_sum3A_494 [2] : vector<32x64x128xf32> to vector<32x64xf32>
      %broadcast_in_dim3A_496 = vector.shape_cast %reduce_sum3A_495 : vector<32x64xf32> to vector<32x64x1xf32>
      %div3A_497 = arith.constant 1.280000e+02 : f32
      %div3A_498 = vector.broadcast %div3A_497 : f32 to vector<32x64x1xf32>
      %div3A_499 = arith.divf %broadcast_in_dim3A_496, %div3A_498 : vector<32x64x1xf32>
      %mul3A_500 = arith.mulf %add3A_493, %add3A_493 : vector<32x64x128xf32>
      %reduce_sum3A_501 = arith.constant dense<0.000000e+00> : vector<32x64xf32>
      %reduce_sum3A_502 = vector.multi_reduction <add>, %mul3A_500, %reduce_sum3A_501 [2] : vector<32x64x128xf32> to vector<32x64xf32>
      %broadcast_in_dim3A_503 = vector.shape_cast %reduce_sum3A_502 : vector<32x64xf32> to vector<32x64x1xf32>
      %div3A_504 = arith.constant 1.280000e+02 : f32
      %div3A_505 = vector.broadcast %div3A_504 : f32 to vector<32x64x1xf32>
      %div3A_506 = arith.divf %broadcast_in_dim3A_503, %div3A_505 : vector<32x64x1xf32>
      %mul3A_507 = arith.mulf %div3A_499, %div3A_499 : vector<32x64x1xf32>
      %sub3A_508 = arith.subf %div3A_506, %mul3A_507 : vector<32x64x1xf32>
      %sub3A_509 = vector.broadcast %div3A_499 : vector<32x64x1xf32> to vector<32x64x128xf32>
      %sub3A_510 = arith.subf %add3A_493, %sub3A_509 : vector<32x64x128xf32>
      %add3A_511 = arith.constant 9.99999974E-6 : f32
      %add3A_512 = vector.broadcast %add3A_511 : f32 to vector<32x64x1xf32>
      %add3A_513 = arith.addf %sub3A_508, %add3A_512 : vector<32x64x1xf32>
      %sqrt3A_514 = math.sqrt %add3A_513 : vector<32x64x1xf32>
      %div3A_515 = arith.constant 1.000000e+00 : f32
      %div3A_516 = vector.broadcast %div3A_515 : f32 to vector<32x64x1xf32>
      %div3A_517 = arith.divf %div3A_516, %sqrt3A_514 : vector<32x64x1xf32>
      %mul3A_518 = vector.broadcast %div3A_517 : vector<32x64x1xf32> to vector<32x64x128xf32>
      %mul3A_519 = arith.mulf %sub3A_510, %mul3A_518 : vector<32x64x128xf32>
      %broadcast_in_dim3A_520 = vector.shape_cast %get3A_42 : vector<1x128xf32> to vector<1x1x128xf32>
      %mul3A_521 = vector.broadcast %broadcast_in_dim3A_520 : vector<1x1x128xf32> to vector<32x64x128xf32>
      %mul3A_522 = arith.mulf %mul3A_519, %mul3A_521 : vector<32x64x128xf32>
      %broadcast_in_dim3A_523 = vector.shape_cast %get3A_45 : vector<1x128xf32> to vector<1x1x128xf32>
      %add3A_524 = vector.broadcast %broadcast_in_dim3A_523 : vector<1x1x128xf32> to vector<32x64x128xf32>
      %add3A_525 = arith.addf %mul3A_522, %add3A_524 : vector<32x64x128xf32>
      %max3A_526 = arith.constant 0.000000e+00 : f32
      %max3A_527 = vector.broadcast %max3A_526 : f32 to vector<32x64x128xf32>
      %max3A_528 = arith.maximumf %add3A_525, %max3A_527 : vector<32x64x128xf32>
      %reshape3A_529 = vector.shape_cast %max3A_528 : vector<32x64x128xf32> to vector<2048x128xf32>
      %get3A_530 = arith.constant 0 : index
      %get3A_531 = arith.constant 0 : index
      %get3A_532 = vector.load %arg19[%get3A_530, %get3A_531] : memref<128x128xf32, #tpu.memory_space<vmem>>, vector<128x128xf32>
      %dot_general3A_533 = arith.constant dense<0.000000e+00> : vector<2048x128xf32>
      %dot_general3A_534 = tpu.matmul %reshape3A_529, %get3A_532, %dot_general3A_533 {dimension_numbers = #tpu.dot_dimension_numbers<[1], [0], [0], [1], [0, 0, 1, 1], [], []>, transpose_lhs_hint = false} : vector<2048x128xf32>, vector<128x128xf32>, vector<2048x128xf32> -> vector<2048x128xf32>
      %reshape3A_535 = vector.shape_cast %dot_general3A_534 : vector<2048x128xf32> to vector<32x64x128xf32>
      %mul3A_536 = arith.mulf %exp3A_482, %reshape3A_535 : vector<32x64x128xf32>
      %reduce_sum3A_537 = arith.constant dense<0.000000e+00> : vector<32x128xf32>
      %reduce_sum3A_538 = vector.multi_reduction <add>, %mul3A_536, %reduce_sum3A_537 [1] : vector<32x64x128xf32> to vector<32x128xf32>
      %mul3A_539 = arith.mulf %while3A_318, %select_n3A_477 : vector<32x128xf32>
      %add3A_540 = arith.addf %mul3A_539, %reduce_sum3A_538 : vector<32x128xf32>
      %slice3A_541 = vector.extract_strided_slice %reshape3A_396 {offsets = [0, 0, 256], sizes = [32, 64, 128], strides = [1, 1, 1]} : vector<32x64x384xf32> to vector<32x64x128xf32>
      %broadcast_in_dim3A_542 = vector.shape_cast %get3A_351 : vector<64x128xf32> to vector<1x64x128xf32>
      %add3A_543 = vector.broadcast %broadcast_in_dim3A_542 : vector<1x64x128xf32> to vector<32x64x128xf32>
      %add3A_544 = arith.addf %slice3A_541, %add3A_543 : vector<32x64x128xf32>
      %broadcast_in_dim3A_545 = vector.shape_cast %get3A_10 : vector<32x128xf32> to vector<32x1x128xf32>
      %add3A_546 = vector.broadcast %broadcast_in_dim3A_545 : vector<32x1x128xf32> to vector<32x64x128xf32>
      %add3A_547 = arith.addf %add3A_544, %add3A_546 : vector<32x64x128xf32>
      %reduce_sum3A_548 = arith.constant dense<0.000000e+00> : vector<32x64xf32>
      %reduce_sum3A_549 = vector.multi_reduction <add>, %add3A_547, %reduce_sum3A_548 [2] : vector<32x64x128xf32> to vector<32x64xf32>
      %broadcast_in_dim3A_550 = vector.shape_cast %reduce_sum3A_549 : vector<32x64xf32> to vector<32x64x1xf32>
      %div3A_551 = arith.constant 1.280000e+02 : f32
      %div3A_552 = vector.broadcast %div3A_551 : f32 to vector<32x64x1xf32>
      %div3A_553 = arith.divf %broadcast_in_dim3A_550, %div3A_552 : vector<32x64x1xf32>
      %mul3A_554 = arith.mulf %add3A_547, %add3A_547 : vector<32x64x128xf32>
      %reduce_sum3A_555 = arith.constant dense<0.000000e+00> : vector<32x64xf32>
      %reduce_sum3A_556 = vector.multi_reduction <add>, %mul3A_554, %reduce_sum3A_555 [2] : vector<32x64x128xf32> to vector<32x64xf32>
      %broadcast_in_dim3A_557 = vector.shape_cast %reduce_sum3A_556 : vector<32x64xf32> to vector<32x64x1xf32>
      %div3A_558 = arith.constant 1.280000e+02 : f32
      %div3A_559 = vector.broadcast %div3A_558 : f32 to vector<32x64x1xf32>
      %div3A_560 = arith.divf %broadcast_in_dim3A_557, %div3A_559 : vector<32x64x1xf32>
      %mul3A_561 = arith.mulf %div3A_553, %div3A_553 : vector<32x64x1xf32>
      %sub3A_562 = arith.subf %div3A_560, %mul3A_561 : vector<32x64x1xf32>
      %sub3A_563 = vector.broadcast %div3A_553 : vector<32x64x1xf32> to vector<32x64x128xf32>
      %sub3A_564 = arith.subf %add3A_547, %sub3A_563 : vector<32x64x128xf32>
      %add3A_565 = arith.constant 9.99999974E-6 : f32
      %add3A_566 = vector.broadcast %add3A_565 : f32 to vector<32x64x1xf32>
      %add3A_567 = arith.addf %sub3A_562, %add3A_566 : vector<32x64x1xf32>
      %sqrt3A_568 = math.sqrt %add3A_567 : vector<32x64x1xf32>
      %div3A_569 = arith.constant 1.000000e+00 : f32
      %div3A_570 = vector.broadcast %div3A_569 : f32 to vector<32x64x1xf32>
      %div3A_571 = arith.divf %div3A_570, %sqrt3A_568 : vector<32x64x1xf32>
      %mul3A_572 = vector.broadcast %div3A_571 : vector<32x64x1xf32> to vector<32x64x128xf32>
      %mul3A_573 = arith.mulf %sub3A_564, %mul3A_572 : vector<32x64x128xf32>
      %broadcast_in_dim3A_574 = vector.shape_cast %get3A_51 : vector<1x128xf32> to vector<1x1x128xf32>
      %mul3A_575 = vector.broadcast %broadcast_in_dim3A_574 : vector<1x1x128xf32> to vector<32x64x128xf32>
      %mul3A_576 = arith.mulf %mul3A_573, %mul3A_575 : vector<32x64x128xf32>
      %broadcast_in_dim3A_577 = vector.shape_cast %get3A_54 : vector<1x128xf32> to vector<1x1x128xf32>
      %add3A_578 = vector.broadcast %broadcast_in_dim3A_577 : vector<1x1x128xf32> to vector<32x64x128xf32>
      %add3A_579 = arith.addf %mul3A_576, %add3A_578 : vector<32x64x128xf32>
      %max3A_580 = arith.constant 0.000000e+00 : f32
      %max3A_581 = vector.broadcast %max3A_580 : f32 to vector<32x64x128xf32>
      %max3A_582 = arith.maximumf %add3A_579, %max3A_581 : vector<32x64x128xf32>
      %reshape3A_583 = vector.shape_cast %max3A_582 : vector<32x64x128xf32> to vector<2048x128xf32>
      %get3A_584 = arith.constant 0 : index
      %get3A_585 = arith.constant 0 : index
      %get3A_586 = vector.load %arg20[%get3A_584, %get3A_585] : memref<128x128xf32, #tpu.memory_space<vmem>>, vector<128x128xf32>
      %dot_general3A_587 = arith.constant dense<0.000000e+00> : vector<2048x128xf32>
      %dot_general3A_588 = tpu.matmul %reshape3A_583, %get3A_586, %dot_general3A_587 {dimension_numbers = #tpu.dot_dimension_numbers<[1], [0], [0], [1], [0, 0, 1, 1], [], []>, transpose_lhs_hint = false} : vector<2048x128xf32>, vector<128x128xf32>, vector<2048x128xf32> -> vector<2048x128xf32>
      %add3A_589 = vector.broadcast %get3A_57 : vector<1x128xf32> to vector<2048x128xf32>
      %add3A_590 = arith.addf %dot_general3A_588, %add3A_589 : vector<2048x128xf32>
      %reshape3A_591 = vector.shape_cast %add3A_590 : vector<2048x128xf32> to vector<32x64x128xf32>
      %mul3A_592 = arith.mulf %exp3A_482, %reshape3A_591 : vector<32x64x128xf32>
      %mul3A_593 = arith.mulf %while3A_319, %select_n3A_477 : vector<32x128xf32>
      %mul3A_594 = arith.mulf %mul3A_592, %sub3A_368 : vector<32x64x128xf32>
      %reduce_sum3A_595 = arith.constant dense<0.000000e+00> : vector<32x128xf32>
      %reduce_sum3A_596 = vector.multi_reduction <add>, %mul3A_594, %reduce_sum3A_595 [1] : vector<32x64x128xf32> to vector<32x128xf32>
      %add3A_597 = arith.addf %mul3A_593, %reduce_sum3A_596 : vector<32x128xf32>
      %mul3A_598 = arith.mulf %while3A_320, %select_n3A_477 : vector<32x128xf32>
      %mul3A_599 = arith.mulf %mul3A_592, %sub3A_373 : vector<32x64x128xf32>
      %reduce_sum3A_600 = arith.constant dense<0.000000e+00> : vector<32x128xf32>
      %reduce_sum3A_601 = vector.multi_reduction <add>, %mul3A_599, %reduce_sum3A_600 [1] : vector<32x64x128xf32> to vector<32x128xf32>
      %add3A_602 = arith.addf %mul3A_598, %reduce_sum3A_601 : vector<32x128xf32>
      %mul3A_603 = arith.mulf %while3A_321, %select_n3A_477 : vector<32x128xf32>
      %mul3A_604 = arith.mulf %mul3A_592, %sub3A_378 : vector<32x64x128xf32>
      %reduce_sum3A_605 = arith.constant dense<0.000000e+00> : vector<32x128xf32>
      %reduce_sum3A_606 = vector.multi_reduction <add>, %mul3A_604, %reduce_sum3A_605 [1] : vector<32x64x128xf32> to vector<32x128xf32>
      %add3A_607 = arith.addf %mul3A_603, %reduce_sum3A_606 : vector<32x128xf32>
      scf.yield %max3A_458, %add3A_486, %add3A_540, %add3A_597, %add3A_602, %add3A_607 : vector<32x128xf32>, vector<32x128xf32>, vector<32x128xf32>, vector<32x128xf32>, vector<32x128xf32>, vector<32x128xf32>
    }
    %add3A = arith.constant 1.000000e-16 : f32
    %add3A_208 = vector.broadcast %add3A : f32 to vector<32x128xf32>
    %add3A_209 = arith.addf %while3A_207#1, %add3A_208 : vector<32x128xf32>
    %div3A_210 = arith.divf %while3A_207#2, %add3A_209 : vector<32x128xf32>
    %div3A_211 = arith.divf %while3A_207#1, %add3A_209 : vector<32x128xf32>
    %mul3A_212 = vector.broadcast %get3A_48 : vector<1x128xf32> to vector<32x128xf32>
    %mul3A_213 = arith.mulf %mul3A_212, %div3A_211 : vector<32x128xf32>
    %add3A_214 = arith.addf %div3A_210, %mul3A_213 : vector<32x128xf32>
    %div3A_215 = arith.divf %while3A_207#3, %add3A_209 : vector<32x128xf32>
    %reduce_sum3A = arith.constant dense<0.000000e+00> : vector<32xf32>
    %reduce_sum3A_216 = vector.multi_reduction <add>, %div3A_215, %reduce_sum3A [1] : vector<32x128xf32> to vector<32xf32>
    %broadcast_in_dim3A_217 = vector.shape_cast %reduce_sum3A_216 : vector<32xf32> to vector<32x1xf32>
    %mul3A_218 = arith.constant 7.812500e-03 : f32
    %mul3A_219 = vector.broadcast %mul3A_218 : f32 to vector<32x1xf32>
    %mul3A_220 = arith.mulf %broadcast_in_dim3A_217, %mul3A_219 : vector<32x1xf32>
    %div3A_221 = arith.divf %while3A_207#4, %add3A_209 : vector<32x128xf32>
    %reduce_sum3A_222 = arith.constant dense<0.000000e+00> : vector<32xf32>
    %reduce_sum3A_223 = vector.multi_reduction <add>, %div3A_221, %reduce_sum3A_222 [1] : vector<32x128xf32> to vector<32xf32>
    %broadcast_in_dim3A_224 = vector.shape_cast %reduce_sum3A_223 : vector<32xf32> to vector<32x1xf32>
    %mul3A_225 = arith.constant 7.812500e-03 : f32
    %mul3A_226 = vector.broadcast %mul3A_225 : f32 to vector<32x1xf32>
    %mul3A_227 = arith.mulf %broadcast_in_dim3A_224, %mul3A_226 : vector<32x1xf32>
    %div3A_228 = arith.divf %while3A_207#5, %add3A_209 : vector<32x128xf32>
    %reduce_sum3A_229 = arith.constant dense<0.000000e+00> : vector<32xf32>
    %reduce_sum3A_230 = vector.multi_reduction <add>, %div3A_228, %reduce_sum3A_229 [1] : vector<32x128xf32> to vector<32xf32>
    %broadcast_in_dim3A_231 = vector.shape_cast %reduce_sum3A_230 : vector<32xf32> to vector<32x1xf32>
    %mul3A_232 = arith.constant 7.812500e-03 : f32
    %mul3A_233 = vector.broadcast %mul3A_232 : f32 to vector<32x1xf32>
    %mul3A_234 = arith.mulf %broadcast_in_dim3A_231, %mul3A_233 : vector<32x1xf32>
    %add3A_235 = arith.addf %slice3A_22, %mul3A_220 : vector<32x1xf32>
    %add3A_236 = arith.addf %slice3A_23, %mul3A_227 : vector<32x1xf32>
    %add3A_237 = arith.addf %slice3A_24, %mul3A_234 : vector<32x1xf32>
    %slice3A_238 = vector.extract_strided_slice %get3A_21 {offsets = [0, 3], sizes = [32, 5], strides = [1, 1]} : vector<32x8xf32> to vector<32x5xf32>
    %concatenate3A = tpu.concatenate %add3A_235, %add3A_236, %add3A_237, %slice3A_238 in 1 : vector<32x1xf32>, vector<32x1xf32>, vector<32x1xf32>, vector<32x5xf32> -> vector<32x8xf32>
    %swap3A = arith.constant 0 : index
    %swap3A_239 = arith.constant 0 : index
    %swap3A_240 = vector.load %arg27[%swap3A, %swap3A_239] : memref<32x8xf32, #tpu.memory_space<vmem>>, vector<32x8xf32>
    tpu.vector_store %arg27[%swap3A, %swap3A_239], %concatenate3A {strides = array<i32>} : memref<32x8xf32, #tpu.memory_space<vmem>>, vector<32x8xf32>,
    %eq3A_241 = arith.constant 1 : i32
    %eq3A_242 = vector.broadcast %eq3A_241 : i32 to vector<32x1xi32>
    %eq3A_243 = arith.cmpi eq, %slice3A_14, %eq3A_242 : vector<32x1xi32>
    %get3A_244 = arith.constant 1 : index
    %get3A_245 = arith.constant 0 : index
    %get3A_246 = vector.load %arg25[%get3A_244, %get3A_245] : memref<8x128xf32, #tpu.memory_space<vmem>>, vector<1x128xf32>
    %get3A_247 = arith.constant 0 : index
    %get3A_248 = arith.constant 0 : index
    %get3A_249 = vector.load %arg25[%get3A_247, %get3A_248] : memref<8x128xf32, #tpu.memory_space<vmem>>, vector<1x128xf32>
    %broadcast_in_dim3A_250 = vector.shape_cast %eq3A_243 : vector<32x1xi1> to vector<32x1xi1>
    %broadcast_in_dim3A_251 = vector.broadcast %broadcast_in_dim3A_250 : vector<32x1xi1> to vector<32x128xi1>
    %broadcast_in_dim3A_252 = vector.shape_cast %get3A_246 : vector<1x128xf32> to vector<1x128xf32>
    %broadcast_in_dim3A_253 = vector.broadcast %broadcast_in_dim3A_252 : vector<1x128xf32> to vector<32x128xf32>
    %broadcast_in_dim3A_254 = vector.shape_cast %get3A_249 : vector<1x128xf32> to vector<1x128xf32>
    %broadcast_in_dim3A_255 = vector.broadcast %broadcast_in_dim3A_254 : vector<1x128xf32> to vector<32x128xf32>
    %select_n3A_256 = arith.select %broadcast_in_dim3A_251, %broadcast_in_dim3A_253, %broadcast_in_dim3A_255 : vector<32x128xi1>, vector<32x128xf32>
    %get3A_257 = arith.constant 0 : index
    %get3A_258 = arith.constant 0 : index
    %get3A_259 = vector.load %arg21[%get3A_257, %get3A_258] : memref<128x128xf32, #tpu.memory_space<vmem>>, vector<128x128xf32>
    %dot_general3A_260 = arith.constant dense<0.000000e+00> : vector<32x128xf32>
    %dot_general3A_261 = tpu.matmul %add3A_214, %get3A_259, %dot_general3A_260 {dimension_numbers = #tpu.dot_dimension_numbers<[1], [0], [0], [1], [0, 0, 1, 1], [], []>, transpose_lhs_hint = false} : vector<32x128xf32>, vector<128x128xf32>, vector<32x128xf32> -> vector<32x128xf32>
    %get3A_262 = arith.constant 0 : index
    %get3A_263 = arith.constant 0 : index
    %get3A_264 = vector.load %arg22[%get3A_262, %get3A_263] : memref<128x128xf32, #tpu.memory_space<vmem>>, vector<128x128xf32>
    %dot_general3A_265 = arith.constant dense<0.000000e+00> : vector<32x128xf32>
    %dot_general3A_266 = tpu.matmul %select_n3A_256, %get3A_264, %dot_general3A_265 {dimension_numbers = #tpu.dot_dimension_numbers<[1], [0], [0], [1], [0, 0, 1, 1], [], []>, transpose_lhs_hint = false} : vector<32x128xf32>, vector<128x128xf32>, vector<32x128xf32> -> vector<32x128xf32>
    %add3A_267 = arith.addf %dot_general3A_261, %dot_general3A_266 : vector<32x128xf32>
    %add3A_268 = vector.broadcast %get3A_60 : vector<1x128xf32> to vector<32x128xf32>
    %add3A_269 = arith.addf %add3A_267, %add3A_268 : vector<32x128xf32>
    %reduce_sum3A_270 = arith.constant dense<0.000000e+00> : vector<32xf32>
    %reduce_sum3A_271 = vector.multi_reduction <add>, %add3A_269, %reduce_sum3A_270 [1] : vector<32x128xf32> to vector<32xf32>
    %broadcast_in_dim3A_272 = vector.shape_cast %reduce_sum3A_271 : vector<32xf32> to vector<32x1xf32>
    %div3A_273 = arith.constant 1.280000e+02 : f32
    %div3A_274 = vector.broadcast %div3A_273 : f32 to vector<32x1xf32>
    %div3A_275 = arith.divf %broadcast_in_dim3A_272, %div3A_274 : vector<32x1xf32>
    %mul3A_276 = arith.mulf %add3A_269, %add3A_269 : vector<32x128xf32>
    %reduce_sum3A_277 = arith.constant dense<0.000000e+00> : vector<32xf32>
    %reduce_sum3A_278 = vector.multi_reduction <add>, %mul3A_276, %reduce_sum3A_277 [1] : vector<32x128xf32> to vector<32xf32>
    %broadcast_in_dim3A_279 = vector.shape_cast %reduce_sum3A_278 : vector<32xf32> to vector<32x1xf32>
    %div3A_280 = arith.constant 1.280000e+02 : f32
    %div3A_281 = vector.broadcast %div3A_280 : f32 to vector<32x1xf32>
    %div3A_282 = arith.divf %broadcast_in_dim3A_279, %div3A_281 : vector<32x1xf32>
    %mul3A_283 = arith.mulf %div3A_275, %div3A_275 : vector<32x1xf32>
    %sub3A_284 = arith.subf %div3A_282, %mul3A_283 : vector<32x1xf32>
    %sub3A_285 = vector.broadcast %div3A_275 : vector<32x1xf32> to vector<32x128xf32>
    %sub3A_286 = arith.subf %add3A_269, %sub3A_285 : vector<32x128xf32>
    %add3A_287 = arith.constant 9.99999974E-6 : f32
    %add3A_288 = vector.broadcast %add3A_287 : f32 to vector<32x1xf32>
    %add3A_289 = arith.addf %sub3A_284, %add3A_288 : vector<32x1xf32>
    %sqrt3A = math.sqrt %add3A_289 : vector<32x1xf32>
    %div3A_290 = arith.constant 1.000000e+00 : f32
    %div3A_291 = vector.broadcast %div3A_290 : f32 to vector<32x1xf32>
    %div3A_292 = arith.divf %div3A_291, %sqrt3A : vector<32x1xf32>
    %mul3A_293 = vector.broadcast %div3A_292 : vector<32x1xf32> to vector<32x128xf32>
    %mul3A_294 = arith.mulf %sub3A_286, %mul3A_293 : vector<32x128xf32>
    %mul3A_295 = vector.broadcast %get3A_63 : vector<1x128xf32> to vector<32x128xf32>
    %mul3A_296 = arith.mulf %mul3A_294, %mul3A_295 : vector<32x128xf32>
    %add3A_297 = vector.broadcast %get3A_66 : vector<1x128xf32> to vector<32x128xf32>
    %add3A_298 = arith.addf %mul3A_296, %add3A_297 : vector<32x128xf32>
    %max3A = arith.constant 0.000000e+00 : f32
    %max3A_299 = vector.broadcast %max3A : f32 to vector<32x128xf32>
    %max3A_300 = arith.maximumf %add3A_298, %max3A_299 : vector<32x128xf32>
    %get3A_301 = arith.constant 0 : index
    %get3A_302 = arith.constant 0 : index
    %get3A_303 = vector.load %arg23[%get3A_301, %get3A_302] : memref<128x128xf32, #tpu.memory_space<vmem>>, vector<128x128xf32>
    %dot_general3A_304 = arith.constant dense<0.000000e+00> : vector<32x128xf32>
    %dot_general3A_305 = tpu.matmul %max3A_300, %get3A_303, %dot_general3A_304 {dimension_numbers = #tpu.dot_dimension_numbers<[1], [0], [0], [1], [0, 0, 1, 1], [], []>, transpose_lhs_hint = false} : vector<32x128xf32>, vector<128x128xf32>, vector<32x128xf32> -> vector<32x128xf32>
    %add3A_306 = vector.broadcast %get3A_69 : vector<1x128xf32> to vector<32x128xf32>
    %add3A_307 = arith.addf %dot_general3A_305, %add3A_306 : vector<32x128xf32>
    %get3A_308 = arith.constant 0 : index
    %get3A_309 = arith.constant 0 : index
    %get3A_310 = vector.load %arg9[%get3A_308, %get3A_309] : memref<32x128xf32, #tpu.memory_space<vmem>>, vector<32x128xf32>
    %add3A_311 = arith.addf %add3A_307, %get3A_310 : vector<32x128xf32>
    %swap3A_312 = arith.constant 0 : index
    %swap3A_313 = arith.constant 0 : index
    %swap3A_314 = vector.load %arg26[%swap3A_312, %swap3A_313] : memref<32x128xf32, #tpu.memory_space<vmem>>, vector<32x128xf32>
    tpu.vector_store %arg26[%swap3A_312, %swap3A_313], %add3A_311 {strides = array<i32>} : memref<32x128xf32, #tpu.memory_space<vmem>>, vector<32x128xf32>,
    return
  }
  func.func @transform_0(%arg0: i32, %arg1: memref<250xi32, #tpu.memory_space<smem>>, %arg2: memref<250xi32, #tpu.memory_space<smem>>, %arg3: memref<250xi32, #tpu.memory_space<smem>>, %arg4: memref<250xi32, #tpu.memory_space<smem>>) -> (i32, i32) {
    %c0_i32 = arith.constant 0 : i32
    %c0_i32_0 = arith.constant 0 : i32
    return %arg0, %c0_i32 : i32, i32
  }
  func.func @transform_1(%arg0: i32, %arg1: memref<250xi32, #tpu.memory_space<smem>>, %arg2: memref<250xi32, #tpu.memory_space<smem>>, %arg3: memref<250xi32, #tpu.memory_space<smem>>, %arg4: memref<250xi32, #tpu.memory_space<smem>>) -> (i32, i32) {
    %c0_i32 = arith.constant 0 : i32
    %c0_i32_0 = arith.constant 0 : i32
    return %arg0, %c0_i32 : i32, i32
  }
  func.func @transform_2(%arg0: i32, %arg1: memref<250xi32, #tpu.memory_space<smem>>, %arg2: memref<250xi32, #tpu.memory_space<smem>>, %arg3: memref<250xi32, #tpu.memory_space<smem>>, %arg4: memref<250xi32, #tpu.memory_space<smem>>) -> (i32, i32) {
    %c0_i32 = arith.constant 0 : i32
    %c0_i32_0 = arith.constant 0 : i32
    return %arg0, %c0_i32 : i32, i32
  }
  func.func @transform_3(%arg0: i32, %arg1: memref<250xi32, #tpu.memory_space<smem>>, %arg2: memref<250xi32, #tpu.memory_space<smem>>, %arg3: memref<250xi32, #tpu.memory_space<smem>>, %arg4: memref<250xi32, #tpu.memory_space<smem>>) -> (i32, i32) {
    %c0_i32 = arith.constant 0 : i32
    %c0_i32_0 = arith.constant 0 : i32
    return %arg0, %c0_i32 : i32, i32
  }
  func.func @transform_4(%arg0: i32, %arg1: memref<250xi32, #tpu.memory_space<smem>>, %arg2: memref<250xi32, #tpu.memory_space<smem>>, %arg3: memref<250xi32, #tpu.memory_space<smem>>, %arg4: memref<250xi32, #tpu.memory_space<smem>>) -> (i32, i32) {
    %c0_i32 = arith.constant 0 : i32
    %c0_i32_0 = arith.constant 0 : i32
    return %arg0, %c0_i32 : i32, i32
  }
  func.func @transform_5(%arg0: i32, %arg1: memref<250xi32, #tpu.memory_space<smem>>, %arg2: memref<250xi32, #tpu.memory_space<smem>>, %arg3: memref<250xi32, #tpu.memory_space<smem>>, %arg4: memref<250xi32, #tpu.memory_space<smem>>) -> (i32, i32) {
    %c0_i32 = arith.constant 0 : i32
    %c0_i32_0 = arith.constant 0 : i32
    return %arg0, %c0_i32 : i32, i32
  }
  func.func @transform_6(%arg0: i32, %arg1: memref<250xi32, #tpu.memory_space<smem>>, %arg2: memref<250xi32, #tpu.memory_space<smem>>, %arg3: memref<250xi32, #tpu.memory_space<smem>>, %arg4: memref<250xi32, #tpu.memory_space<smem>>) -> (i32, i32) {
    %c0_i32 = arith.constant 0 : i32
    %c0_i32_0 = arith.constant 0 : i32
    return %arg0, %c0_i32 : i32, i32
  }
  func.func @transform_7(%arg0: i32, %arg1: memref<250xi32, #tpu.memory_space<smem>>, %arg2: memref<250xi32, #tpu.memory_space<smem>>, %arg3: memref<250xi32, #tpu.memory_space<smem>>, %arg4: memref<250xi32, #tpu.memory_space<smem>>) -> (i32, i32) {
    %c0_i32 = arith.constant 0 : i32
    %c0_i32_0 = arith.constant 0 : i32
    %c0_i32_1 = arith.constant 0 : i32
    return %c0_i32, %c0_i32_0 : i32, i32
  }
  func.func @transform_8(%arg0: i32, %arg1: memref<250xi32, #tpu.memory_space<smem>>, %arg2: memref<250xi32, #tpu.memory_space<smem>>, %arg3: memref<250xi32, #tpu.memory_space<smem>>, %arg4: memref<250xi32, #tpu.memory_space<smem>>) -> (i32, i32) {
    %c0_i32 = arith.constant 0 : i32
    %c0_i32_0 = arith.constant 0 : i32
    %c0_i32_1 = arith.constant 0 : i32
    return %c0_i32, %c0_i32_0 : i32, i32
  }
  func.func @transform_9(%arg0: i32, %arg1: memref<250xi32, #tpu.memory_space<smem>>, %arg2: memref<250xi32, #tpu.memory_space<smem>>, %arg3: memref<250xi32, #tpu.memory_space<smem>>, %arg4: memref<250xi32, #tpu.memory_space<smem>>) -> (i32, i32) {
    %c0_i32 = arith.constant 0 : i32
    %c0_i32_0 = arith.constant 0 : i32
    %c0_i32_1 = arith.constant 0 : i32
    return %c0_i32, %c0_i32_0 : i32, i32
  }
  func.func @transform_10(%arg0: i32, %arg1: memref<250xi32, #tpu.memory_space<smem>>, %arg2: memref<250xi32, #tpu.memory_space<smem>>, %arg3: memref<250xi32, #tpu.memory_space<smem>>, %arg4: memref<250xi32, #tpu.memory_space<smem>>) -> (i32, i32) {
    %c0_i32 = arith.constant 0 : i32
    %c0_i32_0 = arith.constant 0 : i32
    %c0_i32_1 = arith.constant 0 : i32
    return %c0_i32, %c0_i32_0 : i32, i32
  }
  func.func @transform_11(%arg0: i32, %arg1: memref<250xi32, #tpu.memory_space<smem>>, %arg2: memref<250xi32, #tpu.memory_space<smem>>, %arg3: memref<250xi32, #tpu.memory_space<smem>>, %arg4: memref<250xi32, #tpu.memory_space<smem>>) -> (i32, i32) {
    %c0_i32 = arith.constant 0 : i32
    %c0_i32_0 = arith.constant 0 : i32
    %c0_i32_1 = arith.constant 0 : i32
    return %c0_i32, %c0_i32_0 : i32, i32
  }
  func.func @transform_12(%arg0: i32, %arg1: memref<250xi32, #tpu.memory_space<smem>>, %arg2: memref<250xi32, #tpu.memory_space<smem>>, %arg3: memref<250xi32, #tpu.memory_space<smem>>, %arg4: memref<250xi32, #tpu.memory_space<smem>>) -> (i32, i32) {
    %c0_i32 = arith.constant 0 : i32
    %c0_i32_0 = arith.constant 0 : i32
    %c0_i32_1 = arith.constant 0 : i32
    return %c0_i32, %c0_i32_0 : i32, i32
  }
  func.func @transform_13(%arg0: i32, %arg1: memref<250xi32, #tpu.memory_space<smem>>, %arg2: memref<250xi32, #tpu.memory_space<smem>>, %arg3: memref<250xi32, #tpu.memory_space<smem>>, %arg4: memref<250xi32, #tpu.memory_space<smem>>) -> (i32, i32) {
    %c0_i32 = arith.constant 0 : i32
    %c0_i32_0 = arith.constant 0 : i32
    %c0_i32_1 = arith.constant 0 : i32
    return %c0_i32, %c0_i32_0 : i32, i32
  }
  func.func @transform_14(%arg0: i32, %arg1: memref<250xi32, #tpu.memory_space<smem>>, %arg2: memref<250xi32, #tpu.memory_space<smem>>, %arg3: memref<250xi32, #tpu.memory_space<smem>>, %arg4: memref<250xi32, #tpu.memory_space<smem>>) -> (i32, i32) {
    %c0_i32 = arith.constant 0 : i32
    %c0_i32_0 = arith.constant 0 : i32
    %c0_i32_1 = arith.constant 0 : i32
    return %c0_i32, %c0_i32_0 : i32, i32
  }
  func.func @transform_15(%arg0: i32, %arg1: memref<250xi32, #tpu.memory_space<smem>>, %arg2: memref<250xi32, #tpu.memory_space<smem>>, %arg3: memref<250xi32, #tpu.memory_space<smem>>, %arg4: memref<250xi32, #tpu.memory_space<smem>>) -> (i32, i32) {
    %c0_i32 = arith.constant 0 : i32
    %c0_i32_0 = arith.constant 0 : i32
    %c0_i32_1 = arith.constant 0 : i32
    return %c0_i32, %c0_i32_0 : i32, i32
  }
  func.func @transform_16(%arg0: i32, %arg1: memref<250xi32, #tpu.memory_space<smem>>, %arg2: memref<250xi32, #tpu.memory_space<smem>>, %arg3: memref<250xi32, #tpu.memory_space<smem>>, %arg4: memref<250xi32, #tpu.memory_space<smem>>) -> (i32, i32) {
    %c0_i32 = arith.constant 0 : i32
    %c0_i32_0 = arith.constant 0 : i32
    %c0_i32_1 = arith.constant 0 : i32
    return %c0_i32, %c0_i32_0 : i32, i32
  }
  func.func @transform_17(%arg0: i32, %arg1: memref<250xi32, #tpu.memory_space<smem>>, %arg2: memref<250xi32, #tpu.memory_space<smem>>, %arg3: memref<250xi32, #tpu.memory_space<smem>>, %arg4: memref<250xi32, #tpu.memory_space<smem>>) -> (i32, i32) {
    %c0_i32 = arith.constant 0 : i32
    %c0_i32_0 = arith.constant 0 : i32
    %c0_i32_1 = arith.constant 0 : i32
    return %c0_i32, %c0_i32_0 : i32, i32
  }
  func.func @transform_18(%arg0: i32, %arg1: memref<250xi32, #tpu.memory_space<smem>>, %arg2: memref<250xi32, #tpu.memory_space<smem>>, %arg3: memref<250xi32, #tpu.memory_space<smem>>, %arg4: memref<250xi32, #tpu.memory_space<smem>>) -> (i32, i32) {
    %c0_i32 = arith.constant 0 : i32
    %c0_i32_0 = arith.constant 0 : i32
    %c0_i32_1 = arith.constant 0 : i32
    return %c0_i32, %c0_i32_0 : i32, i32
  }
  func.func @transform_19(%arg0: i32, %arg1: memref<250xi32, #tpu.memory_space<smem>>, %arg2: memref<250xi32, #tpu.memory_space<smem>>, %arg3: memref<250xi32, #tpu.memory_space<smem>>, %arg4: memref<250xi32, #tpu.memory_space<smem>>) -> (i32, i32) {
    %c0_i32 = arith.constant 0 : i32
    %c0_i32_0 = arith.constant 0 : i32
    %c0_i32_1 = arith.constant 0 : i32
    return %c0_i32, %c0_i32_0 : i32, i32
  }
  func.func @transform_20(%arg0: i32, %arg1: memref<250xi32, #tpu.memory_space<smem>>, %arg2: memref<250xi32, #tpu.memory_space<smem>>, %arg3: memref<250xi32, #tpu.memory_space<smem>>, %arg4: memref<250xi32, #tpu.memory_space<smem>>) -> (i32, i32) {
    %c0_i32 = arith.constant 0 : i32
    %c0_i32_0 = arith.constant 0 : i32
    %c0_i32_1 = arith.constant 0 : i32
    return %c0_i32, %c0_i32_0 : i32, i32
  }
  func.func @transform_21(%arg0: i32, %arg1: memref<250xi32, #tpu.memory_space<smem>>, %arg2: memref<250xi32, #tpu.memory_space<smem>>, %arg3: memref<250xi32, #tpu.memory_space<smem>>, %arg4: memref<250xi32, #tpu.memory_space<smem>>) -> (i32, i32) {
    %c0_i32 = arith.constant 0 : i32
    %c0_i32_0 = arith.constant 0 : i32
    return %arg0, %c0_i32 : i32, i32
  }
  func.func @transform_22(%arg0: i32, %arg1: memref<250xi32, #tpu.memory_space<smem>>, %arg2: memref<250xi32, #tpu.memory_space<smem>>, %arg3: memref<250xi32, #tpu.memory_space<smem>>, %arg4: memref<250xi32, #tpu.memory_space<smem>>) -> (i32, i32) {
    %c0_i32 = arith.constant 0 : i32
    %c0_i32_0 = arith.constant 0 : i32
    return %arg0, %c0_i32 : i32, i32
  }
}

</mosaic_0001>

<sc_bundles>
// kernel: gather_offload_async_start.1
scs
__scs_entry_jumppad:
0x0: {  	(pc) =	sbr.rel $0x88, $3  }
0x1: {  	(tag) =	ssettag $0x0;
	lr =	simm.s32 $0x1  }
0x2: {  	[smem:$0x3F7F] =	sst lr;
	_ =	strace $0xD0000000  }
0x3: {  	_ = 	snop  }
0x4: {  	_ = 	snop  }
0x5: {  	_ = 	snop  }
0x6: {  	_ = 	snop  }
0x7: {  	_ = 	snop  }
__scs_overlays_trampoline_lowered:
0x8: {  	[smem:$0x3F8E] =	sst s0  }
0x9: {  	[smem:$0x3F8F] =	sst s1  }
0xa: {  	[smem:$0x3F90] =	sst s2  }
0xb: {  	[smem:$0x3F91] =	sst s3  }
0xc: {  	[smem:$0x3F92] =	sst s4  }
0xd: {  	[smem:$0x3F93] =	sst s5  }
0xe: {  	[smem:$0x3F94] =	sst s6  }
0xf: {  	[smem:$0x3F95] =	sst s7  }
0x10: {  	[smem:$0x3F96] =	sst s8  }
0x11: {  	[smem:$0x3F97] =	sst s9;
	s0 =	simm.s32 @!p0 $0x0  }
0x12: {  	s1 =	sld [smem:$0x3F7D];
	s0 =	simm.s32 @p0 $0x1  }
0x13: {  	[smem:$0x3F98] =	sst s0;
	s0 =	simm.s32 @!p1 $0x0  }
0x14: {  	s2 =	sld [smem:$0x3F7C];
	s0 =	simm.s32 @p1 $0x1  }
0x15: {  	[smem:$0x3F99] =	sst s0;
	s0 =	simm.s32 @!p2 $0x0  }
0x16: {  	s3 =	sld [smem:$0x3FDB];
	s0 =	simm.s32 @p2 $0x1  }
0x17: {  	s4 =	simm.s32 $0x1BF5;
	[smem:$0x3F9B] =	sst s0  }
0x18: {  	s0 =	sld [smem:$0x3F7E];
	_ =	swait.ge [sflag:s4], $0x0  }
0x19: {  	s7 =	sld [smem:$0x3F7F]  }
0x1a: {  	s8 =	sadd.s32 $0xFFFFE003, lr  }
0x1b: {  	s9 =	sadd.s32 $0xFFFFFEF7, lr;
	s5 =	simm.s32 $0xFFFFFFFF;
	p2 =	slt.u32 s8, $0xFFFFF086  }
0x1c: {  	p1 =	slt.u32 s9, $0xF7A;
	s5 =	simm.s32 @!p2 $0x0  }
0x1d: {  	s5 =	simm.s32 @p1 $0x1;
	p0 =	seq.s32 s7, s2  }
0x1e: {  	s7 =	smul.u32 @!p0 $0xF7A, s2;
	p2 =	seq.s32 @!p0 s5, $0x0  }
0x1f: {  	s9 =	smul.u32 $0xF7A, s1;
	s8 =	simm.s32 @!p0 $0x1BF5;
	p2 =	por !p2, p0  }
0x20: {  	[sflag:s8] =	ssyncset.s32 @!p0 $0xFFFFF086;
	s6 =	sadd.s32 @!p0 s3, s7;
	s7 =	simm.s32 @!p0 $0x108  }
0x21: {  	s3 =	sadd.s32 s3, s9;
	s6 =	sadd.s32 @!p0 $0x88, s6;
	s7 =	simm.s32 @p2 $0x1082  }
0x22: {  	[simem:s7], [sflag:s8] =	dma.local @!p0 [hbm:s6], $0xF7A  }
0x23: {  	s9 =	sor.u32 $0xD0000000, s2;
	s6 =	simm.s32 $0x108;
	_ =	swait.ge @!p0 [sflag:s8], $0x0  }
0x24: {  	s3 =	sadd.s32 $0x88, s3;
	s6 =	simm.s32 @!p1 $0x1082;
	[sflag:s4] =	ssyncset.s32 $0xFFFFF086  }
0x25: {  	[simem:s6], [sflag:s4] =	dma.local [hbm:s3], $0xF7A  }
0x26: {  	[smem:$0x3F7F] =	sst s1;
	(tag) =	ssettag s2;
	_ =	strace s9  }
0x27: {  	s1 =	sld [smem:$0x3F8F]  }
0x28: {  	s2 =	sld [smem:$0x3F90]  }
0x29: {  	s4 =	sld [smem:$0x3F92]  }
0x2a: {  	p0 =	seq.s32 s5, $0x0;
	s5 =	sld [smem:$0x3F93]  }
0x2b: {  	s6 =	sld [smem:$0x3F94]  }
0x2c: {  	s7 =	sld [smem:$0x3F95]  }
0x2d: {  	s3 =	simm.s32 $0x108;
	s8 =	sld [smem:$0x3F96]  }
0x2e: {  	s3 =	simm.s32 @!p0 $0x1082;
	s9 =	sld [smem:$0x3F97]  }
0x2f: {  	lr =	sadd.s32 s0, s3;
	s0 =	sld [smem:$0x3F8E]  }
0x30: {  	s3 =	sld [smem:$0x3F91]  }
0x31: {  	[smem:$0x3F9A] =	sst s10  }
0x32: {  	s10 =	sld [smem:$0x3F98];
	_ =	sdelay $0x3  }
0x33: {  	p0 =	seq.s32 s10, $0x1;
	s10 =	sld [smem:$0x3F9A];
	_ =	sdelay $0x3  }
0x34: {  	[smem:$0x3F9A] =	sst s10  }
0x35: {  	s10 =	sld [smem:$0x3F99];
	_ =	sdelay $0x3  }
0x36: {  	p1 =	seq.s32 s10, $0x1;
	s10 =	sld [smem:$0x3F9A];
	_ =	sdelay $0x3  }
0x37: {  	[smem:$0x3F9A] =	sst s10  }
0x38: {  	s10 =	sld [smem:$0x3F9B]  }
0x39: {  	_ = 	snop;
	(pc) =	sbr.ind lr, $3  }
0x3a: {  	_ = 	snop  }
0x3b: {  	_ = 	snop  }
0x3c: {  	p2 =	seq.s32 s10, $0x1;
	s10 =	sld [smem:$0x3F9A]  }
0x3d: {  	_ =	shalt  }
0x3e: {  	_ =	shalt  }
0x3f: {  	_ =	shalt  }
0x40: {  	_ =	shalt  }
0x41: {  	_ =	shalt  }
0x42: {  	_ =	shalt  }
0x43: {  	_ =	shalt  }
0x44: {  	_ =	shalt  }
0x45: {  	_ =	shalt  }
0x46: {  	_ =	shalt  }
0x47: {  	_ =	shalt  }
0x48: {  	_ =	shalt  }
0x49: {  	_ =	shalt  }
0x4a: {  	_ =	shalt  }
0x4b: {  	_ =	shalt  }
0x4c: {  	_ =	shalt  }
0x4d: {  	_ =	shalt  }
0x4e: {  	_ =	shalt  }
0x4f: {  	_ =	shalt  }
0x50: {  	_ =	shalt  }
0x51: {  	_ =	shalt  }
0x52: {  	_ =	shalt  }
0x53: {  	_ =	shalt  }
0x54: {  	_ =	shalt  }
0x55: {  	_ =	shalt  }
0x56: {  	_ =	shalt  }
0x57: {  	_ =	shalt  }
0x58: {  	_ =	shalt  }
0x59: {  	_ =	shalt  }
0x5a: {  	_ =	shalt  }
0x5b: {  	_ =	shalt  }
0x5c: {  	_ =	shalt  }
0x5d: {  	_ =	shalt  }
0x5e: {  	_ =	shalt  }
0x5f: {  	_ =	shalt  }
0x60: {  	_ =	shalt  }
0x61: {  	_ =	shalt  }
0x62: {  	_ =	shalt  }
0x63: {  	_ =	shalt  }
0x64: {  	_ =	shalt  }
0x65: {  	_ =	shalt  }
0x66: {  	_ =	shalt  }
0x67: {  	_ =	shalt  }
0x68: {  	_ =	shalt  }
0x69: {  	_ =	shalt  }
0x6a: {  	_ =	shalt  }
0x6b: {  	_ =	shalt  }
0x6c: {  	_ =	shalt  }
0x6d: {  	_ =	shalt  }
0x6e: {  	_ =	shalt  }
0x6f: {  	_ =	shalt  }
0x70: {  	_ =	shalt  }
0x71: {  	_ =	shalt  }
0x72: {  	_ =	shalt  }
0x73: {  	_ =	shalt  }
0x74: {  	_ =	shalt  }
0x75: {  	_ =	shalt  }
0x76: {  	_ =	shalt  }
0x77: {  	_ =	shalt  }
0x78: {  	_ =	shalt  }
0x79: {  	_ =	shalt  }
0x7a: {  	_ =	shalt  }
0x7b: {  	_ =	shalt  }
0x7c: {  	_ =	shalt  }
0x7d: {  	_ =	shalt  }
0x7e: {  	_ =	shalt  }
0x7f: {  	_ =	shalt  }
0x80: {  	_ =	shalt  }
0x81: {  	_ =	shalt  }
0x82: {  	_ =	shalt  }
0x83: {  	_ =	shalt  }
0x84: {  	_ =	shalt  }
0x85: {  	_ =	shalt  }
0x86: {  	_ =	shalt  }
0x87: {  	_ =	shalt  }
.Lfunc_end0:
.L_simem_size_0:
called_computation.1_lowered:
.L_overlay_start_0:
0x88: {  	s2 =	sld [smem:$0x3FD9]  }
0x89: {  	s3 =	sld [smem:$0x3FFE];
	_ =	sdelay $0x1  }
0x8a: {  	s1 =	srdreg.scid  }
0x8b: {  	s0 =	sand.u32 $0x1, s1  }
0x8c: {  	s17 =	sshll.u32 s0, $0xA;
	s2 =	sadd.s32 s3, s2  }
0x8d: {  	s2 =	sadd.s32 s2, s17  }
0x8e: {  	[smem:$0x3FA6] =	sst s2  }
0x8f: {  	_ = 	snop  }
0x90: {  	s18 =	sld [smem:$0x3FA8];
	(tm) =	ssettm $0x1  }
0x91: {  	s19 =	sld [smem:$0x3FFB];
	_ =	sdelay $0x3  }
0x92: {  	_ =	strace s19  }
0x93: {  	s2 =	sld [smem:$0x3FFC];
	_ =	sdelay $0x3  }
0x94: {  	_ =	strace s2  }
0x95: {  	s2 =	sld [smem:$0x3FFD];
	_ =	sdelay $0x3  }
0x96: {  	_ =	strace s2  }
0x97: {  	_ =	strace $0x8FFFFFFF  }
0x98: {  	s20 =	sld [smem:$0x3FDB];
	_ =	sdelay $0x1  }
0x99: {  	s4 =	simm.s32 $_scs_section_size  }
0x9a: {  	s5 =	simm.s32 $_size__tile_overlayer_lowered;
	s6 =	simm.s32 $_tile_overlayer_lowered  }
0x9b: {  	s7 =	simm.s32 $0x1BFF;
	s21 =	sshll.u32 s6, $0x1;
	s4 =	sadd.s32 s4, s20  }
0x9c: {  	s22 =	simm.s32 $0x0;
	s5 =	sshll.u32 s5, $0x1;
	s6 =	sadd.s32 s21, s4  }
0x9d: {  	[timem:s22], [sflag:s7] =	dma.local [hbm:s6], s5  }
0x9e: {  	_ =	swait.ge [sflag:s7], s5  }
0x9f: {  	s5 =	ssub.s32 $0x0, s5;
	[sflag:s7] =	ssyncset.done $0x0  }
0xa0: {  	[sflag:s7] =	ssyncadd.s32 s5;
	_ =	sdelay $0x1  }
0xa1: {  	s23 =	simm.s32 $0x1B8B  }
0xa2: {  	_ =	swait.ge [sflag:s23], $0x1  }
0xa3: {  	[sflag:s23] =	ssyncset.done $0x0  }
0xa4: {  	[sflag:s23] =	ssyncadd.s32 $0xFFFFFFFF  }
0xa5: {  	s5 =	sld [smem:$0x0]  }
0xa6: {  	s6 =	sand.u32 $0xFFFFFFFE, s1  }
0xa7: {  	p0 =	sne.s32 s1, s6  }
0xa8: {  	s6 =	sshll.u32 @p0 s6, $0xE  }
0xa9: {  	s6 =	sadd.s32 @p0 $0x11B8D, s6;
	s7 =	sshll.u32 @p0 s5, $0x11  }
0xaa: {  	s6 =	sor.u32 @p0 s7, s6  }
0xab: {  	[sflag:s6] =	ssyncadd.remote.s32 @p0 $0x1;
	_ =	sdelay $0x1  }
0xac: {  	s6 =	simm.s32 @p0 $0x1B8D  }
0xad: {  	_ =	swait.eq @p0 [sflag:s6], $0x1  }
0xae: {  	[sflag:s6] =	ssyncadd.s32 @p0 $0xFFFFFFFF  }
0xaf: {  	s7 =	sshll.u32 @!p0 s1, $0xE  }
0xb0: {  	s7 =	sor.u32 @!p0 $0x4000, s7;
	s6 =	simm.s32 @!p0 $0x1B8D  }
0xb1: {  	s5 =	sshll.u32 @!p0 s5, $0x11;
	s7 =	sadd.s32 @!p0 $0x11B8D, s7;
	_ =	swait.eq @!p0 [sflag:s6], $0x1  }
0xb2: {  	s5 =	sor.u32 @!p0 s5, s7;
	[sflag:s6] =	ssyncadd.s32 @!p0 $0xFFFFFFFF  }
0xb3: {  	s25 =	simm.s32 $0x1B8E;
	s24 =	sld [smem:$0x3FFE];
	[sflag:s5] =	ssyncadd.remote.s32 @!p0 $0x1  }
0xb4: {  	s26 =	simm.s32 $execute0_lowered;
	[smem:$0x3FD2] =	sst s25  }
0xb5: {  	s6 =	sshll.u32 s26, $0x1;
	_ =	strace $0x80000049;
	[dreg:$0x1] =	wrdreg $0xFFFFFFFF  }
0xb6: {  	s28 =	simm.s32 $_size_execute0_lowered;
	s4 =	sadd.s32 s4, s6;
	[dreg:$0x0] =	wrdreg $0x0  }
0xb7: {  	s6 =	sshll.u32 s28, $0x1;
	[dreg:$0x2] =	wrdreg s4  }
0xb8: {  	[dreg:$0x3] =	wrdreg s6  }
0xb9: {  	[dreg:$0x4] =	wrdreg $0xC0  }
0xba: {  	_ =	task [dreg:s22], $0x5FFFF  }
0xbb: {  	[dreg:$0x1] =	wrdreg $0xFFFFFFFF  }
0xbc: {  	[dreg:$0x0] =	wrdreg $0x60  }
0xbd: {  	[dreg:$0x2] =	wrdreg s18  }
0xbe: {  	[dreg:$0x3] =	wrdreg s24  }
0xbf: {  	[dreg:$0x4] =	wrdreg $0xA  }
0xc0: {  	_ =	task.clear_ibuf [dreg:s22], $0x5FFFF;
	_ =	strace $0x90000049  }
0xc1: {  	s29 =	simm.s32 $0xA;
	_ =	strace $0x8000004B  }
0xc2: {  	_ =	swait.ge [sflag:s29], $0x1  }
0xc3: {  	[sflag:s29] =	ssyncadd.s32 $0xFFFFFFFF  }
0xc4: {  	_ =	strace $0x9000004B  }
0xc5: {  	_ =	sfence  }
0xc6: {  	s30 =	sld [smem:$0x0];
	_ =	sdelay $0x2  }
0xc7: {  	s31 =	sshll.u32 s1, $0xD;
	s1 =	sshrl.u32 s1, $0x2  }
0xc8: {  	s4 =	sand.u32 $0x4000, s31;
	s1 =	sadd.s32 s1, s30  }
0xc9: {  	s0 =	sor.u32 s4, s0;
	s1 =	sshll.u32 s1, $0x11  }
0xca: {  	s0 =	sor.u32 s1, s0  }
0xcb: {  	s0 =	sadd.s32 $0x8F2B, s0  }
0xcc: {  	[sflag:s0] =	ssyncadd.remote.s32 $0x1  }
0xcd: {  	_ =	sfence.sel $0xFFFF  }
0xce: {  	[dreg:$0x0] =	wrdreg $0xFFFFFFFF;
	(pc) =	sbr.abs _section_cstart, $3  }
0xcf: {  	[dreg:$0x1] =	wrdreg $0xFFFFFFFF  }
0xd0: {  	_ =	task.clear_ibuf [dreg:s22], $0x2FFFF;
	_ =	strace $0x9FFFFFFF  }
0xd1: {  	(tm) =	ssettm $0x7FFFFFFF  }
tec
execute0_lowered:
.L_overlay_start_1:
0x0: {  	(tag) =	ssettag $0x1  }
0x1: {  	s2 =	rddreg [dreg:$0x0];
	s0 =	stileid.u32  }
0x2: {  	s1 =	srdreg.scid;
	s8 =	rddreg [dreg:$0x1]  }
0x3: {  	s5 =	simm.s32 $0x1;
	s9 =	simm.s32 $0x1;
	s10 =	simm.s32 $0x3  }
0x4: {  	s13 =	simm.s32 $0x0;
	s3 =	sand.u32 $0x1, s1;
	s4 =	sshll.u32 s0, $0x1  }
0x5: {  	s12 =	simm.s32 $0x0;
	s1 =	rddreg [dreg:$0x2];
	s6 =	sor.u32 s4, s3  }
0x6: {  	_ =	strace $0x8000004A;
	s3 =	sadd.s32 $0x6800, s8;
	s4 =	smul.u32 $0xA0, s6  }
0x7: {  	[sflag:s5] =	ssyncpa.u1 $0x0;
	p0 =	slt.u32 s6, $0x13;
	s6 =	simm.s32 $0x1400  }
.Ltmp0:
0x8: {  	s6 =	simm.s32 @!p0 $0x0;
	s7 =	ssub.s32 $0x1F40, s4;
	(pc) =	sbr.rel .LBB2_1-.Ltmp0, $4  }
0x9: {  	s9 =	simm.s32 @!p0 $0x0;
	p0 =	sne.s32 s7, s6;
	s7 =	simm.s32 $0x1  }
0xa: {  	s8 =	sadd.s32 $0xA400, s8;
	s6 =	simm.s32 $0x2;
	s7 =	simm.s32 @!p0 $0x0  }
0xb: {  	s11 =	smov.u32 s4;
	[sflag:s6] =	ssyncpa.u1 $0x0;
	s7 =	sadd.s32 s9, s7  }
0xc: {  	vm0 =	vmmov $0xffff;
	[sflag:s10] =	ssyncpa.u1 $0x0;
	s10 =	simm.s32 $0x0;
	s9 =	sadd.s32 $0x1, s7  }
.LBB2_4:
0xd: {  	v2 =	vnsel vm1, $0x0, v2  }
0xe: {  	vm1 =	vgt.s32 v0, $0x0;
	v2 =	vmin.u32 v2, $0x1F3F  }
0xf: {  	v0 =	vnsel vm1, $0x0, v0  }
0x10: {  	v0 =	vmin.u32 v0, $0x1F3F  }
0x11: {  	[tilespmem:s18], [sflag:$0x1] =	stream.indirect_vreg.gather [hbm4b:s2+s10], $0x1, v1, vm0, $0x4038;
	[tilespmem:$0x280] =	vst v63  }
0x12: {  	(ifvalue) =	ssetifvalue $0x7FFFFFFF  }
0x13: {  	[tilespmem:s15], [sflag:$0x1] =	stream.indirect_vreg.gather [hbm4b:s2+s10], $0x1, v2, vm0, $0x4038;
	[tilespmem:$0x280] =	vst v63  }
0x14: {  	s29 =	sadd.s32 $0x10, s15;
	(ifvalue) =	ssetifvalue $0x7FFFFFFF  }
0x15: {  	[tilespmem:s29], [sflag:$0x1] =	stream.indirect_vreg.gather [hbm4b:s2+s10], $0x1, v0, vm0, $0x4038;
	[tilespmem:$0x280] =	vst v63  }
0x16: {  	_ =	swait.ge [sflag:s5], $0xA0  }
0x17: {  	s30 =	sshrl.u32 s13, $0x3;
	[sflag:s5] =	ssyncset.done $0x0  }
0x18: {  	s31 =	sand.u32 $0x7, s13;
	s15 =	sadd.s32 s8, s30;
	[sflag:s5] =	ssyncadd.s32 $0xFFFFFF60  }
0x19: {  	[hbm4b:s15+s31] =	stream.linear.scatter [tilespmem:s14], [sflag:$0x3], $0xA0, $0x38;
	[tilespmem:$0x280] =	vst v63  }
.LBB2_5:
0x1a: {  	s15 =	sadd.s32 $0x1400, s11  }
0x1b: {  	p1 =	sgt.s32 s15, $0x1F3F  }
0x1c: {  	s15 =	smov.u32 @p1 s4;
	p1 =	sne.s32 s12, s9  }
.Ltmp1:
0x1d: {  	p0 =	slt.u32 s12, $0x2;
	(pc) =	sbr.rel @!p1 .LBB2_6-.Ltmp1, $4  }
0x1e: {  	s14 =	simm.s32 @!p0 $0x3  }
0x1f: {  	_ =	swait.ge @!p0 [sflag:s14], $0xA0  }
0x20: {  	s16 =	sadd.s32 $0x1, s12;
	s13 =	smov.u32 s11;
	[sflag:s14] =	ssyncset.done @!p0 $0x0  }
0x21: {  	s12 =	smov.u32 s16;
	s11 =	smov.u32 s15;
	[sflag:s14] =	ssyncadd.s32 @!p0 $0xFFFFFF60  }
.LBB2_1:
0x22: {  	p0 =	sge.u32 s12, s7  }
0x23: {  	s14 =	sxor.u32 @!p0 $0x1, s12  }
0x24: {  	s14 =	smul.u32 @!p0 $0x280, s14  }
0x25: {  	s31 =	sadd.s32 $0xFFFFFFFF, s12;
	s15 =	sshrl.u32 @!p0 s11, $0x3  }
0x26: {  	s16 =	sand.u32 @!p0 $0x7, s11;
	s15 =	sadd.s32 @!p0 s3, s15;
	s14 =	sshra.s32 @!p0 s14, $0x2  }
0x27: {  	[tilespmem:s14], [sflag:$0x2] =	stream.linear.gather @!p0 [hbm4b:s15+s16], $0xA0, $0x38;
	[tilespmem:$0x280] =	vst v63  }
0x28: {  	p0 =	sge.u32 s31, s7  }
.Ltmp2:
0x29: {  	_ = 	snop;
	(pc) =	sbr.rel @p0 .LBB2_5-.Ltmp2, $1  }
0x2a: {  	_ =	sdelay $0x3  }
0x2b: {  	s14 =	sand.u32 $0x1, s12  }
0x2c: {  	_ =	swait.ge [sflag:s6], $0xA0;
	p0 =	seq.s32 s14, $0x1;
	s14 =	simm.s32 $0xA0  }
0x2d: {  	[sflag:s6] =	ssyncset.done $0x0;
	s14 =	simm.s32 @!p0 $0x0  }
0x2e: {  	[sflag:s6] =	ssyncadd.s32 $0xFFFFFF60;
	(ifvalue) =	ssetifvalue $0x7FFFFFFF;
	v0 =	vld.msk [tilespmem:s14+$0x0 ss:$0x1], $0xffff;
	_ =	sdelay $0x4  }
0x2f: {  	s15 =	sadd.s32 $0x10, s14;
	vm1 =	vgt.s32 v0, $0x0  }
0x30: {  	v2 =	vld.msk [tilespmem:s15+$0x0 ss:$0x1], $0xffff;
	v1 =	vnsel vm1, $0x0, v0  }
0x31: {  	v1 =	vmin.u32 v1, $0x1F3F;
	_ =	sdelay $0x2  }
0x32: {  	s17 =	simm.s32 $0x20;
	s14 =	sor.u32 $0x140, s14;
	s16 =	sadd.s32 $0x10, s15  }
0x33: {  	s15 =	sadd.s32 $0x10, s14;
	s18 =	smov.u32 s14;
	v0 =	vld.msk [tilespmem:s16+$0x0 ss:$0x1], $0xffff;
	vm1 =	vgt.s32 v2, $0x0;
	(ifvalue) =	ssetifvalue $0x7FFFFFFF  }
.LBB2_3:
0x34: {  	[tilespmem:s18], [sflag:$0x1] =	stream.indirect_vreg.gather [hbm4b:s2+s10], $0x1, v1, vm0, $0x4038;
	[tilespmem:$0x280] =	vst v63  }
0x35: {  	s17 =	sadd.s32 $0x10, s17  }
0x36: {  	v2 =	vnsel vm1, $0x0, v2;
	p0 =	slt.u32 s17, $0x90  }
.Ltmp3:
0x37: {  	s18 =	smov.u32 s15;
	v1 =	vmin.u32 v2, $0x1F3F;
	(pc) =	sbr.rel @p0 .LBB2_3-.Ltmp3, $3  }
0x38: {  	_ =	sdelay $0x1  }
0x39: {  	s16 =	sadd.s32 $0x10, s16  }
0x3a: {  	vm1 =	vgt.s32 v0, $0x0;
	s15 =	sadd.s32 $0x10, s15;
	v2 =	vmov v0;
	(ifvalue) =	ssetifvalue $0x7FFFFFFF;
	v0 =	vld.msk [tilespmem:s16+$0x0 ss:$0x1], $0xffff  }
.Ltmp4:
0x3b: {  	_ = 	snop;
	(pc) =	sbr.rel .LBB2_4-.Ltmp4, $1  }
0x3c: {  	_ =	sdelay $0x3  }
.LBB2_6:
0x3d: {  	_ =	sfence.sel $0x180000  }
0x3e: {  	s2 =	simm.s32 $0x2;
	[bflag:$0x0] =	sbarrier.arrive $0xFFFF  }
0x3f: {  	s30 =	simm.s32 $0x3;
	[sflag:s2] =	ssyncpa.u1 $0x1  }
0x40: {  	s31 =	simm.s32 $0x1;
	[sflag:s30] =	ssyncpa.u1 $0x1  }
0x41: {  	[sflag:s31] =	ssyncpa.u1 $0x1  }
0x42: {  	p0 =	sne.s32 s0, $0x0;
	_ =	strace $0x9000004A  }
0x43: {  	s0 =	sadd.s32 @!p0 $0x100000, s1;
	[bflag:$0x2] =	sbarrier.arrive $0xFFFF  }
0x44: {  	[sflag:s0] =	ssyncadd.tile.s32 @!p0 $0x1;
	_ =	shalt  }
.Lfunc_end2:
_tile_overlayer_lowered:
.L_overlay_start_2:
0x45: {  	(tag) =	ssettag $0x2  }
0x46: {  	s0 =	rddreg [dreg:$0x0];
	s2 =	stileid.u32  }
0x47: {  	s1 =	rddreg [dreg:$0x1];
	p0 =	sne.s32 s2, $0x0  }
0x48: {  	s3 =	rddreg [dreg:$0x2];
	[bflag:$0x3] =	sbarrier.arrive $0xFFFF;
	s2 =	simm.s32 @!p0 $0x1C01  }
0x49: {  	[timem:s3], [sflag:s2] =	dma.local @!p0 [hbm:s0], s1  }
0x4a: {  	s0 =	simm.s32 @!p0 $0x1  }
0x4b: {  	_ =	swait.ge @!p0 [sflag:s0], s1  }
0x4c: {  	s1 =	ssub.s32 @!p0 $0x0, s1;
	[sflag:s0] =	ssyncset.done @!p0 $0x0  }
0x4d: {  	[sflag:s0] =	ssyncadd.s32 @!p0 s1  }
0x4e: {  	[bflag:$0x3] =	sbarrier.arrive $0xFFFF  }
0x4f: {  	_ =	shalt  }

// kernel: gather_offload_async_start.2
scs
__scs_entry_jumppad:
0x0: {  	(pc) =	sbr.rel $0x88, $3  }
0x1: {  	(tag) =	ssettag $0x0;
	lr =	simm.s32 $0x1  }
0x2: {  	[smem:$0x3F7F] =	sst lr;
	_ =	strace $0xD0000000  }
0x3: {  	_ = 	snop  }
0x4: {  	_ = 	snop  }
0x5: {  	_ = 	snop  }
0x6: {  	_ = 	snop  }
0x7: {  	_ = 	snop  }
__scs_overlays_trampoline_lowered:
0x8: {  	[smem:$0x3F8E] =	sst s0  }
0x9: {  	[smem:$0x3F8F] =	sst s1  }
0xa: {  	[smem:$0x3F90] =	sst s2  }
0xb: {  	[smem:$0x3F91] =	sst s3  }
0xc: {  	[smem:$0x3F92] =	sst s4  }
0xd: {  	[smem:$0x3F93] =	sst s5  }
0xe: {  	[smem:$0x3F94] =	sst s6  }
0xf: {  	[smem:$0x3F95] =	sst s7  }
0x10: {  	[smem:$0x3F96] =	sst s8  }
0x11: {  	[smem:$0x3F97] =	sst s9;
	s0 =	simm.s32 @!p0 $0x0  }
0x12: {  	s1 =	sld [smem:$0x3F7D];
	s0 =	simm.s32 @p0 $0x1  }
0x13: {  	[smem:$0x3F98] =	sst s0;
	s0 =	simm.s32 @!p1 $0x0  }
0x14: {  	s2 =	sld [smem:$0x3F7C];
	s0 =	simm.s32 @p1 $0x1  }
0x15: {  	[smem:$0x3F99] =	sst s0;
	s0 =	simm.s32 @!p2 $0x0  }
0x16: {  	s3 =	sld [smem:$0x3FDB];
	s0 =	simm.s32 @p2 $0x1  }
0x17: {  	s4 =	simm.s32 $0x1BF5;
	[smem:$0x3F9B] =	sst s0  }
0x18: {  	s0 =	sld [smem:$0x3F7E];
	_ =	swait.ge [sflag:s4], $0x0  }
0x19: {  	s7 =	sld [smem:$0x3F7F]  }
0x1a: {  	s8 =	sadd.s32 $0xFFFFE003, lr  }
0x1b: {  	s9 =	sadd.s32 $0xFFFFFEF7, lr;
	s5 =	simm.s32 $0xFFFFFFFF;
	p2 =	slt.u32 s8, $0xFFFFF086  }
0x1c: {  	p1 =	slt.u32 s9, $0xF7A;
	s5 =	simm.s32 @!p2 $0x0  }
0x1d: {  	s5 =	simm.s32 @p1 $0x1;
	p0 =	seq.s32 s7, s2  }
0x1e: {  	s7 =	smul.u32 @!p0 $0xF7A, s2;
	p2 =	seq.s32 @!p0 s5, $0x0  }
0x1f: {  	s9 =	smul.u32 $0xF7A, s1;
	s8 =	simm.s32 @!p0 $0x1BF5;
	p2 =	por !p2, p0  }
0x20: {  	[sflag:s8] =	ssyncset.s32 @!p0 $0xFFFFF086;
	s6 =	sadd.s32 @!p0 s3, s7;
	s7 =	simm.s32 @!p0 $0x108  }
0x21: {  	s3 =	sadd.s32 s3, s9;
	s6 =	sadd.s32 @!p0 $0x88, s6;
	s7 =	simm.s32 @p2 $0x1082  }
0x22: {  	[simem:s7], [sflag:s8] =	dma.local @!p0 [hbm:s6], $0xF7A  }
0x23: {  	s9 =	sor.u32 $0xD0000000, s2;
	s6 =	simm.s32 $0x108;
	_ =	swait.ge @!p0 [sflag:s8], $0x0  }
0x24: {  	s3 =	sadd.s32 $0x88, s3;
	s6 =	simm.s32 @!p1 $0x1082;
	[sflag:s4] =	ssyncset.s32 $0xFFFFF086  }
0x25: {  	[simem:s6], [sflag:s4] =	dma.local [hbm:s3], $0xF7A  }
0x26: {  	[smem:$0x3F7F] =	sst s1;
	(tag) =	ssettag s2;
	_ =	strace s9  }
0x27: {  	s1 =	sld [smem:$0x3F8F]  }
0x28: {  	s2 =	sld [smem:$0x3F90]  }
0x29: {  	s4 =	sld [smem:$0x3F92]  }
0x2a: {  	p0 =	seq.s32 s5, $0x0;
	s5 =	sld [smem:$0x3F93]  }
0x2b: {  	s6 =	sld [smem:$0x3F94]  }
0x2c: {  	s7 =	sld [smem:$0x3F95]  }
0x2d: {  	s3 =	simm.s32 $0x108;
	s8 =	sld [smem:$0x3F96]  }
0x2e: {  	s3 =	simm.s32 @!p0 $0x1082;
	s9 =	sld [smem:$0x3F97]  }
0x2f: {  	lr =	sadd.s32 s0, s3;
	s0 =	sld [smem:$0x3F8E]  }
0x30: {  	s3 =	sld [smem:$0x3F91]  }
0x31: {  	[smem:$0x3F9A] =	sst s10  }
0x32: {  	s10 =	sld [smem:$0x3F98];
	_ =	sdelay $0x3  }
0x33: {  	p0 =	seq.s32 s10, $0x1;
	s10 =	sld [smem:$0x3F9A];
	_ =	sdelay $0x3  }
0x34: {  	[smem:$0x3F9A] =	sst s10  }
0x35: {  	s10 =	sld [smem:$0x3F99];
	_ =	sdelay $0x3  }
0x36: {  	p1 =	seq.s32 s10, $0x1;
	s10 =	sld [smem:$0x3F9A];
	_ =	sdelay $0x3  }
0x37: {  	[smem:$0x3F9A] =	sst s10  }
0x38: {  	s10 =	sld [smem:$0x3F9B]  }
0x39: {  	_ = 	snop;
	(pc) =	sbr.ind lr, $3  }
0x3a: {  	_ = 	snop  }
0x3b: {  	_ = 	snop  }
0x3c: {  	p2 =	seq.s32 s10, $0x1;
	s10 =	sld [smem:$0x3F9A]  }
0x3d: {  	_ =	shalt  }
0x3e: {  	_ =	shalt  }
0x3f: {  	_ =	shalt  }
0x40: {  	_ =	shalt  }
0x41: {  	_ =	shalt  }
0x42: {  	_ =	shalt  }
0x43: {  	_ =	shalt  }
0x44: {  	_ =	shalt  }
0x45: {  	_ =	shalt  }
0x46: {  	_ =	shalt  }
0x47: {  	_ =	shalt  }
0x48: {  	_ =	shalt  }
0x49: {  	_ =	shalt  }
0x4a: {  	_ =	shalt  }
0x4b: {  	_ =	shalt  }
0x4c: {  	_ =	shalt  }
0x4d: {  	_ =	shalt  }
0x4e: {  	_ =	shalt  }
0x4f: {  	_ =	shalt  }
0x50: {  	_ =	shalt  }
0x51: {  	_ =	shalt  }
0x52: {  	_ =	shalt  }
0x53: {  	_ =	shalt  }
0x54: {  	_ =	shalt  }
0x55: {  	_ =	shalt  }
0x56: {  	_ =	shalt  }
0x57: {  	_ =	shalt  }
0x58: {  	_ =	shalt  }
0x59: {  	_ =	shalt  }
0x5a: {  	_ =	shalt  }
0x5b: {  	_ =	shalt  }
0x5c: {  	_ =	shalt  }
0x5d: {  	_ =	shalt  }
0x5e: {  	_ =	shalt  }
0x5f: {  	_ =	shalt  }
0x60: {  	_ =	shalt  }
0x61: {  	_ =	shalt  }
0x62: {  	_ =	shalt  }
0x63: {  	_ =	shalt  }
0x64: {  	_ =	shalt  }
0x65: {  	_ =	shalt  }
0x66: {  	_ =	shalt  }
0x67: {  	_ =	shalt  }
0x68: {  	_ =	shalt  }
0x69: {  	_ =	shalt  }
0x6a: {  	_ =	shalt  }
0x6b: {  	_ =	shalt  }
0x6c: {  	_ =	shalt  }
0x6d: {  	_ =	shalt  }
0x6e: {  	_ =	shalt  }
0x6f: {  	_ =	shalt  }
0x70: {  	_ =	shalt  }
0x71: {  	_ =	shalt  }
0x72: {  	_ =	shalt  }
0x73: {  	_ =	shalt  }
0x74: {  	_ =	shalt  }
0x75: {  	_ =	shalt  }
0x76: {  	_ =	shalt  }
0x77: {  	_ =	shalt  }
0x78: {  	_ =	shalt  }
0x79: {  	_ =	shalt  }
0x7a: {  	_ =	shalt  }
0x7b: {  	_ =	shalt  }
0x7c: {  	_ =	shalt  }
0x7d: {  	_ =	shalt  }
0x7e: {  	_ =	shalt  }
0x7f: {  	_ =	shalt  }
0x80: {  	_ =	shalt  }
0x81: {  	_ =	shalt  }
0x82: {  	_ =	shalt  }
0x83: {  	_ =	shalt  }
0x84: {  	_ =	shalt  }
0x85: {  	_ =	shalt  }
0x86: {  	_ =	shalt  }
0x87: {  	_ =	shalt  }
.Lfunc_end0:
.L_simem_size_0:
called_computation.2_lowered:
.L_overlay_start_0:
0x88: {  	s2 =	sld [smem:$0x3FD9]  }
0x89: {  	s3 =	sld [smem:$0x3FFE];
	_ =	sdelay $0x1  }
0x8a: {  	s1 =	srdreg.scid  }
0x8b: {  	s0 =	sand.u32 $0x1, s1  }
0x8c: {  	s17 =	sshll.u32 s0, $0xA;
	s2 =	sadd.s32 s3, s2  }
0x8d: {  	s2 =	sadd.s32 s2, s17  }
0x8e: {  	[smem:$0x3FA6] =	sst s2  }
0x8f: {  	_ = 	snop  }
0x90: {  	s18 =	sld [smem:$0x3FC9];
	(tm) =	ssettm $0x1  }
0x91: {  	s19 =	sld [smem:$0x3FFB];
	_ =	sdelay $0x3  }
0x92: {  	_ =	strace s19  }
0x93: {  	s2 =	sld [smem:$0x3FFC];
	_ =	sdelay $0x3  }
0x94: {  	_ =	strace s2  }
0x95: {  	s2 =	sld [smem:$0x3FFD];
	_ =	sdelay $0x3  }
0x96: {  	_ =	strace s2  }
0x97: {  	_ =	strace $0x8FFFFFFF  }
0x98: {  	s20 =	sld [smem:$0x3FDB];
	_ =	sdelay $0x1  }
0x99: {  	s4 =	simm.s32 $_scs_section_size  }
0x9a: {  	s5 =	simm.s32 $_size__tile_overlayer_lowered;
	s6 =	simm.s32 $_tile_overlayer_lowered  }
0x9b: {  	s7 =	simm.s32 $0x1BFF;
	s21 =	sshll.u32 s6, $0x1;
	s4 =	sadd.s32 s4, s20  }
0x9c: {  	s22 =	simm.s32 $0x0;
	s5 =	sshll.u32 s5, $0x1;
	s6 =	sadd.s32 s21, s4  }
0x9d: {  	[timem:s22], [sflag:s7] =	dma.local [hbm:s6], s5  }
0x9e: {  	_ =	swait.ge [sflag:s7], s5  }
0x9f: {  	s5 =	ssub.s32 $0x0, s5;
	[sflag:s7] =	ssyncset.done $0x0  }
0xa0: {  	[sflag:s7] =	ssyncadd.s32 s5;
	_ =	sdelay $0x1  }
0xa1: {  	s23 =	simm.s32 $0x1B8B  }
0xa2: {  	_ =	swait.ge [sflag:s23], $0x1  }
0xa3: {  	[sflag:s23] =	ssyncset.done $0x0  }
0xa4: {  	[sflag:s23] =	ssyncadd.s32 $0xFFFFFFFF  }
0xa5: {  	s5 =	sld [smem:$0x0]  }
0xa6: {  	s6 =	sand.u32 $0xFFFFFFFE, s1  }
0xa7: {  	p0 =	sne.s32 s1, s6  }
0xa8: {  	s6 =	sshll.u32 @p0 s6, $0xE  }
0xa9: {  	s6 =	sadd.s32 @p0 $0x11B8D, s6;
	s7 =	sshll.u32 @p0 s5, $0x11  }
0xaa: {  	s6 =	sor.u32 @p0 s7, s6  }
0xab: {  	[sflag:s6] =	ssyncadd.remote.s32 @p0 $0x1;
	_ =	sdelay $0x1  }
0xac: {  	s6 =	simm.s32 @p0 $0x1B8D  }
0xad: {  	_ =	swait.eq @p0 [sflag:s6], $0x1  }
0xae: {  	[sflag:s6] =	ssyncadd.s32 @p0 $0xFFFFFFFF  }
0xaf: {  	s7 =	sshll.u32 @!p0 s1, $0xE  }
0xb0: {  	s7 =	sor.u32 @!p0 $0x4000, s7;
	s6 =	simm.s32 @!p0 $0x1B8D  }
0xb1: {  	s5 =	sshll.u32 @!p0 s5, $0x11;
	s7 =	sadd.s32 @!p0 $0x11B8D, s7;
	_ =	swait.eq @!p0 [sflag:s6], $0x1  }
0xb2: {  	s5 =	sor.u32 @!p0 s5, s7;
	[sflag:s6] =	ssyncadd.s32 @!p0 $0xFFFFFFFF  }
0xb3: {  	s25 =	simm.s32 $0x1B8E;
	s24 =	sld [smem:$0x3FFE];
	[sflag:s5] =	ssyncadd.remote.s32 @!p0 $0x1  }
0xb4: {  	s26 =	simm.s32 $execute0_lowered;
	[smem:$0x3FD2] =	sst s25  }
0xb5: {  	s6 =	sshll.u32 s26, $0x1;
	_ =	strace $0x8000004F;
	[dreg:$0x1] =	wrdreg $0xFFFFFFFF  }
0xb6: {  	s28 =	simm.s32 $_size_execute0_lowered;
	s4 =	sadd.s32 s4, s6;
	[dreg:$0x0] =	wrdreg $0x0  }
0xb7: {  	s6 =	sshll.u32 s28, $0x1;
	[dreg:$0x2] =	wrdreg s4  }
0xb8: {  	[dreg:$0x3] =	wrdreg s6  }
0xb9: {  	[dreg:$0x4] =	wrdreg $0xC0  }
0xba: {  	_ =	task [dreg:s22], $0x5FFFF  }
0xbb: {  	[dreg:$0x1] =	wrdreg $0xFFFFFFFF  }
0xbc: {  	[dreg:$0x0] =	wrdreg $0x60  }
0xbd: {  	[dreg:$0x2] =	wrdreg s18  }
0xbe: {  	[dreg:$0x3] =	wrdreg s24  }
0xbf: {  	[dreg:$0x4] =	wrdreg $0x9  }
0xc0: {  	_ =	task.clear_ibuf [dreg:s22], $0x5FFFF;
	_ =	strace $0x9000004F  }
0xc1: {  	s29 =	simm.s32 $0x9;
	_ =	strace $0x80000051  }
0xc2: {  	_ =	swait.ge [sflag:s29], $0x1  }
0xc3: {  	[sflag:s29] =	ssyncadd.s32 $0xFFFFFFFF  }
0xc4: {  	_ =	strace $0x90000051  }
0xc5: {  	_ =	sfence  }
0xc6: {  	s30 =	sld [smem:$0x0];
	_ =	sdelay $0x2  }
0xc7: {  	s31 =	sshll.u32 s1, $0xD;
	s1 =	sshrl.u32 s1, $0x2  }
0xc8: {  	s4 =	sand.u32 $0x4000, s31;
	s1 =	sadd.s32 s1, s30  }
0xc9: {  	s0 =	sor.u32 s4, s0;
	s1 =	sshll.u32 s1, $0x11  }
0xca: {  	s0 =	sor.u32 s1, s0  }
0xcb: {  	s0 =	sadd.s32 $0x8F2B, s0  }
0xcc: {  	[sflag:s0] =	ssyncadd.remote.s32 $0x1  }
0xcd: {  	_ =	sfence.sel $0xFFFF  }
0xce: {  	[dreg:$0x0] =	wrdreg $0xFFFFFFFF;
	(pc) =	sbr.abs _section_cstart, $3  }
0xcf: {  	[dreg:$0x1] =	wrdreg $0xFFFFFFFF  }
0xd0: {  	_ =	task.clear_ibuf [dreg:s22], $0x2FFFF;
	_ =	strace $0x9FFFFFFF  }
0xd1: {  	(tm) =	ssettm $0x7FFFFFFF  }
tec
execute0_lowered:
.L_overlay_start_1:
0x0: {  	(tag) =	ssettag $0x1  }
0x1: {  	s0 =	srdreg.scid  }
0x2: {  	s1 =	sshll.u32 s0, $0x4  }
0x3: {  	s0 =	stileid.u32;
	s1 =	sand.u32 $0x10, s1  }
0x4: {  	s2 =	sor.u32 s0, s1  }
0x5: {  	s1 =	smin.u32 s2, $0x12  }
0x6: {  	s1 =	sadd.s32 s2, s1  }
0x7: {  	p0 =	slt.u32 s2, $0x12;
	s2 =	simm.s32 $0x140;
	s1 =	smul.u32 $0xA0, s1  }
0x8: {  	s2 =	simm.s32 @!p0 $0xA0  }
0x9: {  	s2 =	sadd.s32 s2, s1  }
0xa: {  	s3 =	smin.u32 s2, $0x1F40  }
0xb: {  	s7 =	ssub.s32 s3, s1  }
0xc: {  	p0 =	sgt.s32 s7, $0x0  }
0xd: {  	s7 =	simm.s32 @!p0 $0x0  }
0xe: {  	s4 =	rddreg [dreg:$0x0];
	s31 =	smul.u32 $0xCCCD, s7  }
0xf: {  	s9 =	rddreg [dreg:$0x1];
	s6 =	simm.s32 $0x1  }
0x10: {  	s11 =	simm.s32 $0x3;
	s13 =	simm.s32 $0x0;
	s8 =	sshrl.u32 s31, $0x17  }
0x11: {  	s12 =	simm.s32 $0x0;
	s5 =	sadd.s32 $0x6800, s9;
	s10 =	smul.u32 $0xA0, s8  }
.Ltmp0:
0x12: {  	s9 =	sadd.s32 $0x48C00, s9;
	s2 =	rddreg [dreg:$0x2];
	(pc) =	sbr.rel .LBB2_1-.Ltmp0, $4  }
0x13: {  	_ =	strace $0x80000050;
	p0 =	sne.s32 s7, s10;
	s10 =	simm.s32 $0x1  }
0x14: {  	[sflag:s6] =	ssyncpa.u1 $0x0;
	s7 =	simm.s32 $0x2;
	s10 =	simm.s32 @!p0 $0x0  }
0x15: {  	[sflag:s7] =	ssyncpa.u1 $0x0;
	p0 =	por $0x0, $0x0;
	s8 =	sadd.s32 s8, s10  }
0x16: {  	vm0 =	vmmov $0xff;
	vm1 =	vcmask $0x3F20;
	[sflag:s11] =	ssyncpa.u1 $0x0;
	s11 =	smov.u32 s1;
	s10 =	sadd.s32 $0x1, s8  }
.LBB2_6:
0x17: {  	[hbm:s17] =	stream.linear.scatter [tilespmem:s14], [sflag:$0x3], $0x400, $0x38;
	[tilespmem:$0xA140] =	vst v63  }
.LBB2_7:
0x18: {  	s13 =	sadd.s32 $0xA0, s11  }
0x19: {  	s15 =	smov.u32 s1;
	p2 =	slt.s32 s13, s3  }
0x1a: {  	s15 =	smov.u32 @p2 s13;
	p2 =	sne.s32 s12, s10  }
.Ltmp1:
0x1b: {  	p1 =	slt.u32 s12, $0x2;
	(pc) =	sbr.rel @!p2 .LBB2_8-.Ltmp1, $4  }
0x1c: {  	s14 =	simm.s32 @!p1 $0x3  }
0x1d: {  	s16 =	sadd.s32 $0x1, s12;
	_ =	swait.ge @!p1 [sflag:s14], $0x5000  }
0x1e: {  	p0 =	por !p0, !p0;
	s13 =	smov.u32 s11;
	[sflag:s14] =	ssyncset.done @!p1 $0x0  }
0x1f: {  	s12 =	smov.u32 s16;
	s11 =	smov.u32 s15;
	[sflag:s14] =	ssyncadd.s32 @!p1 $0xFFFFB000  }
.LBB2_1:
0x20: {  	p1 =	sge.u32 s12, s8  }
0x21: {  	s14 =	sxor.u32 @!p1 $0xFFFFFFFF, s12  }
0x22: {  	s14 =	sand.u32 @!p1 $0x1, s14  }
0x23: {  	s14 =	smul.u32 @!p1 $0x280, s14  }
0x24: {  	s31 =	sadd.s32 $0xFFFFFFFF, s12;
	s15 =	sshrl.u32 @!p1 s11, $0x3  }
0x25: {  	s16 =	sand.u32 @!p1 $0x7, s11;
	s15 =	sadd.s32 @!p1 s5, s15;
	s14 =	sshrl.u32 @!p1 s14, $0x2  }
0x26: {  	[tilespmem:s14], [sflag:$0x2] =	stream.linear.gather @!p1 [hbm4b:s15+s16], $0xA0, $0x38;
	[tilespmem:$0xA140] =	vst v63  }
0x27: {  	p1 =	sge.u32 s31, s8  }
.Ltmp2:
0x28: {  	_ = 	snop;
	(pc) =	sbr.rel @p1 .LBB2_7-.Ltmp2, $1  }
0x29: {  	_ =	sdelay $0x3  }
0x2a: {  	s14 =	simm.s32 $0x1  }
0x2b: {  	s14 =	simm.s32 @!p0 $0x0  }
0x2c: {  	s15 =	smul.u32 $0x280, s14  }
0x2d: {  	_ =	swait.ge [sflag:s7], $0xA0  }
0x2e: {  	[sflag:s7] =	ssyncset.done $0x0;
	s16 =	sshrl.u32 s15, $0x2  }
0x2f: {  	[sflag:s7] =	ssyncadd.s32 $0xFFFFFF60;
	s15 =	sadd.s32 $0x0, s16  }
0x30: {  	v0 =	vld.msk [tilespmem:s15+$0x0 ss:$0x1], $0xffff;
	_ =	sdelay $0x4  }
0x31: {  	vm2 =	vgt.s32 v0, $0x0  }
0x32: {  	v0 =	vnsel vm2, $0x0, v0  }
0x33: {  	v0 =	vmin.u32 v0, $0x1F3F  }
0x34: {  	v0 =	vshll.u32 v0, $0x4  }
0x35: {  	s14 =	smul.u32 $0x14000, s14;
	_ =	sdelay $0x1  }
0x36: {  	s14 =	sshrl.u32 s14, $0x2  }
0x37: {  	s14 =	sor.u32 $0x140, s14  }
0x38: {  	[tilespmem:s14], [sflag:$0x1] =	stream.indirect_vreg.gather [hbm:s4], $0x80, v0, vm0, $0x38;
	[tilespmem:$0xA140] =	vst v63  }
0x39: {  	s17 =	sadd.s32 $0x10, s16;
	s15 =	sadd.s32 $0x400, s14  }
0x3a: {  	[tilespmem:s15], [sflag:$0x1] =	stream.indirect_vreg.gather [hbm:s4], $0x80, v0, vm1, $0x38;
	[tilespmem:$0xA140] =	vst v63  }
0x3b: {  	s18 =	simm.s32 $0x80;
	v0 =	vld.msk [tilespmem:s17+$0x0 ss:$0x1], $0xffff;
	s17 =	smov.u32 s14  }
.LBB2_3:
0x3c: {  	p1 =	sne.s32 s18, $0x240;
	_ =	sdelay $0x4  }
0x3d: {  	vm2 =	vgt.s32 v0, $0x0  }
0x3e: {  	v0 =	vnsel vm2, $0x0, v0  }
0x3f: {  	v0 =	vmin.u32 v0, $0x1F3F  }
0x40: {  	v0 =	vshll.u32 v0, $0x4;
	_ =	sdelay $0x3  }
.Ltmp3:
0x41: {  	s19 =	sshra.s32 s18, $0x2;
	s17 =	sadd.s32 $0x800, s17;
	(pc) =	sbr.rel @p1 .LBB2_3-.Ltmp3, $4  }
0x42: {  	[tilespmem:s17], [sflag:$0x1] =	stream.indirect_vreg.gather [hbm:s4], $0x80, v0, vm0, $0x38;
	[tilespmem:$0xA140] =	vst v63  }
0x43: {  	s19 =	sadd.s32 s19, s16;
	s20 =	sadd.s32 $0x400, s17  }
0x44: {  	[tilespmem:s20], [sflag:$0x1] =	stream.indirect_vreg.gather [hbm:s4], $0x80, v0, vm1, $0x38;
	[tilespmem:$0xA140] =	vst v63  }
0x45: {  	s18 =	sadd.s32 $0x40, s18;
	v0 =	vld.msk [tilespmem:s19+$0x0 ss:$0x1], $0xffff  }
0x46: {  	_ =	sdelay $0x3  }
0x47: {  	vm2 =	vgt.s32 v0, $0x0  }
0x48: {  	v0 =	vnsel vm2, $0x0, v0  }
0x49: {  	v0 =	vmin.u32 v0, $0x1F3F  }
0x4a: {  	v0 =	vshll.u32 v0, $0x4;
	_ =	sdelay $0x3  }
0x4b: {  	s16 =	sadd.s32 $0x800, s17  }
0x4c: {  	[tilespmem:s16], [sflag:$0x1] =	stream.indirect_vreg.gather [hbm:s4], $0x80, v0, vm0, $0x38;
	[tilespmem:$0xA140] =	vst v63  }
0x4d: {  	s16 =	sadd.s32 $0x400, s16  }
0x4e: {  	[tilespmem:s16], [sflag:$0x1] =	stream.indirect_vreg.gather [hbm:s4], $0x80, v0, vm1, $0x38;
	[tilespmem:$0xA140] =	vst v63  }
0x4f: {  	s13 =	sshll.u32 s13, $0x4;
	_ =	swait.ge [sflag:s6], $0x5000  }
0x50: {  	s13 =	sadd.s32 s13, s9;
	[sflag:s6] =	ssyncset.done $0x0  }
0x51: {  	s17 =	sadd.s32 $0x0, s13;
	s16 =	simm.s32 $0x80;
	[sflag:s6] =	ssyncadd.s32 $0xFFFFB000  }
.LBB2_5:
0x52: {  	[hbm:s17] =	stream.linear.scatter [tilespmem:s14], [sflag:$0x3], $0x400, $0x38;
	[tilespmem:$0xA140] =	vst v63  }
0x53: {  	s17 =	smov.u32 s16;
	s14 =	smov.u32 s15;
	p1 =	sne.s32 s16, $0x980  }
.Ltmp4:
0x54: {  	s16 =	sadd.s32 $0x80, s16;
	(pc) =	sbr.rel @p1 .LBB2_5-.Ltmp4, $2  }
0x55: {  	_ =	sdelay $0x2  }
0x56: {  	s15 =	sadd.s32 $0x400, s15;
	s17 =	sadd.s32 s17, s13  }
.Ltmp5:
0x57: {  	_ = 	snop;
	(pc) =	sbr.rel .LBB2_6-.Ltmp5, $1  }
0x58: {  	_ =	sdelay $0x3  }
.LBB2_8:
0x59: {  	_ =	sfence.sel $0x180000  }
0x5a: {  	s1 =	simm.s32 $0x2;
	[bflag:$0x0] =	sbarrier.arrive $0xFFFF  }
0x5b: {  	s30 =	simm.s32 $0x3;
	[sflag:s1] =	ssyncpa.u1 $0x1  }
0x5c: {  	s31 =	simm.s32 $0x1;
	[sflag:s30] =	ssyncpa.u1 $0x1  }
0x5d: {  	[sflag:s31] =	ssyncpa.u1 $0x1  }
0x5e: {  	p0 =	sne.s32 s0, $0x0;
	_ =	strace $0x90000050  }
0x5f: {  	s0 =	sadd.s32 @!p0 $0x100000, s2;
	[bflag:$0x2] =	sbarrier.arrive $0xFFFF  }
0x60: {  	[sflag:s0] =	ssyncadd.tile.s32 @!p0 $0x1;
	_ =	shalt  }
.Lfunc_end2:
_tile_overlayer_lowered:
.L_overlay_start_2:
0x61: {  	(tag) =	ssettag $0x2  }
0x62: {  	s0 =	rddreg [dreg:$0x0];
	s2 =	stileid.u32  }
0x63: {  	s1 =	rddreg [dreg:$0x1];
	p0 =	sne.s32 s2, $0x0  }
0x64: {  	s3 =	rddreg [dreg:$0x2];
	[bflag:$0x3] =	sbarrier.arrive $0xFFFF;
	s2 =	simm.s32 @!p0 $0x1C01  }
0x65: {  	[timem:s3], [sflag:s2] =	dma.local @!p0 [hbm:s0], s1  }
0x66: {  	s0 =	simm.s32 @!p0 $0x1  }
0x67: {  	_ =	swait.ge @!p0 [sflag:s0], s1  }
0x68: {  	s1 =	ssub.s32 @!p0 $0x0, s1;
	[sflag:s0] =	ssyncset.done @!p0 $0x0  }
0x69: {  	[sflag:s0] =	ssyncadd.s32 @!p0 s1  }
0x6a: {  	[bflag:$0x3] =	sbarrier.arrive $0xFFFF  }
0x6b: {  	_ =	shalt  }

// kernel: gather_offload_async_start.3
scs
__scs_entry_jumppad:
0x0: {  	(pc) =	sbr.rel $0x88, $3  }
0x1: {  	(tag) =	ssettag $0x0;
	lr =	simm.s32 $0x1  }
0x2: {  	[smem:$0x3F7F] =	sst lr;
	_ =	strace $0xD0000000  }
0x3: {  	_ = 	snop  }
0x4: {  	_ = 	snop  }
0x5: {  	_ = 	snop  }
0x6: {  	_ = 	snop  }
0x7: {  	_ = 	snop  }
__scs_overlays_trampoline_lowered:
0x8: {  	[smem:$0x3F8E] =	sst s0  }
0x9: {  	[smem:$0x3F8F] =	sst s1  }
0xa: {  	[smem:$0x3F90] =	sst s2  }
0xb: {  	[smem:$0x3F91] =	sst s3  }
0xc: {  	[smem:$0x3F92] =	sst s4  }
0xd: {  	[smem:$0x3F93] =	sst s5  }
0xe: {  	[smem:$0x3F94] =	sst s6  }
0xf: {  	[smem:$0x3F95] =	sst s7  }
0x10: {  	[smem:$0x3F96] =	sst s8  }
0x11: {  	[smem:$0x3F97] =	sst s9;
	s0 =	simm.s32 @!p0 $0x0  }
0x12: {  	s1 =	sld [smem:$0x3F7D];
	s0 =	simm.s32 @p0 $0x1  }
0x13: {  	[smem:$0x3F98] =	sst s0;
	s0 =	simm.s32 @!p1 $0x0  }
0x14: {  	s2 =	sld [smem:$0x3F7C];
	s0 =	simm.s32 @p1 $0x1  }
0x15: {  	[smem:$0x3F99] =	sst s0;
	s0 =	simm.s32 @!p2 $0x0  }
0x16: {  	s3 =	sld [smem:$0x3FDB];
	s0 =	simm.s32 @p2 $0x1  }
0x17: {  	s4 =	simm.s32 $0x1BF5;
	[smem:$0x3F9B] =	sst s0  }
0x18: {  	s0 =	sld [smem:$0x3F7E];
	_ =	swait.ge [sflag:s4], $0x0  }
0x19: {  	s7 =	sld [smem:$0x3F7F]  }
0x1a: {  	s8 =	sadd.s32 $0xFFFFE003, lr  }
0x1b: {  	s9 =	sadd.s32 $0xFFFFFEF7, lr;
	s5 =	simm.s32 $0xFFFFFFFF;
	p2 =	slt.u32 s8, $0xFFFFF086  }
0x1c: {  	p1 =	slt.u32 s9, $0xF7A;
	s5 =	simm.s32 @!p2 $0x0  }
0x1d: {  	s5 =	simm.s32 @p1 $0x1;
	p0 =	seq.s32 s7, s2  }
0x1e: {  	s7 =	smul.u32 @!p0 $0xF7A, s2;
	p2 =	seq.s32 @!p0 s5, $0x0  }
0x1f: {  	s9 =	smul.u32 $0xF7A, s1;
	s8 =	simm.s32 @!p0 $0x1BF5;
	p2 =	por !p2, p0  }
0x20: {  	[sflag:s8] =	ssyncset.s32 @!p0 $0xFFFFF086;
	s6 =	sadd.s32 @!p0 s3, s7;
	s7 =	simm.s32 @!p0 $0x108  }
0x21: {  	s3 =	sadd.s32 s3, s9;
	s6 =	sadd.s32 @!p0 $0x88, s6;
	s7 =	simm.s32 @p2 $0x1082  }
0x22: {  	[simem:s7], [sflag:s8] =	dma.local @!p0 [hbm:s6], $0xF7A  }
0x23: {  	s9 =	sor.u32 $0xD0000000, s2;
	s6 =	simm.s32 $0x108;
	_ =	swait.ge @!p0 [sflag:s8], $0x0  }
0x24: {  	s3 =	sadd.s32 $0x88, s3;
	s6 =	simm.s32 @!p1 $0x1082;
	[sflag:s4] =	ssyncset.s32 $0xFFFFF086  }
0x25: {  	[simem:s6], [sflag:s4] =	dma.local [hbm:s3], $0xF7A  }
0x26: {  	[smem:$0x3F7F] =	sst s1;
	(tag) =	ssettag s2;
	_ =	strace s9  }
0x27: {  	s1 =	sld [smem:$0x3F8F]  }
0x28: {  	s2 =	sld [smem:$0x3F90]  }
0x29: {  	s4 =	sld [smem:$0x3F92]  }
0x2a: {  	p0 =	seq.s32 s5, $0x0;
	s5 =	sld [smem:$0x3F93]  }
0x2b: {  	s6 =	sld [smem:$0x3F94]  }
0x2c: {  	s7 =	sld [smem:$0x3F95]  }
0x2d: {  	s3 =	simm.s32 $0x108;
	s8 =	sld [smem:$0x3F96]  }
0x2e: {  	s3 =	simm.s32 @!p0 $0x1082;
	s9 =	sld [smem:$0x3F97]  }
0x2f: {  	lr =	sadd.s32 s0, s3;
	s0 =	sld [smem:$0x3F8E]  }
0x30: {  	s3 =	sld [smem:$0x3F91]  }
0x31: {  	[smem:$0x3F9A] =	sst s10  }
0x32: {  	s10 =	sld [smem:$0x3F98];
	_ =	sdelay $0x3  }
0x33: {  	p0 =	seq.s32 s10, $0x1;
	s10 =	sld [smem:$0x3F9A];
	_ =	sdelay $0x3  }
0x34: {  	[smem:$0x3F9A] =	sst s10  }
0x35: {  	s10 =	sld [smem:$0x3F99];
	_ =	sdelay $0x3  }
0x36: {  	p1 =	seq.s32 s10, $0x1;
	s10 =	sld [smem:$0x3F9A];
	_ =	sdelay $0x3  }
0x37: {  	[smem:$0x3F9A] =	sst s10  }
0x38: {  	s10 =	sld [smem:$0x3F9B]  }
0x39: {  	_ = 	snop;
	(pc) =	sbr.ind lr, $3  }
0x3a: {  	_ = 	snop  }
0x3b: {  	_ = 	snop  }
0x3c: {  	p2 =	seq.s32 s10, $0x1;
	s10 =	sld [smem:$0x3F9A]  }
0x3d: {  	_ =	shalt  }
0x3e: {  	_ =	shalt  }
0x3f: {  	_ =	shalt  }
0x40: {  	_ =	shalt  }
0x41: {  	_ =	shalt  }
0x42: {  	_ =	shalt  }
0x43: {  	_ =	shalt  }
0x44: {  	_ =	shalt  }
0x45: {  	_ =	shalt  }
0x46: {  	_ =	shalt  }
0x47: {  	_ =	shalt  }
0x48: {  	_ =	shalt  }
0x49: {  	_ =	shalt  }
0x4a: {  	_ =	shalt  }
0x4b: {  	_ =	shalt  }
0x4c: {  	_ =	shalt  }
0x4d: {  	_ =	shalt  }
0x4e: {  	_ =	shalt  }
0x4f: {  	_ =	shalt  }
0x50: {  	_ =	shalt  }
0x51: {  	_ =	shalt  }
0x52: {  	_ =	shalt  }
0x53: {  	_ =	shalt  }
0x54: {  	_ =	shalt  }
0x55: {  	_ =	shalt  }
0x56: {  	_ =	shalt  }
0x57: {  	_ =	shalt  }
0x58: {  	_ =	shalt  }
0x59: {  	_ =	shalt  }
0x5a: {  	_ =	shalt  }
0x5b: {  	_ =	shalt  }
0x5c: {  	_ =	shalt  }
0x5d: {  	_ =	shalt  }
0x5e: {  	_ =	shalt  }
0x5f: {  	_ =	shalt  }
0x60: {  	_ =	shalt  }
0x61: {  	_ =	shalt  }
0x62: {  	_ =	shalt  }
0x63: {  	_ =	shalt  }
0x64: {  	_ =	shalt  }
0x65: {  	_ =	shalt  }
0x66: {  	_ =	shalt  }
0x67: {  	_ =	shalt  }
0x68: {  	_ =	shalt  }
0x69: {  	_ =	shalt  }
0x6a: {  	_ =	shalt  }
0x6b: {  	_ =	shalt  }
0x6c: {  	_ =	shalt  }
0x6d: {  	_ =	shalt  }
0x6e: {  	_ =	shalt  }
0x6f: {  	_ =	shalt  }
0x70: {  	_ =	shalt  }
0x71: {  	_ =	shalt  }
0x72: {  	_ =	shalt  }
0x73: {  	_ =	shalt  }
0x74: {  	_ =	shalt  }
0x75: {  	_ =	shalt  }
0x76: {  	_ =	shalt  }
0x77: {  	_ =	shalt  }
0x78: {  	_ =	shalt  }
0x79: {  	_ =	shalt  }
0x7a: {  	_ =	shalt  }
0x7b: {  	_ =	shalt  }
0x7c: {  	_ =	shalt  }
0x7d: {  	_ =	shalt  }
0x7e: {  	_ =	shalt  }
0x7f: {  	_ =	shalt  }
0x80: {  	_ =	shalt  }
0x81: {  	_ =	shalt  }
0x82: {  	_ =	shalt  }
0x83: {  	_ =	shalt  }
0x84: {  	_ =	shalt  }
0x85: {  	_ =	shalt  }
0x86: {  	_ =	shalt  }
0x87: {  	_ =	shalt  }
.Lfunc_end0:
.L_simem_size_0:
called_computation.3_lowered:
.L_overlay_start_0:
0x88: {  	s2 =	sld [smem:$0x3FD9]  }
0x89: {  	s3 =	sld [smem:$0x3FFE];
	_ =	sdelay $0x1  }
0x8a: {  	s1 =	srdreg.scid  }
0x8b: {  	s0 =	sand.u32 $0x1, s1  }
0x8c: {  	s14 =	sshll.u32 s0, $0xA;
	s2 =	sadd.s32 s3, s2  }
0x8d: {  	s2 =	sadd.s32 s2, s14  }
0x8e: {  	[smem:$0x3FA6] =	sst s2  }
0x8f: {  	_ = 	snop  }
0x90: {  	s2 =	sld [smem:$0x3FD0];
	_ =	sdelay $0x2  }
0x91: {  	s15 =	simm.s32 $0xB;
	s4 =	simm.s32 $0x10  }
0x92: {  	[smem:s4], [sflag:s15] =	dma.local [hbm:s2], $0x1  }
0x93: {  	_ =	swait.eq [sflag:s15], $0x1  }
0x94: {  	[sflag:s15] =	ssyncset.done $0x0  }
0x95: {  	[sflag:s15] =	ssyncadd.s32 $0xFFFFFFFF  }
0x96: {  	s16 =	sld [smem:$0x10];
	(tm) =	ssettm $0x1  }
0x97: {  	s17 =	sld [smem:$0x3FFB];
	_ =	sdelay $0x3  }
0x98: {  	_ =	strace s17  }
0x99: {  	s3 =	sld [smem:$0x3FFC];
	_ =	sdelay $0x3  }
0x9a: {  	_ =	strace s3  }
0x9b: {  	s3 =	sld [smem:$0x3FFD];
	_ =	sdelay $0x3  }
0x9c: {  	_ =	strace s3  }
0x9d: {  	_ =	strace $0x8FFFFFFF  }
0x9e: {  	s18 =	sld [smem:$0x3FDB];
	_ =	sdelay $0x1  }
0x9f: {  	s19 =	simm.s32 $_scs_section_size  }
0xa0: {  	s5 =	simm.s32 $_size__tile_overlayer_lowered;
	s6 =	simm.s32 $_tile_overlayer_lowered  }
0xa1: {  	s22 =	simm.s32 $0x1BFF;
	s21 =	sshll.u32 s6, $0x1;
	s3 =	sadd.s32 s19, s18  }
0xa2: {  	s7 =	simm.s32 $0x0;
	s20 =	sshll.u32 s5, $0x1;
	s5 =	sadd.s32 s21, s3  }
0xa3: {  	[timem:s7], [sflag:s22] =	dma.local [hbm:s5], s20  }
0xa4: {  	_ =	swait.ge [sflag:s22], s20  }
0xa5: {  	s4 =	ssub.s32 $0x0, s20;
	[sflag:s22] =	ssyncset.done $0x0  }
0xa6: {  	[sflag:s22] =	ssyncadd.s32 s4;
	_ =	sdelay $0x1  }
0xa7: {  	s23 =	simm.s32 $0x1B8B  }
0xa8: {  	_ =	swait.ge [sflag:s23], $0x1  }
0xa9: {  	[sflag:s23] =	ssyncset.done $0x0  }
0xaa: {  	s25 =	simm.s32 $0x1B8E;
	s24 =	sld [smem:$0x3FFE];
	[sflag:s23] =	ssyncadd.s32 $0xFFFFFFFF  }
0xab: {  	s26 =	simm.s32 $execute0_lowered;
	[smem:$0x3FD2] =	sst s25  }
0xac: {  	s5 =	sshll.u32 s26, $0x1;
	_ =	strace $0x8000004C;
	[dreg:$0x1] =	wrdreg $0xFFFFFFFF  }
0xad: {  	s28 =	simm.s32 $_size_execute0_lowered;
	s3 =	sadd.s32 s3, s5;
	[dreg:$0x0] =	wrdreg $0x0  }
0xae: {  	s5 =	sshll.u32 s28, $0x1;
	[dreg:$0x2] =	wrdreg s3  }
0xaf: {  	[dreg:$0x3] =	wrdreg s5  }
0xb0: {  	[dreg:$0x4] =	wrdreg $0xC0  }
0xb1: {  	_ =	task [dreg:s7], $0x5FFFF  }
0xb2: {  	[dreg:$0x1] =	wrdreg $0xFFFFFFFF  }
0xb3: {  	[dreg:$0x0] =	wrdreg $0x60  }
0xb4: {  	[dreg:$0x2] =	wrdreg s16  }
0xb5: {  	[dreg:$0x3] =	wrdreg s24  }
0xb6: {  	[dreg:$0x4] =	wrdreg $0xA  }
0xb7: {  	_ =	task.clear_ibuf [dreg:s7], $0x5FFFF;
	_ =	strace $0x9000004C  }
0xb8: {  	s29 =	simm.s32 $0xA;
	_ =	strace $0x8000004E  }
0xb9: {  	_ =	swait.ge [sflag:s29], $0x1  }
0xba: {  	[sflag:s29] =	ssyncadd.s32 $0xFFFFFFFF  }
0xbb: {  	_ =	strace $0x9000004E  }
0xbc: {  	_ =	sfence  }
0xbd: {  	s30 =	sld [smem:$0x0];
	_ =	sdelay $0x2  }
0xbe: {  	s31 =	sshll.u32 s1, $0xD;
	s1 =	sshrl.u32 s1, $0x2  }
0xbf: {  	s3 =	sand.u32 $0x4000, s31;
	s1 =	sadd.s32 s1, s30  }
0xc0: {  	s0 =	sor.u32 s3, s0;
	s1 =	sshll.u32 s1, $0x11  }
0xc1: {  	s0 =	sor.u32 s1, s0  }
0xc2: {  	s0 =	sadd.s32 $0x8F2B, s0  }
0xc3: {  	[sflag:s0] =	ssyncadd.remote.s32 $0x1  }
0xc4: {  	_ =	sfence.sel $0xFFFF  }
0xc5: {  	[dreg:$0x0] =	wrdreg $0xFFFFFFFF;
	(pc) =	sbr.abs _section_cstart, $3  }
0xc6: {  	[dreg:$0x1] =	wrdreg $0xFFFFFFFF  }
0xc7: {  	_ =	task.clear_ibuf [dreg:s7], $0x2FFFF;
	_ =	strace $0x9FFFFFFF  }
0xc8: {  	(tm) =	ssettm $0x7FFFFFFF  }
0xc9: {  	_ =	shalt  }
tec
execute0_lowered:
.L_overlay_start_1:
0x0: {  	(tag) =	ssettag $0x1  }
0x1: {  	s0 =	srdreg.scid  }
0x2: {  	s1 =	sshll.u32 s0, $0x4  }
0x3: {  	s0 =	stileid.u32;
	s1 =	sand.u32 $0x10, s1  }
0x4: {  	s2 =	sor.u32 s0, s1  }
0x5: {  	s1 =	smin.u32 s2, $0x12  }
0x6: {  	s1 =	sadd.s32 s2, s1  }
0x7: {  	p0 =	slt.u32 s2, $0x12;
	s2 =	simm.s32 $0x140;
	s1 =	smul.u32 $0xA0, s1  }
0x8: {  	s2 =	simm.s32 @!p0 $0xA0  }
0x9: {  	s2 =	sadd.s32 s2, s1  }
0xa: {  	s3 =	smin.u32 s2, $0x1F40  }
0xb: {  	s7 =	ssub.s32 s3, s1  }
0xc: {  	p0 =	sgt.s32 s7, $0x0  }
0xd: {  	s7 =	simm.s32 @!p0 $0x0  }
0xe: {  	s4 =	rddreg [dreg:$0x0];
	s31 =	smul.u32 $0xCCCD, s7  }
0xf: {  	s9 =	rddreg [dreg:$0x1];
	s6 =	simm.s32 $0x1  }
0x10: {  	s11 =	simm.s32 $0x3;
	s13 =	simm.s32 $0x0;
	s8 =	sshrl.u32 s31, $0x17  }
0x11: {  	s12 =	simm.s32 $0x0;
	s5 =	sadd.s32 $0x6800, s9;
	s10 =	smul.u32 $0xA0, s8  }
.Ltmp0:
0x12: {  	s9 =	sadd.s32 $0xA400, s9;
	s2 =	rddreg [dreg:$0x2];
	(pc) =	sbr.rel .LBB2_1-.Ltmp0, $4  }
0x13: {  	_ =	strace $0x8000004D;
	p0 =	sne.s32 s7, s10;
	s10 =	simm.s32 $0x1  }
0x14: {  	[sflag:s6] =	ssyncpa.u1 $0x0;
	s7 =	simm.s32 $0x2;
	s10 =	simm.s32 @!p0 $0x0  }
0x15: {  	[sflag:s7] =	ssyncpa.u1 $0x0;
	p0 =	por $0x0, $0x0;
	s8 =	sadd.s32 s8, s10  }
0x16: {  	vm0 =	vmmov $0xff;
	vm1 =	vcmask $0x3F20;
	[sflag:s11] =	ssyncpa.u1 $0x0;
	s11 =	smov.u32 s1;
	s10 =	sadd.s32 $0x1, s8  }
.LBB2_6:
0x17: {  	[hbm:s17] =	stream.linear.scatter [tilespmem:s14], [sflag:$0x3], $0x400, $0x38;
	[tilespmem:$0xA140] =	vst v63  }
.LBB2_7:
0x18: {  	s13 =	sadd.s32 $0xA0, s11  }
0x19: {  	s15 =	smov.u32 s1;
	p2 =	slt.s32 s13, s3  }
0x1a: {  	s15 =	smov.u32 @p2 s13;
	p2 =	sne.s32 s12, s10  }
.Ltmp1:
0x1b: {  	p1 =	slt.u32 s12, $0x2;
	(pc) =	sbr.rel @!p2 .LBB2_8-.Ltmp1, $4  }
0x1c: {  	s14 =	simm.s32 @!p1 $0x3  }
0x1d: {  	s16 =	sadd.s32 $0x1, s12;
	_ =	swait.ge @!p1 [sflag:s14], $0x5000  }
0x1e: {  	p0 =	por !p0, !p0;
	s13 =	smov.u32 s11;
	[sflag:s14] =	ssyncset.done @!p1 $0x0  }
0x1f: {  	s12 =	smov.u32 s16;
	s11 =	smov.u32 s15;
	[sflag:s14] =	ssyncadd.s32 @!p1 $0xFFFFB000  }
.LBB2_1:
0x20: {  	p1 =	sge.u32 s12, s8  }
0x21: {  	s14 =	sxor.u32 @!p1 $0xFFFFFFFF, s12  }
0x22: {  	s14 =	sand.u32 @!p1 $0x1, s14  }
0x23: {  	s14 =	smul.u32 @!p1 $0x280, s14  }
0x24: {  	s31 =	sadd.s32 $0xFFFFFFFF, s12;
	s15 =	sshrl.u32 @!p1 s11, $0x3  }
0x25: {  	s16 =	sand.u32 @!p1 $0x7, s11;
	s15 =	sadd.s32 @!p1 s5, s15;
	s14 =	sshrl.u32 @!p1 s14, $0x2  }
0x26: {  	[tilespmem:s14], [sflag:$0x2] =	stream.linear.gather @!p1 [hbm4b:s15+s16], $0xA0, $0x38;
	[tilespmem:$0xA140] =	vst v63  }
0x27: {  	p1 =	sge.u32 s31, s8  }
.Ltmp2:
0x28: {  	_ = 	snop;
	(pc) =	sbr.rel @p1 .LBB2_7-.Ltmp2, $1  }
0x29: {  	_ =	sdelay $0x3  }
0x2a: {  	s14 =	simm.s32 $0x1  }
0x2b: {  	s14 =	simm.s32 @!p0 $0x0  }
0x2c: {  	s15 =	smul.u32 $0x280, s14  }
0x2d: {  	_ =	swait.ge [sflag:s7], $0xA0  }
0x2e: {  	[sflag:s7] =	ssyncset.done $0x0;
	s16 =	sshrl.u32 s15, $0x2  }
0x2f: {  	[sflag:s7] =	ssyncadd.s32 $0xFFFFFF60;
	s15 =	sadd.s32 $0x0, s16  }
0x30: {  	v0 =	vld.msk [tilespmem:s15+$0x0 ss:$0x1], $0xffff;
	_ =	sdelay $0x4  }
0x31: {  	vm2 =	vgt.s32 v0, $0x0  }
0x32: {  	v0 =	vnsel vm2, $0x0, v0  }
0x33: {  	v0 =	vmin.u32 v0, $0x1F3F  }
0x34: {  	v0 =	vshll.u32 v0, $0x4  }
0x35: {  	s14 =	smul.u32 $0x14000, s14;
	_ =	sdelay $0x1  }
0x36: {  	s14 =	sshrl.u32 s14, $0x2  }
0x37: {  	s14 =	sor.u32 $0x140, s14  }
0x38: {  	[tilespmem:s14], [sflag:$0x1] =	stream.indirect_vreg.gather [hbm:s4], $0x80, v0, vm0, $0x38;
	[tilespmem:$0xA140] =	vst v63  }
0x39: {  	s17 =	sadd.s32 $0x10, s16;
	s15 =	sadd.s32 $0x400, s14  }
0x3a: {  	[tilespmem:s15], [sflag:$0x1] =	stream.indirect_vreg.gather [hbm:s4], $0x80, v0, vm1, $0x38;
	[tilespmem:$0xA140] =	vst v63  }
0x3b: {  	s18 =	simm.s32 $0x80;
	v0 =	vld.msk [tilespmem:s17+$0x0 ss:$0x1], $0xffff;
	s17 =	smov.u32 s14  }
.LBB2_3:
0x3c: {  	p1 =	sne.s32 s18, $0x240;
	_ =	sdelay $0x4  }
0x3d: {  	vm2 =	vgt.s32 v0, $0x0  }
0x3e: {  	v0 =	vnsel vm2, $0x0, v0  }
0x3f: {  	v0 =	vmin.u32 v0, $0x1F3F  }
0x40: {  	v0 =	vshll.u32 v0, $0x4;
	_ =	sdelay $0x3  }
.Ltmp3:
0x41: {  	s19 =	sshra.s32 s18, $0x2;
	s17 =	sadd.s32 $0x800, s17;
	(pc) =	sbr.rel @p1 .LBB2_3-.Ltmp3, $4  }
0x42: {  	[tilespmem:s17], [sflag:$0x1] =	stream.indirect_vreg.gather [hbm:s4], $0x80, v0, vm0, $0x38;
	[tilespmem:$0xA140] =	vst v63  }
0x43: {  	s19 =	sadd.s32 s19, s16;
	s20 =	sadd.s32 $0x400, s17  }
0x44: {  	[tilespmem:s20], [sflag:$0x1] =	stream.indirect_vreg.gather [hbm:s4], $0x80, v0, vm1, $0x38;
	[tilespmem:$0xA140] =	vst v63  }
0x45: {  	s18 =	sadd.s32 $0x40, s18;
	v0 =	vld.msk [tilespmem:s19+$0x0 ss:$0x1], $0xffff  }
0x46: {  	_ =	sdelay $0x3  }
0x47: {  	vm2 =	vgt.s32 v0, $0x0  }
0x48: {  	v0 =	vnsel vm2, $0x0, v0  }
0x49: {  	v0 =	vmin.u32 v0, $0x1F3F  }
0x4a: {  	v0 =	vshll.u32 v0, $0x4;
	_ =	sdelay $0x3  }
0x4b: {  	s16 =	sadd.s32 $0x800, s17  }
0x4c: {  	[tilespmem:s16], [sflag:$0x1] =	stream.indirect_vreg.gather [hbm:s4], $0x80, v0, vm0, $0x38;
	[tilespmem:$0xA140] =	vst v63  }
0x4d: {  	s16 =	sadd.s32 $0x400, s16  }
0x4e: {  	[tilespmem:s16], [sflag:$0x1] =	stream.indirect_vreg.gather [hbm:s4], $0x80, v0, vm1, $0x38;
	[tilespmem:$0xA140] =	vst v63  }
0x4f: {  	s13 =	sshll.u32 s13, $0x4;
	_ =	swait.ge [sflag:s6], $0x5000  }
0x50: {  	s13 =	sadd.s32 s13, s9;
	[sflag:s6] =	ssyncset.done $0x0  }
0x51: {  	s17 =	sadd.s32 $0x0, s13;
	s16 =	simm.s32 $0x80;
	[sflag:s6] =	ssyncadd.s32 $0xFFFFB000  }
.LBB2_5:
0x52: {  	[hbm:s17] =	stream.linear.scatter [tilespmem:s14], [sflag:$0x3], $0x400, $0x38;
	[tilespmem:$0xA140] =	vst v63  }
0x53: {  	s17 =	smov.u32 s16;
	s14 =	smov.u32 s15;
	p1 =	sne.s32 s16, $0x980  }
.Ltmp4:
0x54: {  	s16 =	sadd.s32 $0x80, s16;
	(pc) =	sbr.rel @p1 .LBB2_5-.Ltmp4, $2  }
0x55: {  	_ =	sdelay $0x2  }
0x56: {  	s15 =	sadd.s32 $0x400, s15;
	s17 =	sadd.s32 s17, s13  }
.Ltmp5:
0x57: {  	_ = 	snop;
	(pc) =	sbr.rel .LBB2_6-.Ltmp5, $1  }
0x58: {  	_ =	sdelay $0x3  }
.LBB2_8:
0x59: {  	_ =	sfence.sel $0x180000  }
0x5a: {  	s1 =	simm.s32 $0x2;
	[bflag:$0x0] =	sbarrier.arrive $0xFFFF  }
0x5b: {  	s30 =	simm.s32 $0x3;
	[sflag:s1] =	ssyncpa.u1 $0x1  }
0x5c: {  	s31 =	simm.s32 $0x1;
	[sflag:s30] =	ssyncpa.u1 $0x1  }
0x5d: {  	[sflag:s31] =	ssyncpa.u1 $0x1  }
0x5e: {  	p0 =	sne.s32 s0, $0x0;
	_ =	strace $0x9000004D  }
0x5f: {  	s0 =	sadd.s32 @!p0 $0x100000, s2;
	[bflag:$0x2] =	sbarrier.arrive $0xFFFF  }
0x60: {  	[sflag:s0] =	ssyncadd.tile.s32 @!p0 $0x1;
	_ =	shalt  }
.Lfunc_end2:
_tile_overlayer_lowered:
.L_overlay_start_2:
0x61: {  	(tag) =	ssettag $0x2  }
0x62: {  	s0 =	rddreg [dreg:$0x0];
	s2 =	stileid.u32  }
0x63: {  	s1 =	rddreg [dreg:$0x1];
	p0 =	sne.s32 s2, $0x0  }
0x64: {  	s3 =	rddreg [dreg:$0x2];
	[bflag:$0x3] =	sbarrier.arrive $0xFFFF;
	s2 =	simm.s32 @!p0 $0x1C01  }
0x65: {  	[timem:s3], [sflag:s2] =	dma.local @!p0 [hbm:s0], s1  }
0x66: {  	s0 =	simm.s32 @!p0 $0x1  }
0x67: {  	_ =	swait.ge @!p0 [sflag:s0], s1  }
0x68: {  	s1 =	ssub.s32 @!p0 $0x0, s1;
	[sflag:s0] =	ssyncset.done @!p0 $0x0  }
0x69: {  	[sflag:s0] =	ssyncadd.s32 @!p0 s1  }
0x6a: {  	[bflag:$0x3] =	sbarrier.arrive $0xFFFF  }
0x6b: {  	_ =	shalt  }

// kernel: gather_offload_async_start.4
scs
__scs_entry_jumppad:
0x0: {  	(pc) =	sbr.rel $0x88, $3  }
0x1: {  	(tag) =	ssettag $0x0;
	lr =	simm.s32 $0x1  }
0x2: {  	[smem:$0x3F7F] =	sst lr;
	_ =	strace $0xD0000000  }
0x3: {  	_ = 	snop  }
0x4: {  	_ = 	snop  }
0x5: {  	_ = 	snop  }
0x6: {  	_ = 	snop  }
0x7: {  	_ = 	snop  }
__scs_overlays_trampoline_lowered:
0x8: {  	[smem:$0x3F8E] =	sst s0  }
0x9: {  	[smem:$0x3F8F] =	sst s1  }
0xa: {  	[smem:$0x3F90] =	sst s2  }
0xb: {  	[smem:$0x3F91] =	sst s3  }
0xc: {  	[smem:$0x3F92] =	sst s4  }
0xd: {  	[smem:$0x3F93] =	sst s5  }
0xe: {  	[smem:$0x3F94] =	sst s6  }
0xf: {  	[smem:$0x3F95] =	sst s7  }
0x10: {  	[smem:$0x3F96] =	sst s8  }
0x11: {  	[smem:$0x3F97] =	sst s9;
	s0 =	simm.s32 @!p0 $0x0  }
0x12: {  	s1 =	sld [smem:$0x3F7D];
	s0 =	simm.s32 @p0 $0x1  }
0x13: {  	[smem:$0x3F98] =	sst s0;
	s0 =	simm.s32 @!p1 $0x0  }
0x14: {  	s2 =	sld [smem:$0x3F7C];
	s0 =	simm.s32 @p1 $0x1  }
0x15: {  	[smem:$0x3F99] =	sst s0;
	s0 =	simm.s32 @!p2 $0x0  }
0x16: {  	s3 =	sld [smem:$0x3FDB];
	s0 =	simm.s32 @p2 $0x1  }
0x17: {  	s4 =	simm.s32 $0x1BF5;
	[smem:$0x3F9B] =	sst s0  }
0x18: {  	s0 =	sld [smem:$0x3F7E];
	_ =	swait.ge [sflag:s4], $0x0  }
0x19: {  	s7 =	sld [smem:$0x3F7F]  }
0x1a: {  	s8 =	sadd.s32 $0xFFFFE003, lr  }
0x1b: {  	s9 =	sadd.s32 $0xFFFFFEF7, lr;
	s5 =	simm.s32 $0xFFFFFFFF;
	p2 =	slt.u32 s8, $0xFFFFF086  }
0x1c: {  	p1 =	slt.u32 s9, $0xF7A;
	s5 =	simm.s32 @!p2 $0x0  }
0x1d: {  	s5 =	simm.s32 @p1 $0x1;
	p0 =	seq.s32 s7, s2  }
0x1e: {  	s7 =	smul.u32 @!p0 $0xF7A, s2;
	p2 =	seq.s32 @!p0 s5, $0x0  }
0x1f: {  	s9 =	smul.u32 $0xF7A, s1;
	s8 =	simm.s32 @!p0 $0x1BF5;
	p2 =	por !p2, p0  }
0x20: {  	[sflag:s8] =	ssyncset.s32 @!p0 $0xFFFFF086;
	s6 =	sadd.s32 @!p0 s3, s7;
	s7 =	simm.s32 @!p0 $0x108  }
0x21: {  	s3 =	sadd.s32 s3, s9;
	s6 =	sadd.s32 @!p0 $0x88, s6;
	s7 =	simm.s32 @p2 $0x1082  }
0x22: {  	[simem:s7], [sflag:s8] =	dma.local @!p0 [hbm:s6], $0xF7A  }
0x23: {  	s9 =	sor.u32 $0xD0000000, s2;
	s6 =	simm.s32 $0x108;
	_ =	swait.ge @!p0 [sflag:s8], $0x0  }
0x24: {  	s3 =	sadd.s32 $0x88, s3;
	s6 =	simm.s32 @!p1 $0x1082;
	[sflag:s4] =	ssyncset.s32 $0xFFFFF086  }
0x25: {  	[simem:s6], [sflag:s4] =	dma.local [hbm:s3], $0xF7A  }
0x26: {  	[smem:$0x3F7F] =	sst s1;
	(tag) =	ssettag s2;
	_ =	strace s9  }
0x27: {  	s1 =	sld [smem:$0x3F8F]  }
0x28: {  	s2 =	sld [smem:$0x3F90]  }
0x29: {  	s4 =	sld [smem:$0x3F92]  }
0x2a: {  	p0 =	seq.s32 s5, $0x0;
	s5 =	sld [smem:$0x3F93]  }
0x2b: {  	s6 =	sld [smem:$0x3F94]  }
0x2c: {  	s7 =	sld [smem:$0x3F95]  }
0x2d: {  	s3 =	simm.s32 $0x108;
	s8 =	sld [smem:$0x3F96]  }
0x2e: {  	s3 =	simm.s32 @!p0 $0x1082;
	s9 =	sld [smem:$0x3F97]  }
0x2f: {  	lr =	sadd.s32 s0, s3;
	s0 =	sld [smem:$0x3F8E]  }
0x30: {  	s3 =	sld [smem:$0x3F91]  }
0x31: {  	[smem:$0x3F9A] =	sst s10  }
0x32: {  	s10 =	sld [smem:$0x3F98];
	_ =	sdelay $0x3  }
0x33: {  	p0 =	seq.s32 s10, $0x1;
	s10 =	sld [smem:$0x3F9A];
	_ =	sdelay $0x3  }
0x34: {  	[smem:$0x3F9A] =	sst s10  }
0x35: {  	s10 =	sld [smem:$0x3F99];
	_ =	sdelay $0x3  }
0x36: {  	p1 =	seq.s32 s10, $0x1;
	s10 =	sld [smem:$0x3F9A];
	_ =	sdelay $0x3  }
0x37: {  	[smem:$0x3F9A] =	sst s10  }
0x38: {  	s10 =	sld [smem:$0x3F9B]  }
0x39: {  	_ = 	snop;
	(pc) =	sbr.ind lr, $3  }
0x3a: {  	_ = 	snop  }
0x3b: {  	_ = 	snop  }
0x3c: {  	p2 =	seq.s32 s10, $0x1;
	s10 =	sld [smem:$0x3F9A]  }
0x3d: {  	_ =	shalt  }
0x3e: {  	_ =	shalt  }
0x3f: {  	_ =	shalt  }
0x40: {  	_ =	shalt  }
0x41: {  	_ =	shalt  }
0x42: {  	_ =	shalt  }
0x43: {  	_ =	shalt  }
0x44: {  	_ =	shalt  }
0x45: {  	_ =	shalt  }
0x46: {  	_ =	shalt  }
0x47: {  	_ =	shalt  }
0x48: {  	_ =	shalt  }
0x49: {  	_ =	shalt  }
0x4a: {  	_ =	shalt  }
0x4b: {  	_ =	shalt  }
0x4c: {  	_ =	shalt  }
0x4d: {  	_ =	shalt  }
0x4e: {  	_ =	shalt  }
0x4f: {  	_ =	shalt  }
0x50: {  	_ =	shalt  }
0x51: {  	_ =	shalt  }
0x52: {  	_ =	shalt  }
0x53: {  	_ =	shalt  }
0x54: {  	_ =	shalt  }
0x55: {  	_ =	shalt  }
0x56: {  	_ =	shalt  }
0x57: {  	_ =	shalt  }
0x58: {  	_ =	shalt  }
0x59: {  	_ =	shalt  }
0x5a: {  	_ =	shalt  }
0x5b: {  	_ =	shalt  }
0x5c: {  	_ =	shalt  }
0x5d: {  	_ =	shalt  }
0x5e: {  	_ =	shalt  }
0x5f: {  	_ =	shalt  }
0x60: {  	_ =	shalt  }
0x61: {  	_ =	shalt  }
0x62: {  	_ =	shalt  }
0x63: {  	_ =	shalt  }
0x64: {  	_ =	shalt  }
0x65: {  	_ =	shalt  }
0x66: {  	_ =	shalt  }
0x67: {  	_ =	shalt  }
0x68: {  	_ =	shalt  }
0x69: {  	_ =	shalt  }
0x6a: {  	_ =	shalt  }
0x6b: {  	_ =	shalt  }
0x6c: {  	_ =	shalt  }
0x6d: {  	_ =	shalt  }
0x6e: {  	_ =	shalt  }
0x6f: {  	_ =	shalt  }
0x70: {  	_ =	shalt  }
0x71: {  	_ =	shalt  }
0x72: {  	_ =	shalt  }
0x73: {  	_ =	shalt  }
0x74: {  	_ =	shalt  }
0x75: {  	_ =	shalt  }
0x76: {  	_ =	shalt  }
0x77: {  	_ =	shalt  }
0x78: {  	_ =	shalt  }
0x79: {  	_ =	shalt  }
0x7a: {  	_ =	shalt  }
0x7b: {  	_ =	shalt  }
0x7c: {  	_ =	shalt  }
0x7d: {  	_ =	shalt  }
0x7e: {  	_ =	shalt  }
0x7f: {  	_ =	shalt  }
0x80: {  	_ =	shalt  }
0x81: {  	_ =	shalt  }
0x82: {  	_ =	shalt  }
0x83: {  	_ =	shalt  }
0x84: {  	_ =	shalt  }
0x85: {  	_ =	shalt  }
0x86: {  	_ =	shalt  }
0x87: {  	_ =	shalt  }
.Lfunc_end0:
.L_simem_size_0:
called_computation.4_lowered:
.L_overlay_start_0:
0x88: {  	s2 =	sld [smem:$0x3FD9]  }
0x89: {  	s3 =	sld [smem:$0x3FFE];
	_ =	sdelay $0x1  }
0x8a: {  	s1 =	srdreg.scid  }
0x8b: {  	s0 =	sand.u32 $0x1, s1  }
0x8c: {  	s15 =	sshll.u32 s0, $0xA;
	s2 =	sadd.s32 s3, s2  }
0x8d: {  	s2 =	sadd.s32 s2, s15  }
0x8e: {  	[smem:$0x3FA6] =	sst s2  }
0x8f: {  	_ = 	snop  }
0x90: {  	s2 =	sld [smem:$0x3FD0];
	_ =	sdelay $0x2  }
0x91: {  	s16 =	simm.s32 $0xB;
	s4 =	simm.s32 $0x10  }
0x92: {  	[smem:s4], [sflag:s16] =	dma.local [hbm:s2], $0x1  }
0x93: {  	_ =	swait.eq [sflag:s16], $0x1  }
0x94: {  	[sflag:s16] =	ssyncset.done $0x0  }
0x95: {  	[sflag:s16] =	ssyncadd.s32 $0xFFFFFFFF  }
0x96: {  	s17 =	sld [smem:$0x10];
	(tm) =	ssettm $0x1  }
0x97: {  	s18 =	sld [smem:$0x3FFB];
	_ =	sdelay $0x3  }
0x98: {  	_ =	strace s18  }
0x99: {  	s2 =	sld [smem:$0x3FFC];
	_ =	sdelay $0x3  }
0x9a: {  	_ =	strace s2  }
0x9b: {  	s2 =	sld [smem:$0x3FFD];
	_ =	sdelay $0x3  }
0x9c: {  	_ =	strace s2  }
0x9d: {  	_ =	strace $0x8FFFFFFF  }
0x9e: {  	s19 =	sld [smem:$0x3FDB];
	_ =	sdelay $0x1  }
0x9f: {  	s20 =	simm.s32 $_scs_section_size  }
0xa0: {  	s5 =	simm.s32 $_size__tile_overlayer_lowered;
	s6 =	simm.s32 $_tile_overlayer_lowered  }
0xa1: {  	s7 =	simm.s32 $0x1BFF;
	s21 =	sshll.u32 s6, $0x1;
	s4 =	sadd.s32 s20, s19  }
0xa2: {  	s22 =	simm.s32 $0x0;
	s5 =	sshll.u32 s5, $0x1;
	s6 =	sadd.s32 s21, s4  }
0xa3: {  	[timem:s22], [sflag:s7] =	dma.local [hbm:s6], s5  }
0xa4: {  	_ =	swait.ge [sflag:s7], s5  }
0xa5: {  	s5 =	ssub.s32 $0x0, s5;
	[sflag:s7] =	ssyncset.done $0x0  }
0xa6: {  	[sflag:s7] =	ssyncadd.s32 s5;
	_ =	sdelay $0x1  }
0xa7: {  	s23 =	simm.s32 $0x1B8B  }
0xa8: {  	_ =	swait.ge [sflag:s23], $0x1  }
0xa9: {  	[sflag:s23] =	ssyncset.done $0x0  }
0xaa: {  	[sflag:s23] =	ssyncadd.s32 $0xFFFFFFFF  }
0xab: {  	s5 =	sld [smem:$0x0]  }
0xac: {  	s6 =	sand.u32 $0xFFFFFFFE, s1  }
0xad: {  	p0 =	sne.s32 s1, s6  }
0xae: {  	s6 =	sshll.u32 @p0 s6, $0xE  }
0xaf: {  	s6 =	sadd.s32 @p0 $0x11B8D, s6;
	s7 =	sshll.u32 @p0 s5, $0x11  }
0xb0: {  	s6 =	sor.u32 @p0 s7, s6  }
0xb1: {  	[sflag:s6] =	ssyncadd.remote.s32 @p0 $0x1;
	_ =	sdelay $0x1  }
0xb2: {  	s6 =	simm.s32 @p0 $0x1B8D  }
0xb3: {  	_ =	swait.eq @p0 [sflag:s6], $0x1  }
0xb4: {  	[sflag:s6] =	ssyncadd.s32 @p0 $0xFFFFFFFF  }
0xb5: {  	s7 =	sshll.u32 @!p0 s1, $0xE  }
0xb6: {  	s7 =	sor.u32 @!p0 $0x4000, s7;
	s6 =	simm.s32 @!p0 $0x1B8D  }
0xb7: {  	s5 =	sshll.u32 @!p0 s5, $0x11;
	s7 =	sadd.s32 @!p0 $0x11B8D, s7;
	_ =	swait.eq @!p0 [sflag:s6], $0x1  }
0xb8: {  	s5 =	sor.u32 @!p0 s5, s7;
	[sflag:s6] =	ssyncadd.s32 @!p0 $0xFFFFFFFF  }
0xb9: {  	s25 =	simm.s32 $0x1B8E;
	s24 =	sld [smem:$0x3FFE];
	[sflag:s5] =	ssyncadd.remote.s32 @!p0 $0x1  }
0xba: {  	s26 =	simm.s32 $execute0_lowered;
	[smem:$0x3FD2] =	sst s25  }
0xbb: {  	s6 =	sshll.u32 s26, $0x1;
	_ =	strace $0x80000055;
	[dreg:$0x1] =	wrdreg $0xFFFFFFFF  }
0xbc: {  	s28 =	simm.s32 $_size_execute0_lowered;
	s4 =	sadd.s32 s4, s6;
	[dreg:$0x0] =	wrdreg $0x0  }
0xbd: {  	s6 =	sshll.u32 s28, $0x1;
	[dreg:$0x2] =	wrdreg s4  }
0xbe: {  	[dreg:$0x3] =	wrdreg s6  }
0xbf: {  	[dreg:$0x4] =	wrdreg $0xC0  }
0xc0: {  	_ =	task [dreg:s22], $0x5FFFF  }
0xc1: {  	[dreg:$0x1] =	wrdreg $0xFFFFFFFF  }
0xc2: {  	[dreg:$0x0] =	wrdreg $0x60  }
0xc3: {  	[dreg:$0x2] =	wrdreg s24  }
0xc4: {  	[dreg:$0x3] =	wrdreg s17  }
0xc5: {  	[dreg:$0x4] =	wrdreg $0x9  }
0xc6: {  	_ =	task.clear_ibuf [dreg:s22], $0x5FFFF;
	_ =	strace $0x90000055  }
0xc7: {  	s29 =	simm.s32 $0x9;
	_ =	strace $0x80000057  }
0xc8: {  	_ =	swait.ge [sflag:s29], $0x1  }
0xc9: {  	[sflag:s29] =	ssyncadd.s32 $0xFFFFFFFF  }
0xca: {  	_ =	strace $0x90000057  }
0xcb: {  	_ =	sfence  }
0xcc: {  	s30 =	sld [smem:$0x0];
	_ =	sdelay $0x2  }
0xcd: {  	s31 =	sshll.u32 s1, $0xD;
	s1 =	sshrl.u32 s1, $0x2  }
0xce: {  	s4 =	sand.u32 $0x4000, s31;
	s1 =	sadd.s32 s1, s30  }
0xcf: {  	s0 =	sor.u32 s4, s0;
	s1 =	sshll.u32 s1, $0x11  }
0xd0: {  	s0 =	sor.u32 s1, s0  }
0xd1: {  	s0 =	sadd.s32 $0x8F2B, s0  }
0xd2: {  	[sflag:s0] =	ssyncadd.remote.s32 $0x1  }
0xd3: {  	_ =	sfence.sel $0xFFFF  }
0xd4: {  	[dreg:$0x0] =	wrdreg $0xFFFFFFFF;
	(pc) =	sbr.abs _section_cstart, $3  }
0xd5: {  	[dreg:$0x1] =	wrdreg $0xFFFFFFFF  }
0xd6: {  	_ =	task.clear_ibuf [dreg:s22], $0x2FFFF;
	_ =	strace $0x9FFFFFFF  }
0xd7: {  	(tm) =	ssettm $0x7FFFFFFF  }
tec
execute0_lowered:
.L_overlay_start_1:
0x0: {  	(tag) =	ssettag $0x1  }
0x1: {  	s0 =	srdreg.scid  }
0x2: {  	s1 =	sshll.u32 s0, $0x4  }
0x3: {  	s0 =	stileid.u32;
	s1 =	sand.u32 $0x10, s1  }
0x4: {  	s2 =	sor.u32 s0, s1  }
0x5: {  	s1 =	smin.u32 s2, $0x12  }
0x6: {  	s1 =	sadd.s32 s2, s1  }
0x7: {  	p0 =	slt.u32 s2, $0x12;
	s2 =	simm.s32 $0x140;
	s1 =	smul.u32 $0xA0, s1  }
0x8: {  	s2 =	simm.s32 @!p0 $0xA0  }
0x9: {  	s2 =	sadd.s32 s2, s1  }
0xa: {  	s3 =	smin.u32 s2, $0x1F40  }
0xb: {  	s7 =	ssub.s32 s3, s1  }
0xc: {  	p0 =	sgt.s32 s7, $0x0  }
0xd: {  	s7 =	simm.s32 @!p0 $0x0  }
0xe: {  	s9 =	rddreg [dreg:$0x0];
	s31 =	smul.u32 $0xCCCD, s7  }
0xf: {  	s4 =	rddreg [dreg:$0x1];
	s6 =	simm.s32 $0x1  }
0x10: {  	s11 =	simm.s32 $0x3;
	s13 =	simm.s32 $0x0;
	s8 =	sshrl.u32 s31, $0x17  }
0x11: {  	s12 =	simm.s32 $0x0;
	s5 =	sadd.s32 $0x142C00, s9;
	s10 =	smul.u32 $0xA0, s8  }
.Ltmp0:
0x12: {  	s9 =	sadd.s32 $0x9800, s9;
	s2 =	rddreg [dreg:$0x2];
	(pc) =	sbr.rel .LBB2_1-.Ltmp0, $4  }
0x13: {  	_ =	strace $0x80000056;
	p0 =	sne.s32 s7, s10;
	s10 =	simm.s32 $0x1  }
0x14: {  	[sflag:s6] =	ssyncpa.u1 $0x0;
	s7 =	simm.s32 $0x2;
	s10 =	simm.s32 @!p0 $0x0  }
0x15: {  	[sflag:s7] =	ssyncpa.u1 $0x0;
	p0 =	por $0x0, $0x0;
	s8 =	sadd.s32 s8, s10  }
0x16: {  	vm0 =	vmmov $0xff;
	vm1 =	vcmask $0x3F20;
	[sflag:s11] =	ssyncpa.u1 $0x0;
	s11 =	smov.u32 s1;
	s10 =	sadd.s32 $0x1, s8  }
.LBB2_6:
0x17: {  	[hbm:s17] =	stream.linear.scatter [tilespmem:s14], [sflag:$0x3], $0x400, $0x38;
	[tilespmem:$0xA140] =	vst v63  }
.LBB2_7:
0x18: {  	s13 =	sadd.s32 $0xA0, s11  }
0x19: {  	s15 =	smov.u32 s1;
	p2 =	slt.s32 s13, s3  }
0x1a: {  	s15 =	smov.u32 @p2 s13;
	p2 =	sne.s32 s12, s10  }
.Ltmp1:
0x1b: {  	p1 =	slt.u32 s12, $0x2;
	(pc) =	sbr.rel @!p2 .LBB2_8-.Ltmp1, $4  }
0x1c: {  	s14 =	simm.s32 @!p1 $0x3  }
0x1d: {  	s16 =	sadd.s32 $0x1, s12;
	_ =	swait.ge @!p1 [sflag:s14], $0x5000  }
0x1e: {  	p0 =	por !p0, !p0;
	s13 =	smov.u32 s11;
	[sflag:s14] =	ssyncset.done @!p1 $0x0  }
0x1f: {  	s12 =	smov.u32 s16;
	s11 =	smov.u32 s15;
	[sflag:s14] =	ssyncadd.s32 @!p1 $0xFFFFB000  }
.LBB2_1:
0x20: {  	p1 =	sge.u32 s12, s8  }
0x21: {  	s14 =	sxor.u32 @!p1 $0xFFFFFFFF, s12  }
0x22: {  	s14 =	sand.u32 @!p1 $0x1, s14  }
0x23: {  	s14 =	smul.u32 @!p1 $0x280, s14  }
0x24: {  	s31 =	sadd.s32 $0xFFFFFFFF, s12;
	s15 =	sshrl.u32 @!p1 s11, $0x3  }
0x25: {  	s16 =	sand.u32 @!p1 $0x7, s11;
	s15 =	sadd.s32 @!p1 s9, s15;
	s14 =	sshrl.u32 @!p1 s14, $0x2  }
0x26: {  	[tilespmem:s14], [sflag:$0x2] =	stream.linear.gather @!p1 [hbm4b:s15+s16], $0xA0, $0x38;
	[tilespmem:$0xA140] =	vst v63  }
0x27: {  	p1 =	sge.u32 s31, s8  }
.Ltmp2:
0x28: {  	_ = 	snop;
	(pc) =	sbr.rel @p1 .LBB2_7-.Ltmp2, $1  }
0x29: {  	_ =	sdelay $0x3  }
0x2a: {  	s14 =	simm.s32 $0x1  }
0x2b: {  	s14 =	simm.s32 @!p0 $0x0  }
0x2c: {  	s15 =	smul.u32 $0x280, s14  }
0x2d: {  	_ =	swait.ge [sflag:s7], $0xA0  }
0x2e: {  	[sflag:s7] =	ssyncset.done $0x0;
	s16 =	sshrl.u32 s15, $0x2  }
0x2f: {  	[sflag:s7] =	ssyncadd.s32 $0xFFFFFF60;
	s15 =	sadd.s32 $0x0, s16  }
0x30: {  	v0 =	vld.msk [tilespmem:s15+$0x0 ss:$0x1], $0xffff;
	_ =	sdelay $0x4  }
0x31: {  	vm2 =	vgt.s32 v0, $0x0  }
0x32: {  	v0 =	vnsel vm2, $0x0, v0  }
0x33: {  	v0 =	vmin.u32 v0, $0x1F3F  }
0x34: {  	v0 =	vshll.u32 v0, $0x4  }
0x35: {  	s14 =	smul.u32 $0x14000, s14;
	_ =	sdelay $0x1  }
0x36: {  	s14 =	sshrl.u32 s14, $0x2  }
0x37: {  	s14 =	sor.u32 $0x140, s14  }
0x38: {  	[tilespmem:s14], [sflag:$0x1] =	stream.indirect_vreg.gather [hbm:s5], $0x80, v0, vm0, $0x38;
	[tilespmem:$0xA140] =	vst v63  }
0x39: {  	s17 =	sadd.s32 $0x10, s16;
	s15 =	sadd.s32 $0x400, s14  }
0x3a: {  	[tilespmem:s15], [sflag:$0x1] =	stream.indirect_vreg.gather [hbm:s5], $0x80, v0, vm1, $0x38;
	[tilespmem:$0xA140] =	vst v63  }
0x3b: {  	s18 =	simm.s32 $0x80;
	v0 =	vld.msk [tilespmem:s17+$0x0 ss:$0x1], $0xffff;
	s17 =	smov.u32 s14  }
.LBB2_3:
0x3c: {  	p1 =	sne.s32 s18, $0x240;
	_ =	sdelay $0x4  }
0x3d: {  	vm2 =	vgt.s32 v0, $0x0  }
0x3e: {  	v0 =	vnsel vm2, $0x0, v0  }
0x3f: {  	v0 =	vmin.u32 v0, $0x1F3F  }
0x40: {  	v0 =	vshll.u32 v0, $0x4;
	_ =	sdelay $0x3  }
.Ltmp3:
0x41: {  	s19 =	sshra.s32 s18, $0x2;
	s17 =	sadd.s32 $0x800, s17;
	(pc) =	sbr.rel @p1 .LBB2_3-.Ltmp3, $4  }
0x42: {  	[tilespmem:s17], [sflag:$0x1] =	stream.indirect_vreg.gather [hbm:s5], $0x80, v0, vm0, $0x38;
	[tilespmem:$0xA140] =	vst v63  }
0x43: {  	s19 =	sadd.s32 s19, s16;
	s20 =	sadd.s32 $0x400, s17  }
0x44: {  	[tilespmem:s20], [sflag:$0x1] =	stream.indirect_vreg.gather [hbm:s5], $0x80, v0, vm1, $0x38;
	[tilespmem:$0xA140] =	vst v63  }
0x45: {  	s18 =	sadd.s32 $0x40, s18;
	v0 =	vld.msk [tilespmem:s19+$0x0 ss:$0x1], $0xffff  }
0x46: {  	_ =	sdelay $0x3  }
0x47: {  	vm2 =	vgt.s32 v0, $0x0  }
0x48: {  	v0 =	vnsel vm2, $0x0, v0  }
0x49: {  	v0 =	vmin.u32 v0, $0x1F3F  }
0x4a: {  	v0 =	vshll.u32 v0, $0x4;
	_ =	sdelay $0x3  }
0x4b: {  	s16 =	sadd.s32 $0x800, s17  }
0x4c: {  	[tilespmem:s16], [sflag:$0x1] =	stream.indirect_vreg.gather [hbm:s5], $0x80, v0, vm0, $0x38;
	[tilespmem:$0xA140] =	vst v63  }
0x4d: {  	s16 =	sadd.s32 $0x400, s16  }
0x4e: {  	[tilespmem:s16], [sflag:$0x1] =	stream.indirect_vreg.gather [hbm:s5], $0x80, v0, vm1, $0x38;
	[tilespmem:$0xA140] =	vst v63  }
0x4f: {  	s13 =	sshll.u32 s13, $0x4;
	_ =	swait.ge [sflag:s6], $0x5000  }
0x50: {  	s13 =	sadd.s32 s13, s4;
	[sflag:s6] =	ssyncset.done $0x0  }
0x51: {  	s17 =	sadd.s32 $0x0, s13;
	s16 =	simm.s32 $0x80;
	[sflag:s6] =	ssyncadd.s32 $0xFFFFB000  }
.LBB2_5:
0x52: {  	[hbm:s17] =	stream.linear.scatter [tilespmem:s14], [sflag:$0x3], $0x400, $0x38;
	[tilespmem:$0xA140] =	vst v63  }
0x53: {  	s17 =	smov.u32 s16;
	s14 =	smov.u32 s15;
	p1 =	sne.s32 s16, $0x980  }
.Ltmp4:
0x54: {  	s16 =	sadd.s32 $0x80, s16;
	(pc) =	sbr.rel @p1 .LBB2_5-.Ltmp4, $2  }
0x55: {  	_ =	sdelay $0x2  }
0x56: {  	s15 =	sadd.s32 $0x400, s15;
	s17 =	sadd.s32 s17, s13  }
.Ltmp5:
0x57: {  	_ = 	snop;
	(pc) =	sbr.rel .LBB2_6-.Ltmp5, $1  }
0x58: {  	_ =	sdelay $0x3  }
.LBB2_8:
0x59: {  	_ =	sfence.sel $0x180000  }
0x5a: {  	s1 =	simm.s32 $0x2;
	[bflag:$0x0] =	sbarrier.arrive $0xFFFF  }
0x5b: {  	s30 =	simm.s32 $0x3;
	[sflag:s1] =	ssyncpa.u1 $0x1  }
0x5c: {  	s31 =	simm.s32 $0x1;
	[sflag:s30] =	ssyncpa.u1 $0x1  }
0x5d: {  	[sflag:s31] =	ssyncpa.u1 $0x1  }
0x5e: {  	p0 =	sne.s32 s0, $0x0;
	_ =	strace $0x90000056  }
0x5f: {  	s0 =	sadd.s32 @!p0 $0x100000, s2;
	[bflag:$0x2] =	sbarrier.arrive $0xFFFF  }
0x60: {  	[sflag:s0] =	ssyncadd.tile.s32 @!p0 $0x1;
	_ =	shalt  }
.Lfunc_end2:
_tile_overlayer_lowered:
.L_overlay_start_2:
0x61: {  	(tag) =	ssettag $0x2  }
0x62: {  	s0 =	rddreg [dreg:$0x0];
	s2 =	stileid.u32  }
0x63: {  	s1 =	rddreg [dreg:$0x1];
	p0 =	sne.s32 s2, $0x0  }
0x64: {  	s3 =	rddreg [dreg:$0x2];
	[bflag:$0x3] =	sbarrier.arrive $0xFFFF;
	s2 =	simm.s32 @!p0 $0x1C01  }
0x65: {  	[timem:s3], [sflag:s2] =	dma.local @!p0 [hbm:s0], s1  }
0x66: {  	s0 =	simm.s32 @!p0 $0x1  }
0x67: {  	_ =	swait.ge @!p0 [sflag:s0], s1  }
0x68: {  	s1 =	ssub.s32 @!p0 $0x0, s1;
	[sflag:s0] =	ssyncset.done @!p0 $0x0  }
0x69: {  	[sflag:s0] =	ssyncadd.s32 @!p0 s1  }
0x6a: {  	[bflag:$0x3] =	sbarrier.arrive $0xFFFF  }
0x6b: {  	_ =	shalt  }

// kernel: gather_offload_async_start.5
scs
__scs_entry_jumppad:
0x0: {  	(pc) =	sbr.rel $0x88, $3  }
0x1: {  	(tag) =	ssettag $0x0;
	lr =	simm.s32 $0x1  }
0x2: {  	[smem:$0x3F7F] =	sst lr;
	_ =	strace $0xD0000000  }
0x3: {  	_ = 	snop  }
0x4: {  	_ = 	snop  }
0x5: {  	_ = 	snop  }
0x6: {  	_ = 	snop  }
0x7: {  	_ = 	snop  }
__scs_overlays_trampoline_lowered:
0x8: {  	[smem:$0x3F8E] =	sst s0  }
0x9: {  	[smem:$0x3F8F] =	sst s1  }
0xa: {  	[smem:$0x3F90] =	sst s2  }
0xb: {  	[smem:$0x3F91] =	sst s3  }
0xc: {  	[smem:$0x3F92] =	sst s4  }
0xd: {  	[smem:$0x3F93] =	sst s5  }
0xe: {  	[smem:$0x3F94] =	sst s6  }
0xf: {  	[smem:$0x3F95] =	sst s7  }
0x10: {  	[smem:$0x3F96] =	sst s8  }
0x11: {  	[smem:$0x3F97] =	sst s9;
	s0 =	simm.s32 @!p0 $0x0  }
0x12: {  	s1 =	sld [smem:$0x3F7D];
	s0 =	simm.s32 @p0 $0x1  }
0x13: {  	[smem:$0x3F98] =	sst s0;
	s0 =	simm.s32 @!p1 $0x0  }
0x14: {  	s2 =	sld [smem:$0x3F7C];
	s0 =	simm.s32 @p1 $0x1  }
0x15: {  	[smem:$0x3F99] =	sst s0;
	s0 =	simm.s32 @!p2 $0x0  }
0x16: {  	s3 =	sld [smem:$0x3FDB];
	s0 =	simm.s32 @p2 $0x1  }
0x17: {  	s4 =	simm.s32 $0x1BF5;
	[smem:$0x3F9B] =	sst s0  }
0x18: {  	s0 =	sld [smem:$0x3F7E];
	_ =	swait.ge [sflag:s4], $0x0  }
0x19: {  	s7 =	sld [smem:$0x3F7F]  }
0x1a: {  	s8 =	sadd.s32 $0xFFFFE003, lr  }
0x1b: {  	s9 =	sadd.s32 $0xFFFFFEF7, lr;
	s5 =	simm.s32 $0xFFFFFFFF;
	p2 =	slt.u32 s8, $0xFFFFF086  }
0x1c: {  	p1 =	slt.u32 s9, $0xF7A;
	s5 =	simm.s32 @!p2 $0x0  }
0x1d: {  	s5 =	simm.s32 @p1 $0x1;
	p0 =	seq.s32 s7, s2  }
0x1e: {  	s7 =	smul.u32 @!p0 $0xF7A, s2;
	p2 =	seq.s32 @!p0 s5, $0x0  }
0x1f: {  	s9 =	smul.u32 $0xF7A, s1;
	s8 =	simm.s32 @!p0 $0x1BF5;
	p2 =	por !p2, p0  }
0x20: {  	[sflag:s8] =	ssyncset.s32 @!p0 $0xFFFFF086;
	s6 =	sadd.s32 @!p0 s3, s7;
	s7 =	simm.s32 @!p0 $0x108  }
0x21: {  	s3 =	sadd.s32 s3, s9;
	s6 =	sadd.s32 @!p0 $0x88, s6;
	s7 =	simm.s32 @p2 $0x1082  }
0x22: {  	[simem:s7], [sflag:s8] =	dma.local @!p0 [hbm:s6], $0xF7A  }
0x23: {  	s9 =	sor.u32 $0xD0000000, s2;
	s6 =	simm.s32 $0x108;
	_ =	swait.ge @!p0 [sflag:s8], $0x0  }
0x24: {  	s3 =	sadd.s32 $0x88, s3;
	s6 =	simm.s32 @!p1 $0x1082;
	[sflag:s4] =	ssyncset.s32 $0xFFFFF086  }
0x25: {  	[simem:s6], [sflag:s4] =	dma.local [hbm:s3], $0xF7A  }
0x26: {  	[smem:$0x3F7F] =	sst s1;
	(tag) =	ssettag s2;
	_ =	strace s9  }
0x27: {  	s1 =	sld [smem:$0x3F8F]  }
0x28: {  	s2 =	sld [smem:$0x3F90]  }
0x29: {  	s4 =	sld [smem:$0x3F92]  }
0x2a: {  	p0 =	seq.s32 s5, $0x0;
	s5 =	sld [smem:$0x3F93]  }
0x2b: {  	s6 =	sld [smem:$0x3F94]  }
0x2c: {  	s7 =	sld [smem:$0x3F95]  }
0x2d: {  	s3 =	simm.s32 $0x108;
	s8 =	sld [smem:$0x3F96]  }
0x2e: {  	s3 =	simm.s32 @!p0 $0x1082;
	s9 =	sld [smem:$0x3F97]  }
0x2f: {  	lr =	sadd.s32 s0, s3;
	s0 =	sld [smem:$0x3F8E]  }
0x30: {  	s3 =	sld [smem:$0x3F91]  }
0x31: {  	[smem:$0x3F9A] =	sst s10  }
0x32: {  	s10 =	sld [smem:$0x3F98];
	_ =	sdelay $0x3  }
0x33: {  	p0 =	seq.s32 s10, $0x1;
	s10 =	sld [smem:$0x3F9A];
	_ =	sdelay $0x3  }
0x34: {  	[smem:$0x3F9A] =	sst s10  }
0x35: {  	s10 =	sld [smem:$0x3F99];
	_ =	sdelay $0x3  }
0x36: {  	p1 =	seq.s32 s10, $0x1;
	s10 =	sld [smem:$0x3F9A];
	_ =	sdelay $0x3  }
0x37: {  	[smem:$0x3F9A] =	sst s10  }
0x38: {  	s10 =	sld [smem:$0x3F9B]  }
0x39: {  	_ = 	snop;
	(pc) =	sbr.ind lr, $3  }
0x3a: {  	_ = 	snop  }
0x3b: {  	_ = 	snop  }
0x3c: {  	p2 =	seq.s32 s10, $0x1;
	s10 =	sld [smem:$0x3F9A]  }
0x3d: {  	_ =	shalt  }
0x3e: {  	_ =	shalt  }
0x3f: {  	_ =	shalt  }
0x40: {  	_ =	shalt  }
0x41: {  	_ =	shalt  }
0x42: {  	_ =	shalt  }
0x43: {  	_ =	shalt  }
0x44: {  	_ =	shalt  }
0x45: {  	_ =	shalt  }
0x46: {  	_ =	shalt  }
0x47: {  	_ =	shalt  }
0x48: {  	_ =	shalt  }
0x49: {  	_ =	shalt  }
0x4a: {  	_ =	shalt  }
0x4b: {  	_ =	shalt  }
0x4c: {  	_ =	shalt  }
0x4d: {  	_ =	shalt  }
0x4e: {  	_ =	shalt  }
0x4f: {  	_ =	shalt  }
0x50: {  	_ =	shalt  }
0x51: {  	_ =	shalt  }
0x52: {  	_ =	shalt  }
0x53: {  	_ =	shalt  }
0x54: {  	_ =	shalt  }
0x55: {  	_ =	shalt  }
0x56: {  	_ =	shalt  }
0x57: {  	_ =	shalt  }
0x58: {  	_ =	shalt  }
0x59: {  	_ =	shalt  }
0x5a: {  	_ =	shalt  }
0x5b: {  	_ =	shalt  }
0x5c: {  	_ =	shalt  }
0x5d: {  	_ =	shalt  }
0x5e: {  	_ =	shalt  }
0x5f: {  	_ =	shalt  }
0x60: {  	_ =	shalt  }
0x61: {  	_ =	shalt  }
0x62: {  	_ =	shalt  }
0x63: {  	_ =	shalt  }
0x64: {  	_ =	shalt  }
0x65: {  	_ =	shalt  }
0x66: {  	_ =	shalt  }
0x67: {  	_ =	shalt  }
0x68: {  	_ =	shalt  }
0x69: {  	_ =	shalt  }
0x6a: {  	_ =	shalt  }
0x6b: {  	_ =	shalt  }
0x6c: {  	_ =	shalt  }
0x6d: {  	_ =	shalt  }
0x6e: {  	_ =	shalt  }
0x6f: {  	_ =	shalt  }
0x70: {  	_ =	shalt  }
0x71: {  	_ =	shalt  }
0x72: {  	_ =	shalt  }
0x73: {  	_ =	shalt  }
0x74: {  	_ =	shalt  }
0x75: {  	_ =	shalt  }
0x76: {  	_ =	shalt  }
0x77: {  	_ =	shalt  }
0x78: {  	_ =	shalt  }
0x79: {  	_ =	shalt  }
0x7a: {  	_ =	shalt  }
0x7b: {  	_ =	shalt  }
0x7c: {  	_ =	shalt  }
0x7d: {  	_ =	shalt  }
0x7e: {  	_ =	shalt  }
0x7f: {  	_ =	shalt  }
0x80: {  	_ =	shalt  }
0x81: {  	_ =	shalt  }
0x82: {  	_ =	shalt  }
0x83: {  	_ =	shalt  }
0x84: {  	_ =	shalt  }
0x85: {  	_ =	shalt  }
0x86: {  	_ =	shalt  }
0x87: {  	_ =	shalt  }
.Lfunc_end0:
.L_simem_size_0:
called_computation.5_lowered:
.L_overlay_start_0:
0x88: {  	s2 =	sld [smem:$0x3FD9]  }
0x89: {  	s3 =	sld [smem:$0x3FFE];
	_ =	sdelay $0x1  }
0x8a: {  	s1 =	srdreg.scid  }
0x8b: {  	s0 =	sand.u32 $0x1, s1  }
0x8c: {  	s16 =	sshll.u32 s0, $0xA;
	s2 =	sadd.s32 s3, s2  }
0x8d: {  	s2 =	sadd.s32 s2, s16  }
0x8e: {  	[smem:$0x3FA6] =	sst s2  }
0x8f: {  	_ = 	snop  }
0x90: {  	(tm) =	ssettm $0x1  }
0x91: {  	s17 =	sld [smem:$0x3FFB];
	_ =	sdelay $0x3  }
0x92: {  	_ =	strace s17  }
0x93: {  	s2 =	sld [smem:$0x3FFC];
	_ =	sdelay $0x3  }
0x94: {  	_ =	strace s2  }
0x95: {  	s2 =	sld [smem:$0x3FFD];
	_ =	sdelay $0x3  }
0x96: {  	_ =	strace s2  }
0x97: {  	_ =	strace $0x8FFFFFFF  }
0x98: {  	s18 =	sld [smem:$0x3FDB];
	_ =	sdelay $0x1  }
0x99: {  	s19 =	simm.s32 $_scs_section_size  }
0x9a: {  	s4 =	simm.s32 $_size__tile_overlayer_lowered;
	s5 =	simm.s32 $_tile_overlayer_lowered  }
0x9b: {  	s22 =	simm.s32 $0x1BFF;
	s21 =	sshll.u32 s5, $0x1;
	s2 =	sadd.s32 s19, s18  }
0x9c: {  	s6 =	simm.s32 $0x0;
	s20 =	sshll.u32 s4, $0x1;
	s4 =	sadd.s32 s21, s2  }
0x9d: {  	[timem:s6], [sflag:s22] =	dma.local [hbm:s4], s20  }
0x9e: {  	_ =	swait.ge [sflag:s22], s20  }
0x9f: {  	s3 =	ssub.s32 $0x0, s20;
	[sflag:s22] =	ssyncset.done $0x0  }
0xa0: {  	[sflag:s22] =	ssyncadd.s32 s3;
	_ =	sdelay $0x1  }
0xa1: {  	s23 =	simm.s32 $0x1B8B  }
0xa2: {  	_ =	swait.ge [sflag:s23], $0x1  }
0xa3: {  	[sflag:s23] =	ssyncset.done $0x0  }
0xa4: {  	s25 =	simm.s32 $0x1B8E;
	s24 =	sld [smem:$0x3FFE];
	[sflag:s23] =	ssyncadd.s32 $0xFFFFFFFF  }
0xa5: {  	s26 =	simm.s32 $execute0_lowered;
	[smem:$0x3FD2] =	sst s25  }
0xa6: {  	s4 =	sshll.u32 s26, $0x1;
	_ =	strace $0x80000052;
	[dreg:$0x1] =	wrdreg $0xFFFFFFFF  }
0xa7: {  	s28 =	simm.s32 $_size_execute0_lowered;
	s2 =	sadd.s32 s2, s4;
	[dreg:$0x0] =	wrdreg $0x0  }
0xa8: {  	s4 =	sshll.u32 s28, $0x1;
	[dreg:$0x2] =	wrdreg s2  }
0xa9: {  	[dreg:$0x3] =	wrdreg s4  }
0xaa: {  	[dreg:$0x4] =	wrdreg $0xC0  }
0xab: {  	_ =	task [dreg:s6], $0x5FFFF  }
0xac: {  	[dreg:$0x1] =	wrdreg $0xFFFFFFFF  }
0xad: {  	[dreg:$0x0] =	wrdreg $0x60  }
0xae: {  	[dreg:$0x2] =	wrdreg s24  }
0xaf: {  	[dreg:$0x3] =	wrdreg $0xA  }
0xb0: {  	_ =	task.clear_ibuf [dreg:s6], $0x4FFFF;
	_ =	strace $0x90000052  }
0xb1: {  	s29 =	simm.s32 $0xA;
	_ =	strace $0x80000054  }
0xb2: {  	_ =	swait.ge [sflag:s29], $0x1  }
0xb3: {  	[sflag:s29] =	ssyncadd.s32 $0xFFFFFFFF  }
0xb4: {  	_ =	strace $0x90000054  }
0xb5: {  	_ =	sfence  }
0xb6: {  	s30 =	sld [smem:$0x0];
	_ =	sdelay $0x2  }
0xb7: {  	s31 =	sshll.u32 s1, $0xD;
	s1 =	sshrl.u32 s1, $0x2  }
0xb8: {  	s3 =	sand.u32 $0x4000, s31;
	s1 =	sadd.s32 s1, s30  }
0xb9: {  	s0 =	sor.u32 s3, s0;
	s1 =	sshll.u32 s1, $0x11  }
0xba: {  	s0 =	sor.u32 s1, s0  }
0xbb: {  	s0 =	sadd.s32 $0x8F2B, s0  }
0xbc: {  	[sflag:s0] =	ssyncadd.remote.s32 $0x1  }
0xbd: {  	_ =	sfence.sel $0xFFFF  }
0xbe: {  	[dreg:$0x0] =	wrdreg $0xFFFFFFFF;
	(pc) =	sbr.abs _section_cstart, $3  }
0xbf: {  	[dreg:$0x1] =	wrdreg $0xFFFFFFFF  }
0xc0: {  	_ =	task.clear_ibuf [dreg:s6], $0x2FFFF;
	_ =	strace $0x9FFFFFFF  }
0xc1: {  	(tm) =	ssettm $0x7FFFFFFF  }
tec
execute0_lowered:
.L_overlay_start_1:
0x0: {  	(tag) =	ssettag $0x1  }
0x1: {  	s0 =	srdreg.scid  }
0x2: {  	s1 =	sshll.u32 s0, $0x4  }
0x3: {  	s0 =	stileid.u32;
	s1 =	sand.u32 $0x10, s1  }
0x4: {  	s1 =	sor.u32 s0, s1  }
0x5: {  	s2 =	smin.u32 s1, $0x12  }
0x6: {  	s2 =	sadd.s32 s1, s2  }
0x7: {  	p0 =	slt.u32 s1, $0x12;
	s1 =	simm.s32 $0x140;
	s2 =	smul.u32 $0xA0, s2  }
0x8: {  	s1 =	simm.s32 @!p0 $0xA0  }
0x9: {  	s1 =	sadd.s32 s1, s2  }
0xa: {  	s3 =	smin.u32 s1, $0x1F40  }
0xb: {  	s7 =	ssub.s32 s3, s2  }
0xc: {  	p0 =	sgt.s32 s7, $0x0  }
0xd: {  	s7 =	simm.s32 @!p0 $0x0  }
0xe: {  	s4 =	smul.u32 $0xCCCD, s7  }
0xf: {  	s9 =	rddreg [dreg:$0x0];
	s6 =	simm.s32 $0x1;
	s11 =	simm.s32 $0x3  }
0x10: {  	s13 =	simm.s32 $0x0;
	s12 =	simm.s32 $0x0;
	s8 =	sshrl.u32 s4, $0x17  }
0x11: {  	s1 =	rddreg [dreg:$0x1];
	_ =	strace $0x80000053;
	s10 =	smul.u32 $0xA0, s8  }
.Ltmp0:
0x12: {  	s5 =	sadd.s32 $0x9800, s9;
	[sflag:s6] =	ssyncpa.u1 $0x0;
	(pc) =	sbr.rel .LBB2_1-.Ltmp0, $4  }
0x13: {  	s4 =	sadd.s32 $0x123800, s9;
	p0 =	sne.s32 s7, s10;
	s10 =	simm.s32 $0x1  }
0x14: {  	s9 =	sadd.s32 $0x9C00, s9;
	s7 =	simm.s32 $0x2;
	s10 =	simm.s32 @!p0 $0x0  }
0x15: {  	[sflag:s7] =	ssyncpa.u1 $0x0;
	p0 =	por $0x0, $0x0;
	s8 =	sadd.s32 s8, s10  }
0x16: {  	vm0 =	vmmov $0xff;
	vm1 =	vcmask $0x3F20;
	[sflag:s11] =	ssyncpa.u1 $0x0;
	s11 =	smov.u32 s2;
	s10 =	sadd.s32 $0x1, s8  }
.LBB2_6:
0x17: {  	[hbm:s17] =	stream.linear.scatter [tilespmem:s14], [sflag:$0x3], $0x400, $0x38;
	[tilespmem:$0xA140] =	vst v63  }
.LBB2_7:
0x18: {  	s13 =	sadd.s32 $0xA0, s11  }
0x19: {  	s15 =	smov.u32 s2;
	p2 =	slt.s32 s13, s3  }
0x1a: {  	s15 =	smov.u32 @p2 s13;
	p2 =	sne.s32 s12, s10  }
.Ltmp1:
0x1b: {  	p1 =	slt.u32 s12, $0x2;
	(pc) =	sbr.rel @!p2 .LBB2_8-.Ltmp1, $4  }
0x1c: {  	s14 =	simm.s32 @!p1 $0x3  }
0x1d: {  	s16 =	sadd.s32 $0x1, s12;
	_ =	swait.ge @!p1 [sflag:s14], $0x5000  }
0x1e: {  	p0 =	por !p0, !p0;
	s13 =	smov.u32 s11;
	[sflag:s14] =	ssyncset.done @!p1 $0x0  }
0x1f: {  	s12 =	smov.u32 s16;
	s11 =	smov.u32 s15;
	[sflag:s14] =	ssyncadd.s32 @!p1 $0xFFFFB000  }
.LBB2_1:
0x20: {  	p1 =	sge.u32 s12, s8  }
0x21: {  	s14 =	sxor.u32 @!p1 $0xFFFFFFFF, s12  }
0x22: {  	s14 =	sand.u32 @!p1 $0x1, s14  }
0x23: {  	s14 =	smul.u32 @!p1 $0x280, s14  }
0x24: {  	s31 =	sadd.s32 $0xFFFFFFFF, s12;
	s15 =	sshrl.u32 @!p1 s11, $0x3  }
0x25: {  	s16 =	sand.u32 @!p1 $0x7, s11;
	s15 =	sadd.s32 @!p1 s5, s15;
	s14 =	sshrl.u32 @!p1 s14, $0x2  }
0x26: {  	[tilespmem:s14], [sflag:$0x2] =	stream.linear.gather @!p1 [hbm4b:s15+s16], $0xA0, $0x38;
	[tilespmem:$0xA140] =	vst v63  }
0x27: {  	p1 =	sge.u32 s31, s8  }
.Ltmp2:
0x28: {  	_ = 	snop;
	(pc) =	sbr.rel @p1 .LBB2_7-.Ltmp2, $1  }
0x29: {  	_ =	sdelay $0x3  }
0x2a: {  	s14 =	simm.s32 $0x1  }
0x2b: {  	s14 =	simm.s32 @!p0 $0x0  }
0x2c: {  	s15 =	smul.u32 $0x280, s14  }
0x2d: {  	_ =	swait.ge [sflag:s7], $0xA0  }
0x2e: {  	[sflag:s7] =	ssyncset.done $0x0;
	s16 =	sshrl.u32 s15, $0x2  }
0x2f: {  	[sflag:s7] =	ssyncadd.s32 $0xFFFFFF60;
	s15 =	sadd.s32 $0x0, s16  }
0x30: {  	v0 =	vld.msk [tilespmem:s15+$0x0 ss:$0x1], $0xffff;
	_ =	sdelay $0x4  }
0x31: {  	vm2 =	vgt.s32 v0, $0x0  }
0x32: {  	v0 =	vnsel vm2, $0x0, v0  }
0x33: {  	v0 =	vmin.u32 v0, $0x1F3F  }
0x34: {  	v0 =	vshll.u32 v0, $0x4  }
0x35: {  	s14 =	smul.u32 $0x14000, s14;
	_ =	sdelay $0x1  }
0x36: {  	s14 =	sshrl.u32 s14, $0x2  }
0x37: {  	s14 =	sor.u32 $0x140, s14  }
0x38: {  	[tilespmem:s14], [sflag:$0x1] =	stream.indirect_vreg.gather [hbm:s4], $0x80, v0, vm0, $0x38;
	[tilespmem:$0xA140] =	vst v63  }
0x39: {  	s17 =	sadd.s32 $0x10, s16;
	s15 =	sadd.s32 $0x400, s14  }
0x3a: {  	[tilespmem:s15], [sflag:$0x1] =	stream.indirect_vreg.gather [hbm:s4], $0x80, v0, vm1, $0x38;
	[tilespmem:$0xA140] =	vst v63  }
0x3b: {  	s18 =	simm.s32 $0x80;
	v0 =	vld.msk [tilespmem:s17+$0x0 ss:$0x1], $0xffff;
	s17 =	smov.u32 s14  }
.LBB2_3:
0x3c: {  	p1 =	sne.s32 s18, $0x240;
	_ =	sdelay $0x4  }
0x3d: {  	vm2 =	vgt.s32 v0, $0x0  }
0x3e: {  	v0 =	vnsel vm2, $0x0, v0  }
0x3f: {  	v0 =	vmin.u32 v0, $0x1F3F  }
0x40: {  	v0 =	vshll.u32 v0, $0x4;
	_ =	sdelay $0x3  }
.Ltmp3:
0x41: {  	s19 =	sshra.s32 s18, $0x2;
	s17 =	sadd.s32 $0x800, s17;
	(pc) =	sbr.rel @p1 .LBB2_3-.Ltmp3, $4  }
0x42: {  	[tilespmem:s17], [sflag:$0x1] =	stream.indirect_vreg.gather [hbm:s4], $0x80, v0, vm0, $0x38;
	[tilespmem:$0xA140] =	vst v63  }
0x43: {  	s19 =	sadd.s32 s19, s16;
	s20 =	sadd.s32 $0x400, s17  }
0x44: {  	[tilespmem:s20], [sflag:$0x1] =	stream.indirect_vreg.gather [hbm:s4], $0x80, v0, vm1, $0x38;
	[tilespmem:$0xA140] =	vst v63  }
0x45: {  	s18 =	sadd.s32 $0x40, s18;
	v0 =	vld.msk [tilespmem:s19+$0x0 ss:$0x1], $0xffff  }
0x46: {  	_ =	sdelay $0x3  }
0x47: {  	vm2 =	vgt.s32 v0, $0x0  }
0x48: {  	v0 =	vnsel vm2, $0x0, v0  }
0x49: {  	v0 =	vmin.u32 v0, $0x1F3F  }
0x4a: {  	v0 =	vshll.u32 v0, $0x4;
	_ =	sdelay $0x3  }
0x4b: {  	s16 =	sadd.s32 $0x800, s17  }
0x4c: {  	[tilespmem:s16], [sflag:$0x1] =	stream.indirect_vreg.gather [hbm:s4], $0x80, v0, vm0, $0x38;
	[tilespmem:$0xA140] =	vst v63  }
0x4d: {  	s16 =	sadd.s32 $0x400, s16  }
0x4e: {  	[tilespmem:s16], [sflag:$0x1] =	stream.indirect_vreg.gather [hbm:s4], $0x80, v0, vm1, $0x38;
	[tilespmem:$0xA140] =	vst v63  }
0x4f: {  	s13 =	sshll.u32 s13, $0x4;
	_ =	swait.ge [sflag:s6], $0x5000  }
0x50: {  	s13 =	sadd.s32 s13, s9;
	[sflag:s6] =	ssyncset.done $0x0  }
0x51: {  	s17 =	sadd.s32 $0x0, s13;
	s16 =	simm.s32 $0x80;
	[sflag:s6] =	ssyncadd.s32 $0xFFFFB000  }
.LBB2_5:
0x52: {  	[hbm:s17] =	stream.linear.scatter [tilespmem:s14], [sflag:$0x3], $0x400, $0x38;
	[tilespmem:$0xA140] =	vst v63  }
0x53: {  	s17 =	smov.u32 s16;
	s14 =	smov.u32 s15;
	p1 =	sne.s32 s16, $0x980  }
.Ltmp4:
0x54: {  	s16 =	sadd.s32 $0x80, s16;
	(pc) =	sbr.rel @p1 .LBB2_5-.Ltmp4, $2  }
0x55: {  	_ =	sdelay $0x2  }
0x56: {  	s15 =	sadd.s32 $0x400, s15;
	s17 =	sadd.s32 s17, s13  }
.Ltmp5:
0x57: {  	_ = 	snop;
	(pc) =	sbr.rel .LBB2_6-.Ltmp5, $1  }
0x58: {  	_ =	sdelay $0x3  }
.LBB2_8:
0x59: {  	_ =	sfence.sel $0x180000  }
0x5a: {  	s2 =	simm.s32 $0x2;
	[bflag:$0x0] =	sbarrier.arrive $0xFFFF  }
0x5b: {  	s30 =	simm.s32 $0x3;
	[sflag:s2] =	ssyncpa.u1 $0x1  }
0x5c: {  	s31 =	simm.s32 $0x1;
	[sflag:s30] =	ssyncpa.u1 $0x1  }
0x5d: {  	[sflag:s31] =	ssyncpa.u1 $0x1  }
0x5e: {  	p0 =	sne.s32 s0, $0x0;
	_ =	strace $0x90000053  }
0x5f: {  	s0 =	sadd.s32 @!p0 $0x100000, s1;
	[bflag:$0x2] =	sbarrier.arrive $0xFFFF  }
0x60: {  	[sflag:s0] =	ssyncadd.tile.s32 @!p0 $0x1;
	_ =	shalt  }
.Lfunc_end2:
_tile_overlayer_lowered:
.L_overlay_start_2:
0x61: {  	(tag) =	ssettag $0x2  }
0x62: {  	s0 =	rddreg [dreg:$0x0];
	s2 =	stileid.u32  }
0x63: {  	s1 =	rddreg [dreg:$0x1];
	p0 =	sne.s32 s2, $0x0  }
0x64: {  	s3 =	rddreg [dreg:$0x2];
	[bflag:$0x3] =	sbarrier.arrive $0xFFFF;
	s2 =	simm.s32 @!p0 $0x1C01  }
0x65: {  	[timem:s3], [sflag:s2] =	dma.local @!p0 [hbm:s0], s1  }
0x66: {  	s0 =	simm.s32 @!p0 $0x1  }
0x67: {  	_ =	swait.ge @!p0 [sflag:s0], s1  }
0x68: {  	s1 =	ssub.s32 @!p0 $0x0, s1;
	[sflag:s0] =	ssyncset.done @!p0 $0x0  }
0x69: {  	[sflag:s0] =	ssyncadd.s32 @!p0 s1  }
0x6a: {  	[bflag:$0x3] =	sbarrier.arrive $0xFFFF  }
0x6b: {  	_ =	shalt  }

// kernel: gather_offload_async_start
scs
__scs_entry_jumppad:
0x0: {  	(pc) =	sbr.rel $0x88, $3  }
0x1: {  	(tag) =	ssettag $0x0;
	lr =	simm.s32 $0x1  }
0x2: {  	[smem:$0x3F7F] =	sst lr;
	_ =	strace $0xD0000000  }
0x3: {  	_ = 	snop  }
0x4: {  	_ = 	snop  }
0x5: {  	_ = 	snop  }
0x6: {  	_ = 	snop  }
0x7: {  	_ = 	snop  }
__scs_overlays_trampoline_lowered:
0x8: {  	[smem:$0x3F8E] =	sst s0  }
0x9: {  	[smem:$0x3F8F] =	sst s1  }
0xa: {  	[smem:$0x3F90] =	sst s2  }
0xb: {  	[smem:$0x3F91] =	sst s3  }
0xc: {  	[smem:$0x3F92] =	sst s4  }
0xd: {  	[smem:$0x3F93] =	sst s5  }
0xe: {  	[smem:$0x3F94] =	sst s6  }
0xf: {  	[smem:$0x3F95] =	sst s7  }
0x10: {  	[smem:$0x3F96] =	sst s8  }
0x11: {  	[smem:$0x3F97] =	sst s9;
	s0 =	simm.s32 @!p0 $0x0  }
0x12: {  	s1 =	sld [smem:$0x3F7D];
	s0 =	simm.s32 @p0 $0x1  }
0x13: {  	[smem:$0x3F98] =	sst s0;
	s0 =	simm.s32 @!p1 $0x0  }
0x14: {  	s2 =	sld [smem:$0x3F7C];
	s0 =	simm.s32 @p1 $0x1  }
0x15: {  	[smem:$0x3F99] =	sst s0;
	s0 =	simm.s32 @!p2 $0x0  }
0x16: {  	s3 =	sld [smem:$0x3FDB];
	s0 =	simm.s32 @p2 $0x1  }
0x17: {  	s4 =	simm.s32 $0x1BF5;
	[smem:$0x3F9B] =	sst s0  }
0x18: {  	s0 =	sld [smem:$0x3F7E];
	_ =	swait.ge [sflag:s4], $0x0  }
0x19: {  	s7 =	sld [smem:$0x3F7F]  }
0x1a: {  	s8 =	sadd.s32 $0xFFFFE003, lr  }
0x1b: {  	s9 =	sadd.s32 $0xFFFFFEF7, lr;
	s5 =	simm.s32 $0xFFFFFFFF;
	p2 =	slt.u32 s8, $0xFFFFF086  }
0x1c: {  	p1 =	slt.u32 s9, $0xF7A;
	s5 =	simm.s32 @!p2 $0x0  }
0x1d: {  	s5 =	simm.s32 @p1 $0x1;
	p0 =	seq.s32 s7, s2  }
0x1e: {  	s7 =	smul.u32 @!p0 $0xF7A, s2;
	p2 =	seq.s32 @!p0 s5, $0x0  }
0x1f: {  	s9 =	smul.u32 $0xF7A, s1;
	s8 =	simm.s32 @!p0 $0x1BF5;
	p2 =	por !p2, p0  }
0x20: {  	[sflag:s8] =	ssyncset.s32 @!p0 $0xFFFFF086;
	s6 =	sadd.s32 @!p0 s3, s7;
	s7 =	simm.s32 @!p0 $0x108  }
0x21: {  	s3 =	sadd.s32 s3, s9;
	s6 =	sadd.s32 @!p0 $0x88, s6;
	s7 =	simm.s32 @p2 $0x1082  }
0x22: {  	[simem:s7], [sflag:s8] =	dma.local @!p0 [hbm:s6], $0xF7A  }
0x23: {  	s9 =	sor.u32 $0xD0000000, s2;
	s6 =	simm.s32 $0x108;
	_ =	swait.ge @!p0 [sflag:s8], $0x0  }
0x24: {  	s3 =	sadd.s32 $0x88, s3;
	s6 =	simm.s32 @!p1 $0x1082;
	[sflag:s4] =	ssyncset.s32 $0xFFFFF086  }
0x25: {  	[simem:s6], [sflag:s4] =	dma.local [hbm:s3], $0xF7A  }
0x26: {  	[smem:$0x3F7F] =	sst s1;
	(tag) =	ssettag s2;
	_ =	strace s9  }
0x27: {  	s1 =	sld [smem:$0x3F8F]  }
0x28: {  	s2 =	sld [smem:$0x3F90]  }
0x29: {  	s4 =	sld [smem:$0x3F92]  }
0x2a: {  	p0 =	seq.s32 s5, $0x0;
	s5 =	sld [smem:$0x3F93]  }
0x2b: {  	s6 =	sld [smem:$0x3F94]  }
0x2c: {  	s7 =	sld [smem:$0x3F95]  }
0x2d: {  	s3 =	simm.s32 $0x108;
	s8 =	sld [smem:$0x3F96]  }
0x2e: {  	s3 =	simm.s32 @!p0 $0x1082;
	s9 =	sld [smem:$0x3F97]  }
0x2f: {  	lr =	sadd.s32 s0, s3;
	s0 =	sld [smem:$0x3F8E]  }
0x30: {  	s3 =	sld [smem:$0x3F91]  }
0x31: {  	[smem:$0x3F9A] =	sst s10  }
0x32: {  	s10 =	sld [smem:$0x3F98];
	_ =	sdelay $0x3  }
0x33: {  	p0 =	seq.s32 s10, $0x1;
	s10 =	sld [smem:$0x3F9A];
	_ =	sdelay $0x3  }
0x34: {  	[smem:$0x3F9A] =	sst s10  }
0x35: {  	s10 =	sld [smem:$0x3F99];
	_ =	sdelay $0x3  }
0x36: {  	p1 =	seq.s32 s10, $0x1;
	s10 =	sld [smem:$0x3F9A];
	_ =	sdelay $0x3  }
0x37: {  	[smem:$0x3F9A] =	sst s10  }
0x38: {  	s10 =	sld [smem:$0x3F9B]  }
0x39: {  	_ = 	snop;
	(pc) =	sbr.ind lr, $3  }
0x3a: {  	_ = 	snop  }
0x3b: {  	_ = 	snop  }
0x3c: {  	p2 =	seq.s32 s10, $0x1;
	s10 =	sld [smem:$0x3F9A]  }
0x3d: {  	_ =	shalt  }
0x3e: {  	_ =	shalt  }
0x3f: {  	_ =	shalt  }
0x40: {  	_ =	shalt  }
0x41: {  	_ =	shalt  }
0x42: {  	_ =	shalt  }
0x43: {  	_ =	shalt  }
0x44: {  	_ =	shalt  }
0x45: {  	_ =	shalt  }
0x46: {  	_ =	shalt  }
0x47: {  	_ =	shalt  }
0x48: {  	_ =	shalt  }
0x49: {  	_ =	shalt  }
0x4a: {  	_ =	shalt  }
0x4b: {  	_ =	shalt  }
0x4c: {  	_ =	shalt  }
0x4d: {  	_ =	shalt  }
0x4e: {  	_ =	shalt  }
0x4f: {  	_ =	shalt  }
0x50: {  	_ =	shalt  }
0x51: {  	_ =	shalt  }
0x52: {  	_ =	shalt  }
0x53: {  	_ =	shalt  }
0x54: {  	_ =	shalt  }
0x55: {  	_ =	shalt  }
0x56: {  	_ =	shalt  }
0x57: {  	_ =	shalt  }
0x58: {  	_ =	shalt  }
0x59: {  	_ =	shalt  }
0x5a: {  	_ =	shalt  }
0x5b: {  	_ =	shalt  }
0x5c: {  	_ =	shalt  }
0x5d: {  	_ =	shalt  }
0x5e: {  	_ =	shalt  }
0x5f: {  	_ =	shalt  }
0x60: {  	_ =	shalt  }
0x61: {  	_ =	shalt  }
0x62: {  	_ =	shalt  }
0x63: {  	_ =	shalt  }
0x64: {  	_ =	shalt  }
0x65: {  	_ =	shalt  }
0x66: {  	_ =	shalt  }
0x67: {  	_ =	shalt  }
0x68: {  	_ =	shalt  }
0x69: {  	_ =	shalt  }
0x6a: {  	_ =	shalt  }
0x6b: {  	_ =	shalt  }
0x6c: {  	_ =	shalt  }
0x6d: {  	_ =	shalt  }
0x6e: {  	_ =	shalt  }
0x6f: {  	_ =	shalt  }
0x70: {  	_ =	shalt  }
0x71: {  	_ =	shalt  }
0x72: {  	_ =	shalt  }
0x73: {  	_ =	shalt  }
0x74: {  	_ =	shalt  }
0x75: {  	_ =	shalt  }
0x76: {  	_ =	shalt  }
0x77: {  	_ =	shalt  }
0x78: {  	_ =	shalt  }
0x79: {  	_ =	shalt  }
0x7a: {  	_ =	shalt  }
0x7b: {  	_ =	shalt  }
0x7c: {  	_ =	shalt  }
0x7d: {  	_ =	shalt  }
0x7e: {  	_ =	shalt  }
0x7f: {  	_ =	shalt  }
0x80: {  	_ =	shalt  }
0x81: {  	_ =	shalt  }
0x82: {  	_ =	shalt  }
0x83: {  	_ =	shalt  }
0x84: {  	_ =	shalt  }
0x85: {  	_ =	shalt  }
0x86: {  	_ =	shalt  }
0x87: {  	_ =	shalt  }
.Lfunc_end0:
.L_simem_size_0:
called_computation_lowered:
.L_overlay_start_0:
0x88: {  	s2 =	sld [smem:$0x3FD9]  }
0x89: {  	s3 =	sld [smem:$0x3FFE];
	_ =	sdelay $0x1  }
0x8a: {  	s1 =	srdreg.scid  }
0x8b: {  	s0 =	sand.u32 $0x1, s1  }
0x8c: {  	s17 =	sshll.u32 s0, $0xA;
	s2 =	sadd.s32 s3, s2  }
0x8d: {  	s2 =	sadd.s32 s2, s17  }
0x8e: {  	[smem:$0x3FA6] =	sst s2  }
0x8f: {  	_ = 	snop  }
0x90: {  	s2 =	sld [smem:$0x3FA9];
	(tm) =	ssettm $0x1  }
0x91: {  	s18 =	sld [smem:$0x3FFB];
	_ =	sdelay $0x3  }
0x92: {  	_ =	strace s18  }
0x93: {  	s3 =	sld [smem:$0x3FFC];
	_ =	sdelay $0x3  }
0x94: {  	_ =	strace s3  }
0x95: {  	s3 =	sld [smem:$0x3FFD];
	_ =	sdelay $0x3  }
0x96: {  	_ =	strace s3  }
0x97: {  	_ =	strace $0x8FFFFFFF  }
0x98: {  	s19 =	sld [smem:$0x3FDB];
	_ =	sdelay $0x1  }
0x99: {  	s4 =	simm.s32 $_scs_section_size  }
0x9a: {  	s5 =	simm.s32 $_size__tile_overlayer_lowered;
	s6 =	simm.s32 $_tile_overlayer_lowered  }
0x9b: {  	s22 =	simm.s32 $0x1BFF;
	s21 =	sshll.u32 s6, $0x1;
	s3 =	sadd.s32 s4, s19  }
0x9c: {  	s7 =	simm.s32 $0x0;
	s20 =	sshll.u32 s5, $0x1;
	s5 =	sadd.s32 s21, s3  }
0x9d: {  	[timem:s7], [sflag:s22] =	dma.local [hbm:s5], s20  }
0x9e: {  	_ =	swait.ge [sflag:s22], s20  }
0x9f: {  	s4 =	ssub.s32 $0x0, s20;
	[sflag:s22] =	ssyncset.done $0x0  }
0xa0: {  	[sflag:s22] =	ssyncadd.s32 s4;
	_ =	sdelay $0x1  }
0xa1: {  	s23 =	simm.s32 $0x1B8B  }
0xa2: {  	_ =	swait.ge [sflag:s23], $0x1  }
0xa3: {  	[sflag:s23] =	ssyncset.done $0x0  }
0xa4: {  	s25 =	simm.s32 $0x1B8E;
	s24 =	sld [smem:$0x3FFE];
	[sflag:s23] =	ssyncadd.s32 $0xFFFFFFFF  }
0xa5: {  	s26 =	simm.s32 $execute0_lowered;
	[smem:$0x3FD2] =	sst s25  }
0xa6: {  	s5 =	sshll.u32 s26, $0x1;
	_ =	strace $0x80000046;
	[dreg:$0x1] =	wrdreg $0xFFFFFFFF  }
0xa7: {  	s28 =	simm.s32 $_size_execute0_lowered;
	s3 =	sadd.s32 s3, s5;
	[dreg:$0x0] =	wrdreg $0x0  }
0xa8: {  	s5 =	sshll.u32 s28, $0x1;
	[dreg:$0x2] =	wrdreg s3  }
0xa9: {  	[dreg:$0x3] =	wrdreg s5  }
0xaa: {  	[dreg:$0x4] =	wrdreg $0xC0  }
0xab: {  	_ =	task [dreg:s7], $0x5FFFF  }
0xac: {  	[dreg:$0x1] =	wrdreg $0xFFFFFFFF  }
0xad: {  	[dreg:$0x0] =	wrdreg $0x60  }
0xae: {  	[dreg:$0x2] =	wrdreg s2  }
0xaf: {  	[dreg:$0x3] =	wrdreg s24  }
0xb0: {  	[dreg:$0x4] =	wrdreg $0x9  }
0xb1: {  	_ =	task.clear_ibuf [dreg:s7], $0x5FFFF;
	_ =	strace $0x90000046  }
0xb2: {  	s29 =	simm.s32 $0x9;
	_ =	strace $0x80000048  }
0xb3: {  	_ =	swait.ge [sflag:s29], $0x1  }
0xb4: {  	[sflag:s29] =	ssyncadd.s32 $0xFFFFFFFF  }
0xb5: {  	_ =	strace $0x90000048  }
0xb6: {  	_ =	sfence  }
0xb7: {  	s30 =	sld [smem:$0x0];
	_ =	sdelay $0x2  }
0xb8: {  	s31 =	sshll.u32 s1, $0xD;
	s1 =	sshrl.u32 s1, $0x2  }
0xb9: {  	s3 =	sand.u32 $0x4000, s31;
	s1 =	sadd.s32 s1, s30  }
0xba: {  	s0 =	sor.u32 s3, s0;
	s1 =	sshll.u32 s1, $0x11  }
0xbb: {  	s0 =	sor.u32 s1, s0  }
0xbc: {  	s0 =	sadd.s32 $0x8F2B, s0  }
0xbd: {  	[sflag:s0] =	ssyncadd.remote.s32 $0x1  }
0xbe: {  	_ =	sfence.sel $0xFFFF  }
0xbf: {  	[dreg:$0x0] =	wrdreg $0xFFFFFFFF;
	(pc) =	sbr.abs _section_cstart, $3  }
0xc0: {  	[dreg:$0x1] =	wrdreg $0xFFFFFFFF  }
0xc1: {  	_ =	task.clear_ibuf [dreg:s7], $0x2FFFF;
	_ =	strace $0x9FFFFFFF  }
0xc2: {  	(tm) =	ssettm $0x7FFFFFFF  }
0xc3: {  	_ =	shalt  }
tec
execute0_lowered:
.L_overlay_start_1:
0x0: {  	(tag) =	ssettag $0x1  }
0x1: {  	s2 =	rddreg [dreg:$0x0];
	s0 =	stileid.u32  }
0x2: {  	s1 =	srdreg.scid;
	s8 =	rddreg [dreg:$0x1]  }
0x3: {  	s5 =	simm.s32 $0x1;
	s9 =	simm.s32 $0x1;
	s10 =	simm.s32 $0x3  }
0x4: {  	s13 =	simm.s32 $0x0;
	s3 =	sand.u32 $0x1, s1;
	s4 =	sshll.u32 s0, $0x1  }
0x5: {  	s12 =	simm.s32 $0x0;
	s1 =	rddreg [dreg:$0x2];
	s6 =	sor.u32 s4, s3  }
0x6: {  	_ =	strace $0x80000047;
	s3 =	sadd.s32 $0x6800, s8;
	s4 =	smul.u32 $0xA0, s6  }
0x7: {  	[sflag:s5] =	ssyncpa.u1 $0x0;
	p0 =	slt.u32 s6, $0x13;
	s6 =	simm.s32 $0x1400  }
.Ltmp0:
0x8: {  	s6 =	simm.s32 @!p0 $0x0;
	s7 =	ssub.s32 $0x1F40, s4;
	(pc) =	sbr.rel .LBB2_1-.Ltmp0, $4  }
0x9: {  	s9 =	simm.s32 @!p0 $0x0;
	p0 =	sne.s32 s7, s6;
	s7 =	simm.s32 $0x1  }
0xa: {  	s8 =	sadd.s32 $0x9E00, s8;
	s6 =	simm.s32 $0x2;
	s7 =	simm.s32 @!p0 $0x0  }
0xb: {  	s11 =	smov.u32 s4;
	[sflag:s6] =	ssyncpa.u1 $0x0;
	s7 =	sadd.s32 s9, s7  }
0xc: {  	vm0 =	vmmov $0xffff;
	[sflag:s10] =	ssyncpa.u1 $0x0;
	s10 =	simm.s32 $0x0;
	s9 =	sadd.s32 $0x1, s7  }
.LBB2_4:
0xd: {  	v2 =	vnsel vm1, $0x0, v2  }
0xe: {  	vm1 =	vgt.s32 v0, $0x0;
	v2 =	vmin.u32 v2, $0x1F3F  }
0xf: {  	v0 =	vnsel vm1, $0x0, v0  }
0x10: {  	v0 =	vmin.u32 v0, $0x1F3F  }
0x11: {  	[tilespmem:s18], [sflag:$0x1] =	stream.indirect_vreg.gather [hbm4b:s2+s10], $0x1, v1, vm0, $0x4038;
	[tilespmem:$0x280] =	vst v63  }
0x12: {  	(ifvalue) =	ssetifvalue $0x7FFFFFFF  }
0x13: {  	[tilespmem:s15], [sflag:$0x1] =	stream.indirect_vreg.gather [hbm4b:s2+s10], $0x1, v2, vm0, $0x4038;
	[tilespmem:$0x280] =	vst v63  }
0x14: {  	s29 =	sadd.s32 $0x10, s15;
	(ifvalue) =	ssetifvalue $0x7FFFFFFF  }
0x15: {  	[tilespmem:s29], [sflag:$0x1] =	stream.indirect_vreg.gather [hbm4b:s2+s10], $0x1, v0, vm0, $0x4038;
	[tilespmem:$0x280] =	vst v63  }
0x16: {  	_ =	swait.ge [sflag:s5], $0xA0  }
0x17: {  	s30 =	sshrl.u32 s13, $0x3;
	[sflag:s5] =	ssyncset.done $0x0  }
0x18: {  	s31 =	sand.u32 $0x7, s13;
	s15 =	sadd.s32 s8, s30;
	[sflag:s5] =	ssyncadd.s32 $0xFFFFFF60  }
0x19: {  	[hbm4b:s15+s31] =	stream.linear.scatter [tilespmem:s14], [sflag:$0x3], $0xA0, $0x38;
	[tilespmem:$0x280] =	vst v63  }
.LBB2_5:
0x1a: {  	s15 =	sadd.s32 $0x1400, s11  }
0x1b: {  	p1 =	sgt.s32 s15, $0x1F3F  }
0x1c: {  	s15 =	smov.u32 @p1 s4;
	p1 =	sne.s32 s12, s9  }
.Ltmp1:
0x1d: {  	p0 =	slt.u32 s12, $0x2;
	(pc) =	sbr.rel @!p1 .LBB2_6-.Ltmp1, $4  }
0x1e: {  	s14 =	simm.s32 @!p0 $0x3  }
0x1f: {  	_ =	swait.ge @!p0 [sflag:s14], $0xA0  }
0x20: {  	s16 =	sadd.s32 $0x1, s12;
	s13 =	smov.u32 s11;
	[sflag:s14] =	ssyncset.done @!p0 $0x0  }
0x21: {  	s12 =	smov.u32 s16;
	s11 =	smov.u32 s15;
	[sflag:s14] =	ssyncadd.s32 @!p0 $0xFFFFFF60  }
.LBB2_1:
0x22: {  	p0 =	sge.u32 s12, s7  }
0x23: {  	s14 =	sxor.u32 @!p0 $0x1, s12  }
0x24: {  	s14 =	smul.u32 @!p0 $0x280, s14  }
0x25: {  	s31 =	sadd.s32 $0xFFFFFFFF, s12;
	s15 =	sshrl.u32 @!p0 s11, $0x3  }
0x26: {  	s16 =	sand.u32 @!p0 $0x7, s11;
	s15 =	sadd.s32 @!p0 s3, s15;
	s14 =	sshra.s32 @!p0 s14, $0x2  }
0x27: {  	[tilespmem:s14], [sflag:$0x2] =	stream.linear.gather @!p0 [hbm4b:s15+s16], $0xA0, $0x38;
	[tilespmem:$0x280] =	vst v63  }
0x28: {  	p0 =	sge.u32 s31, s7  }
.Ltmp2:
0x29: {  	_ = 	snop;
	(pc) =	sbr.rel @p0 .LBB2_5-.Ltmp2, $1  }
0x2a: {  	_ =	sdelay $0x3  }
0x2b: {  	s14 =	sand.u32 $0x1, s12  }
0x2c: {  	_ =	swait.ge [sflag:s6], $0xA0;
	p0 =	seq.s32 s14, $0x1;
	s14 =	simm.s32 $0xA0  }
0x2d: {  	[sflag:s6] =	ssyncset.done $0x0;
	s14 =	simm.s32 @!p0 $0x0  }
0x2e: {  	[sflag:s6] =	ssyncadd.s32 $0xFFFFFF60;
	(ifvalue) =	ssetifvalue $0x7FFFFFFF;
	v0 =	vld.msk [tilespmem:s14+$0x0 ss:$0x1], $0xffff;
	_ =	sdelay $0x4  }
0x2f: {  	s15 =	sadd.s32 $0x10, s14;
	vm1 =	vgt.s32 v0, $0x0  }
0x30: {  	v2 =	vld.msk [tilespmem:s15+$0x0 ss:$0x1], $0xffff;
	v1 =	vnsel vm1, $0x0, v0  }
0x31: {  	v1 =	vmin.u32 v1, $0x1F3F;
	_ =	sdelay $0x2  }
0x32: {  	s17 =	simm.s32 $0x20;
	s14 =	sor.u32 $0x140, s14;
	s16 =	sadd.s32 $0x10, s15  }
0x33: {  	s15 =	sadd.s32 $0x10, s14;
	s18 =	smov.u32 s14;
	v0 =	vld.msk [tilespmem:s16+$0x0 ss:$0x1], $0xffff;
	vm1 =	vgt.s32 v2, $0x0;
	(ifvalue) =	ssetifvalue $0x7FFFFFFF  }
.LBB2_3:
0x34: {  	[tilespmem:s18], [sflag:$0x1] =	stream.indirect_vreg.gather [hbm4b:s2+s10], $0x1, v1, vm0, $0x4038;
	[tilespmem:$0x280] =	vst v63  }
0x35: {  	s17 =	sadd.s32 $0x10, s17  }
0x36: {  	v2 =	vnsel vm1, $0x0, v2;
	p0 =	slt.u32 s17, $0x90  }
.Ltmp3:
0x37: {  	s18 =	smov.u32 s15;
	v1 =	vmin.u32 v2, $0x1F3F;
	(pc) =	sbr.rel @p0 .LBB2_3-.Ltmp3, $3  }
0x38: {  	_ =	sdelay $0x1  }
0x39: {  	s16 =	sadd.s32 $0x10, s16  }
0x3a: {  	vm1 =	vgt.s32 v0, $0x0;
	s15 =	sadd.s32 $0x10, s15;
	v2 =	vmov v0;
	(ifvalue) =	ssetifvalue $0x7FFFFFFF;
	v0 =	vld.msk [tilespmem:s16+$0x0 ss:$0x1], $0xffff  }
.Ltmp4:
0x3b: {  	_ = 	snop;
	(pc) =	sbr.rel .LBB2_4-.Ltmp4, $1  }
0x3c: {  	_ =	sdelay $0x3  }
.LBB2_6:
0x3d: {  	_ =	sfence.sel $0x180000  }
0x3e: {  	s2 =	simm.s32 $0x2;
	[bflag:$0x0] =	sbarrier.arrive $0xFFFF  }
0x3f: {  	s30 =	simm.s32 $0x3;
	[sflag:s2] =	ssyncpa.u1 $0x1  }
0x40: {  	s31 =	simm.s32 $0x1;
	[sflag:s30] =	ssyncpa.u1 $0x1  }
0x41: {  	[sflag:s31] =	ssyncpa.u1 $0x1  }
0x42: {  	p0 =	sne.s32 s0, $0x0;
	_ =	strace $0x90000047  }
0x43: {  	s0 =	sadd.s32 @!p0 $0x100000, s1;
	[bflag:$0x2] =	sbarrier.arrive $0xFFFF  }
0x44: {  	[sflag:s0] =	ssyncadd.tile.s32 @!p0 $0x1;
	_ =	shalt  }
.Lfunc_end2:
_tile_overlayer_lowered:
.L_overlay_start_2:
0x45: {  	(tag) =	ssettag $0x2  }
0x46: {  	s0 =	rddreg [dreg:$0x0];
	s2 =	stileid.u32  }
0x47: {  	s1 =	rddreg [dreg:$0x1];
	p0 =	sne.s32 s2, $0x0  }
0x48: {  	s3 =	rddreg [dreg:$0x2];
	[bflag:$0x3] =	sbarrier.arrive $0xFFFF;
	s2 =	simm.s32 @!p0 $0x1C01  }
0x49: {  	[timem:s3], [sflag:s2] =	dma.local @!p0 [hbm:s0], s1  }
0x4a: {  	s0 =	simm.s32 @!p0 $0x1  }
0x4b: {  	_ =	swait.ge @!p0 [sflag:s0], s1  }
0x4c: {  	s1 =	ssub.s32 @!p0 $0x0, s1;
	[sflag:s0] =	ssyncset.done @!p0 $0x0  }
0x4d: {  	[sflag:s0] =	ssyncadd.s32 @!p0 s1  }
0x4e: {  	[bflag:$0x3] =	sbarrier.arrive $0xFFFF  }
0x4f: {  	_ =	shalt  }

</sc_bundles>
